<compile_context>
chip_gen: v7x
topology: tpu7x:2x2x1
jax: 0.10.2.dev20260603
libtpu: 0.0.44.dev20260713+nightly
codegen_flags: <defaults>
</compile_context>

<pallas_src>
import functools
import jax
import jax.numpy as jnp
from jax import lax
from jax.experimental import pallas as pl
from jax.experimental.pallas import tpu as pltpu
from jax.experimental.pallas import tpu_sc as plsc

N_NODES = 10000
N_EDGES = 160000
D = 256
DH = 128
NSUB = 16
NP = 10240
STRIPE = NP // NSUB
EPS = N_EDGES // NSUB
B = 128
EPSP = 10240
NB = EPSP // B
NBC = (NB + 2) // 2
MB = 2000
CW = 16


def _sc_mesh():
  return plsc.VectorSubcoreMesh(core_axis_name="c", subcore_axis_name="s")


def _counts(dst3, zeros_h, ones_h):

  @functools.partial(
      pl.kernel,
      mesh=_sc_mesh(),
      out_type=[
          jax.ShapeDtypeStruct((NP, DH), jnp.float32),
          jax.ShapeDtypeStruct((NP, DH), jnp.float32),
      ],
      scratch_types=[
          pltpu.VMEM((NB + 2, B), jnp.int32),
          pltpu.VMEM((B, DH), jnp.float32),
          pltpu.VMEM_SHARED((NP, DH), jnp.float32),
      ],
  )
  def k(dst_hbm, zh_hbm, ones_hbm, cntA_hbm, cntB_hbm, didx, ones_v, cacc):
    cid = lax.axis_index("c")
    sid = lax.axis_index("s")
    r0 = sid * STRIPE
    pltpu.sync_copy(zh_hbm.at[pl.ds(r0, STRIPE)], cacc.at[pl.ds(r0, STRIPE)])
    pltpu.sync_copy(ones_hbm, ones_v)
    pltpu.sync_copy(dst_hbm.at[sid], didx)
    plsc.subcore_barrier()

    def body(g, carry):
      pltpu.sync_copy(ones_v, cacc.at[didx.at[2 * g + cid]], add=True)
      return carry

    lax.fori_loop(0, NBC, body, 0)
    plsc.subcore_barrier()

    @pl.when(cid == 0)
    def _():
      pltpu.sync_copy(cacc.at[pl.ds(r0, STRIPE)],
                      cntA_hbm.at[pl.ds(r0, STRIPE)])

    @pl.when(cid == 1)
    def _():
      pltpu.sync_copy(cacc.at[pl.ds(r0, STRIPE)],
                      cntB_hbm.at[pl.ds(r0, STRIPE)])

  return k(dst3, zeros_h, ones_h)


def _agg(tabL, tabR, src3, dst3, zeros_h, tok):

  @functools.partial(
      pl.kernel,
      mesh=_sc_mesh(),
      out_type=[
          jax.ShapeDtypeStruct((NP, DH), jnp.float32),
          jax.ShapeDtypeStruct((NP, DH), jnp.float32),
      ],
      scratch_types=[
          pltpu.VMEM((NB + 2, B), jnp.int32),
          pltpu.VMEM((2, B), jnp.int32),
          pltpu.VMEM((B, DH), jnp.float32),
          pltpu.VMEM((B, DH), jnp.float32),
          pltpu.VMEM_SHARED((NP, DH), jnp.float32),
          pltpu.SemaphoreType.DMA,
          pltpu.SemaphoreType.DMA,
          pltpu.SemaphoreType.DMA,
          pltpu.SemaphoreType.DMA,
      ],
  )
  def k(tabL_hbm, tabR_hbm, src_hbm, dst_hbm, zh_hbm, tok_hbm, sL_hbm, sR_hbm,
        gidx, didx, rows0, rows1, acc, sem0, sem1, semd0, semd1):
    cid = lax.axis_index("c")
    sid = lax.axis_index("s")
    r0 = sid * STRIPE
    pltpu.sync_copy(src_hbm.at[sid], gidx)

    def start(tab_hbm):
      pltpu.async_copy(tab_hbm.at[gidx.at[0]], rows0, sem0)
      pltpu.async_copy(tab_hbm.at[gidx.at[1]], rows1, sem1)
      pltpu.async_copy(dst_hbm.at[sid, 0], didx.at[0], semd0)
      pltpu.async_copy(dst_hbm.at[sid, 1], didx.at[1], semd1)

    @pl.when(cid == 0)
    def _():
      start(tabL_hbm)

    @pl.when(cid == 1)
    def _():
      start(tabR_hbm)

    pltpu.sync_copy(zh_hbm.at[pl.ds(r0, STRIPE)], acc.at[pl.ds(r0, STRIPE)])
    plsc.subcore_barrier()

    def run(tab_hbm):
      def body(s, carry):
        g = 2 * s
        pltpu.make_async_copy(tab_hbm.at[gidx.at[0]], rows0, sem0).wait()
        pltpu.make_async_copy(dst_hbm.at[sid, 0], didx.at[0], semd0).wait()
        pltpu.sync_copy(rows0, acc.at[didx.at[0]], add=True)
        pltpu.async_copy(tab_hbm.at[gidx.at[g + 2]], rows0, sem0)
        pltpu.async_copy(dst_hbm.at[sid, g + 2], didx.at[0], semd0)
        pltpu.make_async_copy(tab_hbm.at[gidx.at[1]], rows1, sem1).wait()
        pltpu.make_async_copy(dst_hbm.at[sid, 1], didx.at[1], semd1).wait()
        pltpu.sync_copy(rows1, acc.at[didx.at[1]], add=True)
        pltpu.async_copy(tab_hbm.at[gidx.at[g + 3]], rows1, sem1)
        pltpu.async_copy(dst_hbm.at[sid, g + 3], didx.at[1], semd1)
        return carry

      lax.fori_loop(0, NB // 2, body, 0)
      pltpu.make_async_copy(tab_hbm.at[gidx.at[0]], rows0, sem0).wait()
      pltpu.make_async_copy(tab_hbm.at[gidx.at[1]], rows1, sem1).wait()
      pltpu.make_async_copy(dst_hbm.at[sid, 0], didx.at[0], semd0).wait()
      pltpu.make_async_copy(dst_hbm.at[sid, 1], didx.at[1], semd1).wait()

    @pl.when(cid == 0)
    def _():
      run(tabL_hbm)

    @pl.when(cid == 1)
    def _():
      run(tabR_hbm)

    plsc.subcore_barrier()

    @pl.when(cid == 0)
    def _():
      pltpu.sync_copy(acc.at[pl.ds(r0, STRIPE)], sL_hbm.at[pl.ds(r0, STRIPE)])

    @pl.when(cid == 1)
    def _():
      pltpu.sync_copy(acc.at[pl.ds(r0, STRIPE)], sR_hbm.at[pl.ds(r0, STRIPE)])

  return k(tabL, tabR, src3, dst3, zeros_h, tok)


def _tc_pre(x, W, b2):

  def body(x_ref, w_ref, b_ref, oL_ref, oR_ref):
    res = lax.dot_general(
        x_ref[...], w_ref[...], (((1,), (1,)), ((), ())),
        preferred_element_type=jnp.float32) + b_ref[...]
    oL_ref[...] = res[:, :DH]
    oR_ref[...] = res[:, DH:]

  return pl.pallas_call(
      body,
      grid=(N_NODES // MB,),
      in_specs=[
          pl.BlockSpec((MB, D), lambda i: (i, 0)),
          pl.BlockSpec((D, D), lambda i: (0, 0)),
          pl.BlockSpec((1, D), lambda i: (0, 0)),
      ],
      out_specs=[
          pl.BlockSpec((MB, DH), lambda i: (i, 0)),
          pl.BlockSpec((MB, DH), lambda i: (i, 0)),
      ],
      out_shape=[
          jax.ShapeDtypeStruct((N_NODES, DH), jnp.float32),
          jax.ShapeDtypeStruct((N_NODES, DH), jnp.float32),
      ],
  )(x, W, b2)


def _tc_right(hL, hR, WrA, WrB, b2):

  def body(hl_ref, hr_ref, wa_ref, wb_ref, b_ref, o_ref):
    acc = lax.dot_general(hl_ref[...], wa_ref[...], (((1,), (1,)), ((), ())),
                          preferred_element_type=jnp.float32)
    acc = acc + lax.dot_general(hr_ref[...], wb_ref[...],
                                (((1,), (1,)), ((), ())),
                                preferred_element_type=jnp.float32)
    o_ref[...] = acc + b_ref[...]

  return pl.pallas_call(
      body,
      grid=(N_NODES // MB,),
      in_specs=[
          pl.BlockSpec((MB, DH), lambda i: (i, 0)),
          pl.BlockSpec((MB, DH), lambda i: (i, 0)),
          pl.BlockSpec((D, DH), lambda i: (0, 0)),
          pl.BlockSpec((D, DH), lambda i: (0, 0)),
          pl.BlockSpec((1, D), lambda i: (0, 0)),
      ],
      out_specs=pl.BlockSpec((MB, D), lambda i: (i, 0)),
      out_shape=jax.ShapeDtypeStruct((N_NODES, D), jnp.float32),
  )(hL, hR, WrA, WrB, b2)


def _tc_combine(sumL, sumR, cntA, cntB, r, WlA, WlB, relu, split):

  def body(sl_ref, sr_ref, ca_ref, cb_ref, r_ref, wa_ref, wb_ref, *out_refs):
    cnt = ca_ref[:, 0:1] + cb_ref[:, 0:1]
    inv = 1.0 / jnp.maximum(cnt, 1.0)
    acc = lax.dot_general(sl_ref[...] * inv, wa_ref[...],
                          (((1,), (1,)), ((), ())),
                          preferred_element_type=jnp.float32)
    acc = acc + lax.dot_general(sr_ref[...] * inv, wb_ref[...],
                                (((1,), (1,)), ((), ())),
                                preferred_element_type=jnp.float32)
    acc = acc + r_ref[...]
    if relu:
      acc = jnp.maximum(acc, 0.0)
    if split:
      out_refs[0][...] = acc[:, :DH]
      out_refs[1][...] = acc[:, DH:]
    else:
      out_refs[0][...] = acc

  if split:
    out_specs = [pl.BlockSpec((MB, DH), lambda i: (i, 0)),
                 pl.BlockSpec((MB, DH), lambda i: (i, 0))]
    out_shape = [jax.ShapeDtypeStruct((N_NODES, DH), jnp.float32),
                 jax.ShapeDtypeStruct((N_NODES, DH), jnp.float32)]
  else:
    out_specs = pl.BlockSpec((MB, D), lambda i: (i, 0))
    out_shape = jax.ShapeDtypeStruct((N_NODES, D), jnp.float32)

  return pl.pallas_call(
      body,
      grid=(N_NODES // MB,),
      in_specs=[
          pl.BlockSpec((MB, DH), lambda i: (i, 0)),
          pl.BlockSpec((MB, DH), lambda i: (i, 0)),
          pl.BlockSpec((MB, CW), lambda i: (i, 0)),
          pl.BlockSpec((MB, CW), lambda i: (i, 0)),
          pl.BlockSpec((MB, D), lambda i: (i, 0)),
          pl.BlockSpec((D, DH), lambda i: (0, 0)),
          pl.BlockSpec((D, DH), lambda i: (0, 0)),
      ],
      out_specs=out_specs,
      out_shape=out_shape,
  )(sumL, sumR, cntA, cntB, r, WlA, WlB)


def kernel(x, edge_index, W_pre, b_pre, Wl1, Wr1, b1, Wl2, Wr2, b2):
  src = edge_index[0].astype(jnp.int32)
  dst = edge_index[1].astype(jnp.int32)
  npad = EPSP + 2 * B - EPS
  padg = ((jnp.arange(NSUB, dtype=jnp.int32)[:, None] * 499
           + jnp.arange(npad, dtype=jnp.int32)[None, :]) % N_NODES)
  src3 = jnp.concatenate(
      [src.reshape(NSUB, EPS), padg], axis=1).reshape(NSUB, NB + 2, B)
  padd = (N_NODES
          + (jnp.arange(npad, dtype=jnp.int32) % (NP - N_NODES)))
  dst3 = jnp.concatenate(
      [dst.reshape(NSUB, EPS),
       jnp.broadcast_to(padd, (NSUB, npad))], axis=1).reshape(NSUB, NB + 2, B)
  zeros_h = jnp.zeros((NP, DH), jnp.float32)
  ones_h = jnp.ones((B, DH), jnp.float32)
  bp2 = b_pre.reshape(1, D)
  b12 = b1.reshape(1, D)
  b22 = b2.reshape(1, D)

  cntAf, cntBf = _counts(dst3, zeros_h, ones_h)
  cntA, cntB = cntAf[:, :CW], cntBf[:, :CW]
  tok = cntAf[:8, :8]
  h0L, h0R = _tc_pre(x, W_pre, bp2)
  r1 = _tc_right(h0L, h0R, Wr1[:, :DH], Wr1[:, DH:], b12)
  s1L, s1R = _agg(h0L, h0R, src3, dst3, zeros_h, tok)
  h1L, h1R = _tc_combine(s1L, s1R, cntA, cntB, r1,
                         Wl1[:, :DH], Wl1[:, DH:], True, True)
  r2 = _tc_right(h1L, h1R, Wr2[:, :DH], Wr2[:, DH:], b22)
  s2L, s2R = _agg(h1L, h1R, src3, dst3, zeros_h, tok)
  out = _tc_combine(s2L, s2R, cntA, cntB, r2,
                    Wl2[:, :DH], Wl2[:, DH:], False, False)
  return out

# --- scband reference (transcript-rebuilt; emitter-appended) ---
"""Pipeline reference for scband-tg-sage-53523882443258 (READ-ONLY COPY).

The authoritative reference and input builder live on the scoring server;
editing this copy changes nothing except your own understanding.
"""

import jax, jax.numpy as jnp
import numpy as np

N_NODES = 10000
N_EDGES = 160000
D = 256

def setup_inputs(seed: int = 0) -> dict:
    key = jax.random.key(seed)
    ks = jax.random.split(key, 12)
    scale = 1.0 / np.sqrt(D)
    x = jax.random.normal(ks[0], (N_NODES, D), dtype=jnp.float32)
    edge_index = jax.random.randint(ks[1], (2, N_EDGES), 0, N_NODES, dtype=jnp.int64)
    W_pre = jax.random.normal(ks[2], (D, D), dtype=jnp.float32) * scale
    b_pre = jnp.zeros((D,), dtype=jnp.float32)
    Wl1 = jax.random.normal(ks[3], (D, D), dtype=jnp.float32) * scale
    Wr1 = jax.random.normal(ks[4], (D, D), dtype=jnp.float32) * scale
    b1 = jnp.zeros((D,), dtype=jnp.float32)
    Wl2 = jax.random.normal(ks[5], (D, D), dtype=jnp.float32) * scale
    Wr2 = jax.random.normal(ks[6], (D, D), dtype=jnp.float32) * scale
    b2 = jnp.zeros((D,), dtype=jnp.float32)
    return {"x": x, "edge_index": edge_index, "W_pre": W_pre, "b_pre": b_pre,
            "Wl1": Wl1, "Wr1": Wr1, "b1": b1, "Wl2": Wl2, "Wr2": Wr2, "b2": b2}

def _sage_conv(h, src, dst, n_nodes, Wl, Wr, b):
    # PyG SAGEConv with mean aggregation:
    # out_i = W_l @ mean_{j in N(i)} h_j + W_r @ h_i + b
    msg = h[src]  # gather source node features per edge
    summed = jax.ops.segment_sum(msg, dst, num_segments=n_nodes)
    cnt = jax.ops.segment_sum(jnp.ones((src.shape[0], 1), dtype=h.dtype), dst, num_segments=n_nodes)
    agg = summed / jnp.maximum(cnt, 1.0)
    return agg @ Wl.T + h @ Wr.T + b

def reference(x, edge_index, W_pre, b_pre, Wl1, Wr1, b1, Wl2, Wr2, b2):
    src = edge_index[0]
    dst = edge_index[1]
    n = x.shape[0]
    # feature_pre linear
    h = x @ W_pre.T + b_pre
    # conv_first + relu (dropout is identity in eval mode)
    h = jax.nn.relu(_sage_conv(h, src, dst, n, Wl1, Wr1, b1))
    # layer_num=2 -> no hidden convs; conv_out
    out = _sage_conv(h, src, dst, n, Wl2, Wr2, b2)
    return out

if __name__ == "__main__":
    import jax
    _d = setup_inputs()
    print(jax.jit(kernel)(*tuple(_d.values())))

</pallas_src>

<mosaic_0001>
#map = affine_map<(d0, d1) -> (0, 0, 0)>
#map1 = affine_map<(d0, d1) -> (0, 0)>
module attributes {stable_mosaic.version = 14 : i64} {
  func.func @k(%arg0: i32, %arg1: i32, %arg2: memref<16x82x128xi32, #tpu.memory_space<hbm>>, %arg3: memref<10240x128xf32, #tpu.memory_space<hbm>>, %arg4: memref<128x128xf32, #tpu.memory_space<hbm>>, %arg5: memref<10240x128xf32, #tpu.memory_space<hbm>>, %arg6: memref<10240x128xf32, #tpu.memory_space<hbm>>, %arg7: memref<82x128xi32, #tpu.memory_space<vmem>>, %arg8: memref<128x128xf32, #tpu.memory_space<vmem>>, %arg9: memref<10240x128xf32, #tpu.memory_space<vmem_shared>>) attributes {dimension_semantics = [#tpu.dimension_semantics<core_parallel>, #tpu.dimension_semantics<subcore_parallel>], iteration_bounds = array<i64: 2, 16>, scalar_prefetch = 0 : i64, scratch_operands = 3 : i64, tpu.core_type = #tpu.core_type<sc_vector_subcore>, window_params = [{transform_indices = #map}, {transform_indices = #map1}, {transform_indices = #map1}, {transform_indices = #map1}, {transform_indices = #map1}]} {
    %mul3A = arith.constant 640 : i32
    %mul3A_0 = arith.muli %arg1, %mul3A : i32
    "tpu.region"() ({
      %run_scoped3A = tpu.sem_alloc : memref<!tpu.dma_semaphore, #tpu.memory_space<semaphore_mem>>
      %dma_start3A = arith.constant 0 : i32
      %dma_start3A_14 = tpu.memref_slice %arg9[%mul3A_0, %dma_start3A] : memref<10240x128xf32, #tpu.memory_space<vmem_shared>> -> memref<640x128xf32, #tpu.memory_space<vmem_shared>>
      %dma_start3A_15 = arith.constant 0 : i32
      %dma_start3A_16 = tpu.memref_slice %arg3[%mul3A_0, %dma_start3A_15] : memref<10240x128xf32, #tpu.memory_space<hbm>> -> memref<640x128xf32, #tpu.memory_space<hbm>>
      tpu.enqueue_dma source(%dma_start3A_16 : memref<640x128xf32, #tpu.memory_space<hbm>>) target(%dma_start3A_14 : memref<640x128xf32, #tpu.memory_space<vmem_shared>>) target_semaphore(%run_scoped3A : memref<!tpu.dma_semaphore, #tpu.memory_space<semaphore_mem>>)
      %dma_wait3A = arith.constant 0 : i32
      %dma_wait3A_17 = tpu.memref_slice %arg9[%mul3A_0, %dma_wait3A] : memref<10240x128xf32, #tpu.memory_space<vmem_shared>> -> memref<640x128xf32, #tpu.memory_space<vmem_shared>>
      %dma_wait3A_18 = arith.constant 0 : i32
      %dma_wait3A_19 = tpu.memref_slice %arg3[%mul3A_0, %dma_wait3A_18] : memref<10240x128xf32, #tpu.memory_space<hbm>> -> memref<640x128xf32, #tpu.memory_space<hbm>>
      tpu.wait_dma2 semaphore(%run_scoped3A : memref<!tpu.dma_semaphore, #tpu.memory_space<semaphore_mem>>) src(%dma_wait3A_19 : memref<640x128xf32, #tpu.memory_space<hbm>>) dst(%dma_wait3A_17 : memref<640x128xf32, #tpu.memory_space<vmem_shared>>)
      tpu.yield
    }) : () -> ()
    "tpu.region"() ({
      %run_scoped3A = tpu.sem_alloc : memref<!tpu.dma_semaphore, #tpu.memory_space<semaphore_mem>>
      tpu.enqueue_dma source(%arg4 : memref<128x128xf32, #tpu.memory_space<hbm>>) target(%arg8 : memref<128x128xf32, #tpu.memory_space<vmem>>) target_semaphore(%run_scoped3A : memref<!tpu.dma_semaphore, #tpu.memory_space<semaphore_mem>>)
      tpu.wait_dma2 semaphore(%run_scoped3A : memref<!tpu.dma_semaphore, #tpu.memory_space<semaphore_mem>>) src(%arg4 : memref<128x128xf32, #tpu.memory_space<hbm>>) dst(%arg8 : memref<128x128xf32, #tpu.memory_space<vmem>>)
      tpu.yield
    }) : () -> ()
    "tpu.region"() ({
      %run_scoped3A = tpu.sem_alloc : memref<!tpu.dma_semaphore, #tpu.memory_space<semaphore_mem>>
      %dma_start3A = arith.constant 0 : i32
      %dma_start3A_14 = arith.constant 0 : i32
      %dma_start3A_15 = tpu.memref_slice %arg2[%arg1, %dma_start3A, %dma_start3A_14] : memref<16x82x128xi32, #tpu.memory_space<hbm>> -> memref<1x82x128xi32, #tpu.memory_space<hbm>>
      %dma_start3A_16 = tpu.memref_squeeze %dma_start3A_15 : memref<1x82x128xi32, #tpu.memory_space<hbm>> -> memref<82x128xi32, #tpu.memory_space<hbm>>
      %dma_start3A_17 = arith.constant 0 : i32
      %dma_start3A_18 = arith.constant 0 : i32
      %dma_start3A_19 = tpu.memref_slice %arg2[%arg1, %dma_start3A_17, %dma_start3A_18] : memref<16x82x128xi32, #tpu.memory_space<hbm>> -> memref<1x82x128xi32, #tpu.memory_space<hbm>>
      %dma_start3A_20 = tpu.memref_squeeze %dma_start3A_19 : memref<1x82x128xi32, #tpu.memory_space<hbm>> -> memref<82x128xi32, #tpu.memory_space<hbm>>
      tpu.enqueue_dma source(%dma_start3A_20 : memref<82x128xi32, #tpu.memory_space<hbm>>) target(%arg7 : memref<82x128xi32, #tpu.memory_space<vmem>>) target_semaphore(%run_scoped3A : memref<!tpu.dma_semaphore, #tpu.memory_space<semaphore_mem>>)
      %dma_wait3A = arith.constant 0 : i32
      %dma_wait3A_21 = arith.constant 0 : i32
      %dma_wait3A_22 = tpu.memref_slice %arg2[%arg1, %dma_wait3A, %dma_wait3A_21] : memref<16x82x128xi32, #tpu.memory_space<hbm>> -> memref<1x82x128xi32, #tpu.memory_space<hbm>>
      %dma_wait3A_23 = tpu.memref_squeeze %dma_wait3A_22 : memref<1x82x128xi32, #tpu.memory_space<hbm>> -> memref<82x128xi32, #tpu.memory_space<hbm>>
      %dma_wait3A_24 = arith.constant 0 : i32
      %dma_wait3A_25 = arith.constant 0 : i32
      %dma_wait3A_26 = tpu.memref_slice %arg2[%arg1, %dma_wait3A_24, %dma_wait3A_25] : memref<16x82x128xi32, #tpu.memory_space<hbm>> -> memref<1x82x128xi32, #tpu.memory_space<hbm>>
      %dma_wait3A_27 = tpu.memref_squeeze %dma_wait3A_26 : memref<1x82x128xi32, #tpu.memory_space<hbm>> -> memref<82x128xi32, #tpu.memory_space<hbm>>
      tpu.wait_dma2 semaphore(%run_scoped3A : memref<!tpu.dma_semaphore, #tpu.memory_space<semaphore_mem>>) src(%dma_wait3A_27 : memref<82x128xi32, #tpu.memory_space<hbm>>) dst(%arg7 : memref<82x128xi32, #tpu.memory_space<vmem>>)
      tpu.yield
    }) : () -> ()
    %barrier3A = arith.constant 0 : index
    tpu.barrier barrier_id(%barrier3A)
    %scan3A = arith.constant 0 : i32
    %scan3A_1 = arith.constant 0 : i32
    %scan3A_2 = arith.constant 41 : i32
    %scan3A_3 = arith.addi %scan3A_1, %scan3A_2 : i32
    %scan3A_4 = arith.constant 1 : i32
    scf.for %scan3A_14 = %scan3A_1 to %scan3A_3 step %scan3A_4  : i32 {
      %mul3A_15 = arith.constant 2 : i32
      %mul3A_16 = arith.muli %mul3A_15, %scan3A_14 : i32
      %add3A = arith.addi %mul3A_16, %arg0 : i32
      "tpu.region"() ({
        %run_scoped3A = tpu.sem_alloc : memref<!tpu.dma_semaphore, #tpu.memory_space<semaphore_mem>>
        %dma_start3A = arith.constant 0 : i32
        %dma_start3A_17 = tpu.memref_slice %arg7[%add3A, %dma_start3A] : memref<82x128xi32, #tpu.memory_space<vmem>> -> memref<1x128xi32, #tpu.memory_space<vmem>>
        %dma_start3A_18 = tpu.memref_squeeze %dma_start3A_17 : memref<1x128xi32, #tpu.memory_space<vmem>> -> memref<128xi32, #tpu.memory_space<vmem>>
        %dma_start3A_19 = arith.constant 0 : i32
        %dma_start3A_20 = arith.constant 0 : i32
        %dma_start3A_21 = tpu.memref_slice %arg9[%dma_start3A_19, %dma_start3A_20] : memref<10240x128xf32, #tpu.memory_space<vmem_shared>> -> memref<10240x128xf32, #tpu.memory_space<vmem_shared>>
        tpu.enqueue_indirect_dma source(%arg8 : memref<128x128xf32, #tpu.memory_space<vmem>>) target(%dma_start3A_21 : memref<10240x128xf32, #tpu.memory_space<vmem_shared>>) offsets(%dma_start3A_18 : memref<128xi32, #tpu.memory_space<vmem>>) semaphore(%run_scoped3A : memref<!tpu.dma_semaphore, #tpu.memory_space<semaphore_mem>>) {add = true}
        %dma_wait3A = arith.constant 0 : i32
        %dma_wait3A_22 = tpu.memref_slice %arg7[%add3A, %dma_wait3A] : memref<82x128xi32, #tpu.memory_space<vmem>> -> memref<1x128xi32, #tpu.memory_space<vmem>>
        %dma_wait3A_23 = tpu.memref_squeeze %dma_wait3A_22 : memref<1x128xi32, #tpu.memory_space<vmem>> -> memref<128xi32, #tpu.memory_space<vmem>>
        %dma_wait3A_24 = arith.constant 0 : i32
        %dma_wait3A_25 = arith.constant 0 : i32
        %dma_wait3A_26 = tpu.memref_slice %arg9[%dma_wait3A_24, %dma_wait3A_25] : memref<10240x128xf32, #tpu.memory_space<vmem_shared>> -> memref<10240x128xf32, #tpu.memory_space<vmem_shared>>
        tpu.wait_indirect_dma semaphore(%run_scoped3A : memref<!tpu.dma_semaphore, #tpu.memory_space<semaphore_mem>>) src(%arg8 : memref<128x128xf32, #tpu.memory_space<vmem>>) dst(%dma_wait3A_26 : memref<10240x128xf32, #tpu.memory_space<vmem_shared>>)
        tpu.yield
      }) : () -> ()
    }
    %scan3A_5 = arith.constant 41 : i32
    %barrier3A_6 = arith.constant 0 : index
    tpu.barrier barrier_id(%barrier3A_6)
    %eq3A = arith.constant 0 : i32
    %eq3A_7 = arith.cmpi eq, %arg0, %eq3A : i32
    %convert_element_type3A = arith.extui %eq3A_7 : i1 to i32
    %cond3A = arith.constant 0 : i32
    %cond3A_8 = arith.cmpi ne, %convert_element_type3A, %cond3A : i32
    scf.if %cond3A_8 {
      "tpu.region"() ({
        %run_scoped3A = tpu.sem_alloc : memref<!tpu.dma_semaphore, #tpu.memory_space<semaphore_mem>>
        %dma_start3A = arith.constant 0 : i32
        %dma_start3A_14 = tpu.memref_slice %arg5[%mul3A_0, %dma_start3A] : memref<10240x128xf32, #tpu.memory_space<hbm>> -> memref<640x128xf32, #tpu.memory_space<hbm>>
        %dma_start3A_15 = arith.constant 0 : i32
        %dma_start3A_16 = tpu.memref_slice %arg9[%mul3A_0, %dma_start3A_15] : memref<10240x128xf32, #tpu.memory_space<vmem_shared>> -> memref<640x128xf32, #tpu.memory_space<vmem_shared>>
        tpu.enqueue_dma source(%dma_start3A_16 : memref<640x128xf32, #tpu.memory_space<vmem_shared>>) target(%dma_start3A_14 : memref<640x128xf32, #tpu.memory_space<hbm>>) target_semaphore(%run_scoped3A : memref<!tpu.dma_semaphore, #tpu.memory_space<semaphore_mem>>)
        %dma_wait3A = arith.constant 0 : i32
        %dma_wait3A_17 = tpu.memref_slice %arg5[%mul3A_0, %dma_wait3A] : memref<10240x128xf32, #tpu.memory_space<hbm>> -> memref<640x128xf32, #tpu.memory_space<hbm>>
        %dma_wait3A_18 = arith.constant 0 : i32
        %dma_wait3A_19 = tpu.memref_slice %arg9[%mul3A_0, %dma_wait3A_18] : memref<10240x128xf32, #tpu.memory_space<vmem_shared>> -> memref<640x128xf32, #tpu.memory_space<vmem_shared>>
        tpu.wait_dma2 semaphore(%run_scoped3A : memref<!tpu.dma_semaphore, #tpu.memory_space<semaphore_mem>>) src(%dma_wait3A_19 : memref<640x128xf32, #tpu.memory_space<vmem_shared>>) dst(%dma_wait3A_17 : memref<640x128xf32, #tpu.memory_space<hbm>>)
        tpu.yield
      }) : () -> ()
    } else {
    }
    %eq3A_9 = arith.constant 1 : i32
    %eq3A_10 = arith.cmpi eq, %arg0, %eq3A_9 : i32
    %convert_element_type3A_11 = arith.extui %eq3A_10 : i1 to i32
    %cond3A_12 = arith.constant 0 : i32
    %cond3A_13 = arith.cmpi ne, %convert_element_type3A_11, %cond3A_12 : i32
    scf.if %cond3A_13 {
      "tpu.region"() ({
        %run_scoped3A = tpu.sem_alloc : memref<!tpu.dma_semaphore, #tpu.memory_space<semaphore_mem>>
        %dma_start3A = arith.constant 0 : i32
        %dma_start3A_14 = tpu.memref_slice %arg6[%mul3A_0, %dma_start3A] : memref<10240x128xf32, #tpu.memory_space<hbm>> -> memref<640x128xf32, #tpu.memory_space<hbm>>
        %dma_start3A_15 = arith.constant 0 : i32
        %dma_start3A_16 = tpu.memref_slice %arg9[%mul3A_0, %dma_start3A_15] : memref<10240x128xf32, #tpu.memory_space<vmem_shared>> -> memref<640x128xf32, #tpu.memory_space<vmem_shared>>
        tpu.enqueue_dma source(%dma_start3A_16 : memref<640x128xf32, #tpu.memory_space<vmem_shared>>) target(%dma_start3A_14 : memref<640x128xf32, #tpu.memory_space<hbm>>) target_semaphore(%run_scoped3A : memref<!tpu.dma_semaphore, #tpu.memory_space<semaphore_mem>>)
        %dma_wait3A = arith.constant 0 : i32
        %dma_wait3A_17 = tpu.memref_slice %arg6[%mul3A_0, %dma_wait3A] : memref<10240x128xf32, #tpu.memory_space<hbm>> -> memref<640x128xf32, #tpu.memory_space<hbm>>
        %dma_wait3A_18 = arith.constant 0 : i32
        %dma_wait3A_19 = tpu.memref_slice %arg9[%mul3A_0, %dma_wait3A_18] : memref<10240x128xf32, #tpu.memory_space<vmem_shared>> -> memref<640x128xf32, #tpu.memory_space<vmem_shared>>
        tpu.wait_dma2 semaphore(%run_scoped3A : memref<!tpu.dma_semaphore, #tpu.memory_space<semaphore_mem>>) src(%dma_wait3A_19 : memref<640x128xf32, #tpu.memory_space<vmem_shared>>) dst(%dma_wait3A_17 : memref<640x128xf32, #tpu.memory_space<hbm>>)
        tpu.yield
      }) : () -> ()
    } else {
    }
    return
  }
}

#map = affine_map<(d0, d1) -> (0, 0)>
#map1 = affine_map<(d0, d1) -> (0, 0, 0)>
module attributes {stable_mosaic.version = 14 : i64} {
  func.func @k(%arg0: i32, %arg1: i32, %arg2: memref<10000x128xf32, #tpu.memory_space<hbm>>, %arg3: memref<10000x128xf32, #tpu.memory_space<hbm>>, %arg4: memref<16x82x128xi32, #tpu.memory_space<hbm>>, %arg5: memref<16x82x128xi32, #tpu.memory_space<hbm>>, %arg6: memref<10240x128xf32, #tpu.memory_space<hbm>>, %arg7: memref<8x8xf32, #tpu.memory_space<hbm>>, %arg8: memref<10240x128xf32, #tpu.memory_space<hbm>>, %arg9: memref<10240x128xf32, #tpu.memory_space<hbm>>, %arg10: memref<82x128xi32, #tpu.memory_space<vmem>>, %arg11: memref<2x128xi32, #tpu.memory_space<vmem>>, %arg12: memref<128x128xf32, #tpu.memory_space<vmem>>, %arg13: memref<128x128xf32, #tpu.memory_space<vmem>>, %arg14: memref<10240x128xf32, #tpu.memory_space<vmem_shared>>, %arg15: memref<!tpu.dma_semaphore, #tpu.memory_space<semaphore_mem>>, %arg16: memref<!tpu.dma_semaphore, #tpu.memory_space<semaphore_mem>>, %arg17: memref<!tpu.dma_semaphore, #tpu.memory_space<semaphore_mem>>, %arg18: memref<!tpu.dma_semaphore, #tpu.memory_space<semaphore_mem>>) attributes {dimension_semantics = [#tpu.dimension_semantics<core_parallel>, #tpu.dimension_semantics<subcore_parallel>], iteration_bounds = array<i64: 2, 16>, scalar_prefetch = 0 : i64, scratch_operands = 9 : i64, tpu.core_type = #tpu.core_type<sc_vector_subcore>, window_params = [{transform_indices = #map}, {transform_indices = #map}, {transform_indices = #map1}, {transform_indices = #map1}, {transform_indices = #map}, {transform_indices = #map}, {transform_indices = #map}, {transform_indices = #map}]} {
    %mul3A = arith.constant 640 : i32
    %mul3A_0 = arith.muli %arg1, %mul3A : i32
    "tpu.region"() ({
      %run_scoped3A = tpu.sem_alloc : memref<!tpu.dma_semaphore, #tpu.memory_space<semaphore_mem>>
      %dma_start3A = arith.constant 0 : i32
      %dma_start3A_29 = arith.constant 0 : i32
      %dma_start3A_30 = tpu.memref_slice %arg4[%arg1, %dma_start3A, %dma_start3A_29] : memref<16x82x128xi32, #tpu.memory_space<hbm>> -> memref<1x82x128xi32, #tpu.memory_space<hbm>>
      %dma_start3A_31 = tpu.memref_squeeze %dma_start3A_30 : memref<1x82x128xi32, #tpu.memory_space<hbm>> -> memref<82x128xi32, #tpu.memory_space<hbm>>
      %dma_start3A_32 = arith.constant 0 : i32
      %dma_start3A_33 = arith.constant 0 : i32
      %dma_start3A_34 = tpu.memref_slice %arg4[%arg1, %dma_start3A_32, %dma_start3A_33] : memref<16x82x128xi32, #tpu.memory_space<hbm>> -> memref<1x82x128xi32, #tpu.memory_space<hbm>>
      %dma_start3A_35 = tpu.memref_squeeze %dma_start3A_34 : memref<1x82x128xi32, #tpu.memory_space<hbm>> -> memref<82x128xi32, #tpu.memory_space<hbm>>
      tpu.enqueue_dma source(%dma_start3A_35 : memref<82x128xi32, #tpu.memory_space<hbm>>) target(%arg10 : memref<82x128xi32, #tpu.memory_space<vmem>>) target_semaphore(%run_scoped3A : memref<!tpu.dma_semaphore, #tpu.memory_space<semaphore_mem>>)
      %dma_wait3A = arith.constant 0 : i32
      %dma_wait3A_36 = arith.constant 0 : i32
      %dma_wait3A_37 = tpu.memref_slice %arg4[%arg1, %dma_wait3A, %dma_wait3A_36] : memref<16x82x128xi32, #tpu.memory_space<hbm>> -> memref<1x82x128xi32, #tpu.memory_space<hbm>>
      %dma_wait3A_38 = tpu.memref_squeeze %dma_wait3A_37 : memref<1x82x128xi32, #tpu.memory_space<hbm>> -> memref<82x128xi32, #tpu.memory_space<hbm>>
      %dma_wait3A_39 = arith.constant 0 : i32
      %dma_wait3A_40 = arith.constant 0 : i32
      %dma_wait3A_41 = tpu.memref_slice %arg4[%arg1, %dma_wait3A_39, %dma_wait3A_40] : memref<16x82x128xi32, #tpu.memory_space<hbm>> -> memref<1x82x128xi32, #tpu.memory_space<hbm>>
      %dma_wait3A_42 = tpu.memref_squeeze %dma_wait3A_41 : memref<1x82x128xi32, #tpu.memory_space<hbm>> -> memref<82x128xi32, #tpu.memory_space<hbm>>
      tpu.wait_dma2 semaphore(%run_scoped3A : memref<!tpu.dma_semaphore, #tpu.memory_space<semaphore_mem>>) src(%dma_wait3A_42 : memref<82x128xi32, #tpu.memory_space<hbm>>) dst(%arg10 : memref<82x128xi32, #tpu.memory_space<vmem>>)
      tpu.yield
    }) : () -> ()
    %eq3A = arith.constant 0 : i32
    %eq3A_1 = arith.cmpi eq, %arg0, %eq3A : i32
    %convert_element_type3A = arith.extui %eq3A_1 : i1 to i32
    %cond3A = arith.constant 0 : i32
    %cond3A_2 = arith.cmpi ne, %convert_element_type3A, %cond3A : i32
    scf.if %cond3A_2 {
      %dma_start3A = arith.constant 0 : i32
      %dma_start3A_29 = arith.constant 0 : i32
      %dma_start3A_30 = tpu.memref_slice %arg10[%dma_start3A, %dma_start3A_29] : memref<82x128xi32, #tpu.memory_space<vmem>> -> memref<1x128xi32, #tpu.memory_space<vmem>>
      %dma_start3A_31 = tpu.memref_squeeze %dma_start3A_30 : memref<1x128xi32, #tpu.memory_space<vmem>> -> memref<128xi32, #tpu.memory_space<vmem>>
      %dma_start3A_32 = arith.constant 0 : i32
      %dma_start3A_33 = arith.constant 0 : i32
      %dma_start3A_34 = tpu.memref_slice %arg2[%dma_start3A_32, %dma_start3A_33] : memref<10000x128xf32, #tpu.memory_space<hbm>> -> memref<10000x128xf32, #tpu.memory_space<hbm>>
      tpu.enqueue_indirect_dma source(%dma_start3A_34 : memref<10000x128xf32, #tpu.memory_space<hbm>>) target(%arg12 : memref<128x128xf32, #tpu.memory_space<vmem>>) offsets(%dma_start3A_31 : memref<128xi32, #tpu.memory_space<vmem>>) semaphore(%arg15 : memref<!tpu.dma_semaphore, #tpu.memory_space<semaphore_mem>>)
      %dma_start3A_35 = arith.constant 1 : i32
      %dma_start3A_36 = arith.constant 0 : i32
      %dma_start3A_37 = tpu.memref_slice %arg10[%dma_start3A_35, %dma_start3A_36] : memref<82x128xi32, #tpu.memory_space<vmem>> -> memref<1x128xi32, #tpu.memory_space<vmem>>
      %dma_start3A_38 = tpu.memref_squeeze %dma_start3A_37 : memref<1x128xi32, #tpu.memory_space<vmem>> -> memref<128xi32, #tpu.memory_space<vmem>>
      %dma_start3A_39 = arith.constant 0 : i32
      %dma_start3A_40 = arith.constant 0 : i32
      %dma_start3A_41 = tpu.memref_slice %arg2[%dma_start3A_39, %dma_start3A_40] : memref<10000x128xf32, #tpu.memory_space<hbm>> -> memref<10000x128xf32, #tpu.memory_space<hbm>>
      tpu.enqueue_indirect_dma source(%dma_start3A_41 : memref<10000x128xf32, #tpu.memory_space<hbm>>) target(%arg13 : memref<128x128xf32, #tpu.memory_space<vmem>>) offsets(%dma_start3A_38 : memref<128xi32, #tpu.memory_space<vmem>>) semaphore(%arg16 : memref<!tpu.dma_semaphore, #tpu.memory_space<semaphore_mem>>)
      %dma_start3A_42 = arith.constant 0 : i32
      %dma_start3A_43 = arith.constant 0 : i32
      %dma_start3A_44 = arith.constant 0 : i32
      %dma_start3A_45 = tpu.memref_slice %arg11[%dma_start3A_43, %dma_start3A_44] : memref<2x128xi32, #tpu.memory_space<vmem>> -> memref<1x128xi32, #tpu.memory_space<vmem>>
      %dma_start3A_46 = tpu.memref_squeeze %dma_start3A_45 : memref<1x128xi32, #tpu.memory_space<vmem>> -> memref<128xi32, #tpu.memory_space<vmem>>
      %dma_start3A_47 = arith.constant 0 : i32
      %dma_start3A_48 = tpu.memref_slice %arg5[%arg1, %dma_start3A_42, %dma_start3A_47] : memref<16x82x128xi32, #tpu.memory_space<hbm>> -> memref<1x1x128xi32, #tpu.memory_space<hbm>>
      %dma_start3A_49 = tpu.memref_squeeze %dma_start3A_48 : memref<1x1x128xi32, #tpu.memory_space<hbm>> -> memref<128xi32, #tpu.memory_space<hbm>>
      %dma_start3A_50 = arith.constant 0 : i32
      %dma_start3A_51 = tpu.memref_slice %arg11[%dma_start3A_43, %dma_start3A_50] : memref<2x128xi32, #tpu.memory_space<vmem>> -> memref<1x128xi32, #tpu.memory_space<vmem>>
      %dma_start3A_52 = tpu.memref_squeeze %dma_start3A_51 : memref<1x128xi32, #tpu.memory_space<vmem>> -> memref<128xi32, #tpu.memory_space<vmem>>
      %dma_start3A_53 = arith.constant 0 : i32
      %dma_start3A_54 = tpu.memref_slice %arg5[%arg1, %dma_start3A_42, %dma_start3A_53] : memref<16x82x128xi32, #tpu.memory_space<hbm>> -> memref<1x1x128xi32, #tpu.memory_space<hbm>>
      %dma_start3A_55 = tpu.memref_squeeze %dma_start3A_54 : memref<1x1x128xi32, #tpu.memory_space<hbm>> -> memref<128xi32, #tpu.memory_space<hbm>>
      tpu.enqueue_dma source(%dma_start3A_55 : memref<128xi32, #tpu.memory_space<hbm>>) target(%dma_start3A_52 : memref<128xi32, #tpu.memory_space<vmem>>) target_semaphore(%arg17 : memref<!tpu.dma_semaphore, #tpu.memory_space<semaphore_mem>>)
      %dma_start3A_56 = arith.constant 1 : i32
      %dma_start3A_57 = arith.constant 1 : i32
      %dma_start3A_58 = arith.constant 0 : i32
      %dma_start3A_59 = tpu.memref_slice %arg11[%dma_start3A_57, %dma_start3A_58] : memref<2x128xi32, #tpu.memory_space<vmem>> -> memref<1x128xi32, #tpu.memory_space<vmem>>
      %dma_start3A_60 = tpu.memref_squeeze %dma_start3A_59 : memref<1x128xi32, #tpu.memory_space<vmem>> -> memref<128xi32, #tpu.memory_space<vmem>>
      %dma_start3A_61 = arith.constant 0 : i32
      %dma_start3A_62 = tpu.memref_slice %arg5[%arg1, %dma_start3A_56, %dma_start3A_61] : memref<16x82x128xi32, #tpu.memory_space<hbm>> -> memref<1x1x128xi32, #tpu.memory_space<hbm>>
      %dma_start3A_63 = tpu.memref_squeeze %dma_start3A_62 : memref<1x1x128xi32, #tpu.memory_space<hbm>> -> memref<128xi32, #tpu.memory_space<hbm>>
      %dma_start3A_64 = arith.constant 0 : i32
      %dma_start3A_65 = tpu.memref_slice %arg11[%dma_start3A_57, %dma_start3A_64] : memref<2x128xi32, #tpu.memory_space<vmem>> -> memref<1x128xi32, #tpu.memory_space<vmem>>
      %dma_start3A_66 = tpu.memref_squeeze %dma_start3A_65 : memref<1x128xi32, #tpu.memory_space<vmem>> -> memref<128xi32, #tpu.memory_space<vmem>>
      %dma_start3A_67 = arith.constant 0 : i32
      %dma_start3A_68 = tpu.memref_slice %arg5[%arg1, %dma_start3A_56, %dma_start3A_67] : memref<16x82x128xi32, #tpu.memory_space<hbm>> -> memref<1x1x128xi32, #tpu.memory_space<hbm>>
      %dma_start3A_69 = tpu.memref_squeeze %dma_start3A_68 : memref<1x1x128xi32, #tpu.memory_space<hbm>> -> memref<128xi32, #tpu.memory_space<hbm>>
      tpu.enqueue_dma source(%dma_start3A_69 : memref<128xi32, #tpu.memory_space<hbm>>) target(%dma_start3A_66 : memref<128xi32, #tpu.memory_space<vmem>>) target_semaphore(%arg18 : memref<!tpu.dma_semaphore, #tpu.memory_space<semaphore_mem>>)
    } else {
    }
    %eq3A_3 = arith.constant 1 : i32
    %eq3A_4 = arith.cmpi eq, %arg0, %eq3A_3 : i32
    %convert_element_type3A_5 = arith.extui %eq3A_4 : i1 to i32
    %cond3A_6 = arith.constant 0 : i32
    %cond3A_7 = arith.cmpi ne, %convert_element_type3A_5, %cond3A_6 : i32
    scf.if %cond3A_7 {
      %dma_start3A = arith.constant 0 : i32
      %dma_start3A_29 = arith.constant 0 : i32
      %dma_start3A_30 = tpu.memref_slice %arg10[%dma_start3A, %dma_start3A_29] : memref<82x128xi32, #tpu.memory_space<vmem>> -> memref<1x128xi32, #tpu.memory_space<vmem>>
      %dma_start3A_31 = tpu.memref_squeeze %dma_start3A_30 : memref<1x128xi32, #tpu.memory_space<vmem>> -> memref<128xi32, #tpu.memory_space<vmem>>
      %dma_start3A_32 = arith.constant 0 : i32
      %dma_start3A_33 = arith.constant 0 : i32
      %dma_start3A_34 = tpu.memref_slice %arg3[%dma_start3A_32, %dma_start3A_33] : memref<10000x128xf32, #tpu.memory_space<hbm>> -> memref<10000x128xf32, #tpu.memory_space<hbm>>
      tpu.enqueue_indirect_dma source(%dma_start3A_34 : memref<10000x128xf32, #tpu.memory_space<hbm>>) target(%arg12 : memref<128x128xf32, #tpu.memory_space<vmem>>) offsets(%dma_start3A_31 : memref<128xi32, #tpu.memory_space<vmem>>) semaphore(%arg15 : memref<!tpu.dma_semaphore, #tpu.memory_space<semaphore_mem>>)
      %dma_start3A_35 = arith.constant 1 : i32
      %dma_start3A_36 = arith.constant 0 : i32
      %dma_start3A_37 = tpu.memref_slice %arg10[%dma_start3A_35, %dma_start3A_36] : memref<82x128xi32, #tpu.memory_space<vmem>> -> memref<1x128xi32, #tpu.memory_space<vmem>>
      %dma_start3A_38 = tpu.memref_squeeze %dma_start3A_37 : memref<1x128xi32, #tpu.memory_space<vmem>> -> memref<128xi32, #tpu.memory_space<vmem>>
      %dma_start3A_39 = arith.constant 0 : i32
      %dma_start3A_40 = arith.constant 0 : i32
      %dma_start3A_41 = tpu.memref_slice %arg3[%dma_start3A_39, %dma_start3A_40] : memref<10000x128xf32, #tpu.memory_space<hbm>> -> memref<10000x128xf32, #tpu.memory_space<hbm>>
      tpu.enqueue_indirect_dma source(%dma_start3A_41 : memref<10000x128xf32, #tpu.memory_space<hbm>>) target(%arg13 : memref<128x128xf32, #tpu.memory_space<vmem>>) offsets(%dma_start3A_38 : memref<128xi32, #tpu.memory_space<vmem>>) semaphore(%arg16 : memref<!tpu.dma_semaphore, #tpu.memory_space<semaphore_mem>>)
      %dma_start3A_42 = arith.constant 0 : i32
      %dma_start3A_43 = arith.constant 0 : i32
      %dma_start3A_44 = arith.constant 0 : i32
      %dma_start3A_45 = tpu.memref_slice %arg11[%dma_start3A_43, %dma_start3A_44] : memref<2x128xi32, #tpu.memory_space<vmem>> -> memref<1x128xi32, #tpu.memory_space<vmem>>
      %dma_start3A_46 = tpu.memref_squeeze %dma_start3A_45 : memref<1x128xi32, #tpu.memory_space<vmem>> -> memref<128xi32, #tpu.memory_space<vmem>>
      %dma_start3A_47 = arith.constant 0 : i32
      %dma_start3A_48 = tpu.memref_slice %arg5[%arg1, %dma_start3A_42, %dma_start3A_47] : memref<16x82x128xi32, #tpu.memory_space<hbm>> -> memref<1x1x128xi32, #tpu.memory_space<hbm>>
      %dma_start3A_49 = tpu.memref_squeeze %dma_start3A_48 : memref<1x1x128xi32, #tpu.memory_space<hbm>> -> memref<128xi32, #tpu.memory_space<hbm>>
      %dma_start3A_50 = arith.constant 0 : i32
      %dma_start3A_51 = tpu.memref_slice %arg11[%dma_start3A_43, %dma_start3A_50] : memref<2x128xi32, #tpu.memory_space<vmem>> -> memref<1x128xi32, #tpu.memory_space<vmem>>
      %dma_start3A_52 = tpu.memref_squeeze %dma_start3A_51 : memref<1x128xi32, #tpu.memory_space<vmem>> -> memref<128xi32, #tpu.memory_space<vmem>>
      %dma_start3A_53 = arith.constant 0 : i32
      %dma_start3A_54 = tpu.memref_slice %arg5[%arg1, %dma_start3A_42, %dma_start3A_53] : memref<16x82x128xi32, #tpu.memory_space<hbm>> -> memref<1x1x128xi32, #tpu.memory_space<hbm>>
      %dma_start3A_55 = tpu.memref_squeeze %dma_start3A_54 : memref<1x1x128xi32, #tpu.memory_space<hbm>> -> memref<128xi32, #tpu.memory_space<hbm>>
      tpu.enqueue_dma source(%dma_start3A_55 : memref<128xi32, #tpu.memory_space<hbm>>) target(%dma_start3A_52 : memref<128xi32, #tpu.memory_space<vmem>>) target_semaphore(%arg17 : memref<!tpu.dma_semaphore, #tpu.memory_space<semaphore_mem>>)
      %dma_start3A_56 = arith.constant 1 : i32
      %dma_start3A_57 = arith.constant 1 : i32
      %dma_start3A_58 = arith.constant 0 : i32
      %dma_start3A_59 = tpu.memref_slice %arg11[%dma_start3A_57, %dma_start3A_58] : memref<2x128xi32, #tpu.memory_space<vmem>> -> memref<1x128xi32, #tpu.memory_space<vmem>>
      %dma_start3A_60 = tpu.memref_squeeze %dma_start3A_59 : memref<1x128xi32, #tpu.memory_space<vmem>> -> memref<128xi32, #tpu.memory_space<vmem>>
      %dma_start3A_61 = arith.constant 0 : i32
      %dma_start3A_62 = tpu.memref_slice %arg5[%arg1, %dma_start3A_56, %dma_start3A_61] : memref<16x82x128xi32, #tpu.memory_space<hbm>> -> memref<1x1x128xi32, #tpu.memory_space<hbm>>
      %dma_start3A_63 = tpu.memref_squeeze %dma_start3A_62 : memref<1x1x128xi32, #tpu.memory_space<hbm>> -> memref<128xi32, #tpu.memory_space<hbm>>
      %dma_start3A_64 = arith.constant 0 : i32
      %dma_start3A_65 = tpu.memref_slice %arg11[%dma_start3A_57, %dma_start3A_64] : memref<2x128xi32, #tpu.memory_space<vmem>> -> memref<1x128xi32, #tpu.memory_space<vmem>>
      %dma_start3A_66 = tpu.memref_squeeze %dma_start3A_65 : memref<1x128xi32, #tpu.memory_space<vmem>> -> memref<128xi32, #tpu.memory_space<vmem>>
      %dma_start3A_67 = arith.constant 0 : i32
      %dma_start3A_68 = tpu.memref_slice %arg5[%arg1, %dma_start3A_56, %dma_start3A_67] : memref<16x82x128xi32, #tpu.memory_space<hbm>> -> memref<1x1x128xi32, #tpu.memory_space<hbm>>
      %dma_start3A_69 = tpu.memref_squeeze %dma_start3A_68 : memref<1x1x128xi32, #tpu.memory_space<hbm>> -> memref<128xi32, #tpu.memory_space<hbm>>
      tpu.enqueue_dma source(%dma_start3A_69 : memref<128xi32, #tpu.memory_space<hbm>>) target(%dma_start3A_66 : memref<128xi32, #tpu.memory_space<vmem>>) target_semaphore(%arg18 : memref<!tpu.dma_semaphore, #tpu.memory_space<semaphore_mem>>)
    } else {
    }
    "tpu.region"() ({
      %run_scoped3A = tpu.sem_alloc : memref<!tpu.dma_semaphore, #tpu.memory_space<semaphore_mem>>
      %dma_start3A = arith.constant 0 : i32
      %dma_start3A_29 = tpu.memref_slice %arg14[%mul3A_0, %dma_start3A] : memref<10240x128xf32, #tpu.memory_space<vmem_shared>> -> memref<640x128xf32, #tpu.memory_space<vmem_shared>>
      %dma_start3A_30 = arith.constant 0 : i32
      %dma_start3A_31 = tpu.memref_slice %arg6[%mul3A_0, %dma_start3A_30] : memref<10240x128xf32, #tpu.memory_space<hbm>> -> memref<640x128xf32, #tpu.memory_space<hbm>>
      tpu.enqueue_dma source(%dma_start3A_31 : memref<640x128xf32, #tpu.memory_space<hbm>>) target(%dma_start3A_29 : memref<640x128xf32, #tpu.memory_space<vmem_shared>>) target_semaphore(%run_scoped3A : memref<!tpu.dma_semaphore, #tpu.memory_space<semaphore_mem>>)
      %dma_wait3A = arith.constant 0 : i32
      %dma_wait3A_32 = tpu.memref_slice %arg14[%mul3A_0, %dma_wait3A] : memref<10240x128xf32, #tpu.memory_space<vmem_shared>> -> memref<640x128xf32, #tpu.memory_space<vmem_shared>>
      %dma_wait3A_33 = arith.constant 0 : i32
      %dma_wait3A_34 = tpu.memref_slice %arg6[%mul3A_0, %dma_wait3A_33] : memref<10240x128xf32, #tpu.memory_space<hbm>> -> memref<640x128xf32, #tpu.memory_space<hbm>>
      tpu.wait_dma2 semaphore(%run_scoped3A : memref<!tpu.dma_semaphore, #tpu.memory_space<semaphore_mem>>) src(%dma_wait3A_34 : memref<640x128xf32, #tpu.memory_space<hbm>>) dst(%dma_wait3A_32 : memref<640x128xf32, #tpu.memory_space<vmem_shared>>)
      tpu.yield
    }) : () -> ()
    %barrier3A = arith.constant 0 : index
    tpu.barrier barrier_id(%barrier3A)
    %eq3A_8 = arith.constant 0 : i32
    %eq3A_9 = arith.cmpi eq, %arg0, %eq3A_8 : i32
    %convert_element_type3A_10 = arith.extui %eq3A_9 : i1 to i32
    %cond3A_11 = arith.constant 0 : i32
    %cond3A_12 = arith.cmpi ne, %convert_element_type3A_10, %cond3A_11 : i32
    scf.if %cond3A_12 {
      %scan3A = arith.constant 0 : i32
      %scan3A_29 = arith.constant 0 : i32
      %scan3A_30 = arith.constant 40 : i32
      %scan3A_31 = arith.addi %scan3A_29, %scan3A_30 : i32
      %scan3A_32 = arith.constant 1 : i32
      scf.for %scan3A_75 = %scan3A_29 to %scan3A_31 step %scan3A_32  : i32 {
        %mul3A_76 = arith.constant 2 : i32
        %mul3A_77 = arith.muli %mul3A_76, %scan3A_75 : i32
        %dma_wait3A_78 = arith.constant 0 : i32
        %dma_wait3A_79 = arith.constant 0 : i32
        %dma_wait3A_80 = tpu.memref_slice %arg10[%dma_wait3A_78, %dma_wait3A_79] : memref<82x128xi32, #tpu.memory_space<vmem>> -> memref<1x128xi32, #tpu.memory_space<vmem>>
        %dma_wait3A_81 = tpu.memref_squeeze %dma_wait3A_80 : memref<1x128xi32, #tpu.memory_space<vmem>> -> memref<128xi32, #tpu.memory_space<vmem>>
        %dma_wait3A_82 = arith.constant 0 : i32
        %dma_wait3A_83 = arith.constant 0 : i32
        %dma_wait3A_84 = tpu.memref_slice %arg2[%dma_wait3A_82, %dma_wait3A_83] : memref<10000x128xf32, #tpu.memory_space<hbm>> -> memref<10000x128xf32, #tpu.memory_space<hbm>>
        tpu.wait_indirect_dma semaphore(%arg15 : memref<!tpu.dma_semaphore, #tpu.memory_space<semaphore_mem>>) src(%dma_wait3A_84 : memref<10000x128xf32, #tpu.memory_space<hbm>>) dst(%arg12 : memref<128x128xf32, #tpu.memory_space<vmem>>)
        %dma_wait3A_85 = arith.constant 0 : i32
        %dma_wait3A_86 = arith.constant 0 : i32
        %dma_wait3A_87 = arith.constant 0 : i32
        %dma_wait3A_88 = tpu.memref_slice %arg11[%dma_wait3A_86, %dma_wait3A_87] : memref<2x128xi32, #tpu.memory_space<vmem>> -> memref<1x128xi32, #tpu.memory_space<vmem>>
        %dma_wait3A_89 = tpu.memref_squeeze %dma_wait3A_88 : memref<1x128xi32, #tpu.memory_space<vmem>> -> memref<128xi32, #tpu.memory_space<vmem>>
        %dma_wait3A_90 = arith.constant 0 : i32
        %dma_wait3A_91 = tpu.memref_slice %arg5[%arg1, %dma_wait3A_85, %dma_wait3A_90] : memref<16x82x128xi32, #tpu.memory_space<hbm>> -> memref<1x1x128xi32, #tpu.memory_space<hbm>>
        %dma_wait3A_92 = tpu.memref_squeeze %dma_wait3A_91 : memref<1x1x128xi32, #tpu.memory_space<hbm>> -> memref<128xi32, #tpu.memory_space<hbm>>
        %dma_wait3A_93 = arith.constant 0 : i32
        %dma_wait3A_94 = tpu.memref_slice %arg11[%dma_wait3A_86, %dma_wait3A_93] : memref<2x128xi32, #tpu.memory_space<vmem>> -> memref<1x128xi32, #tpu.memory_space<vmem>>
        %dma_wait3A_95 = tpu.memref_squeeze %dma_wait3A_94 : memref<1x128xi32, #tpu.memory_space<vmem>> -> memref<128xi32, #tpu.memory_space<vmem>>
        %dma_wait3A_96 = arith.constant 0 : i32
        %dma_wait3A_97 = tpu.memref_slice %arg5[%arg1, %dma_wait3A_85, %dma_wait3A_96] : memref<16x82x128xi32, #tpu.memory_space<hbm>> -> memref<1x1x128xi32, #tpu.memory_space<hbm>>
        %dma_wait3A_98 = tpu.memref_squeeze %dma_wait3A_97 : memref<1x1x128xi32, #tpu.memory_space<hbm>> -> memref<128xi32, #tpu.memory_space<hbm>>
        tpu.wait_dma2 semaphore(%arg17 : memref<!tpu.dma_semaphore, #tpu.memory_space<semaphore_mem>>) src(%dma_wait3A_98 : memref<128xi32, #tpu.memory_space<hbm>>) dst(%dma_wait3A_95 : memref<128xi32, #tpu.memory_space<vmem>>)
        %run_scoped3A = arith.constant 0 : i32
        "tpu.region"() ({
          %run_scoped3A_165 = tpu.sem_alloc : memref<!tpu.dma_semaphore, #tpu.memory_space<semaphore_mem>>
          %dma_start3A_166 = arith.constant 0 : i32
          %dma_start3A_167 = tpu.memref_slice %arg11[%run_scoped3A, %dma_start3A_166] : memref<2x128xi32, #tpu.memory_space<vmem>> -> memref<1x128xi32, #tpu.memory_space<vmem>>
          %dma_start3A_168 = tpu.memref_squeeze %dma_start3A_167 : memref<1x128xi32, #tpu.memory_space<vmem>> -> memref<128xi32, #tpu.memory_space<vmem>>
          %dma_start3A_169 = arith.constant 0 : i32
          %dma_start3A_170 = arith.constant 0 : i32
          %dma_start3A_171 = tpu.memref_slice %arg14[%dma_start3A_169, %dma_start3A_170] : memref<10240x128xf32, #tpu.memory_space<vmem_shared>> -> memref<10240x128xf32, #tpu.memory_space<vmem_shared>>
          tpu.enqueue_indirect_dma source(%arg12 : memref<128x128xf32, #tpu.memory_space<vmem>>) target(%dma_start3A_171 : memref<10240x128xf32, #tpu.memory_space<vmem_shared>>) offsets(%dma_start3A_168 : memref<128xi32, #tpu.memory_space<vmem>>) semaphore(%run_scoped3A_165 : memref<!tpu.dma_semaphore, #tpu.memory_space<semaphore_mem>>) {add = true}
          %dma_wait3A_172 = arith.constant 0 : i32
          %dma_wait3A_173 = tpu.memref_slice %arg11[%run_scoped3A, %dma_wait3A_172] : memref<2x128xi32, #tpu.memory_space<vmem>> -> memref<1x128xi32, #tpu.memory_space<vmem>>
          %dma_wait3A_174 = tpu.memref_squeeze %dma_wait3A_173 : memref<1x128xi32, #tpu.memory_space<vmem>> -> memref<128xi32, #tpu.memory_space<vmem>>
          %dma_wait3A_175 = arith.constant 0 : i32
          %dma_wait3A_176 = arith.constant 0 : i32
          %dma_wait3A_177 = tpu.memref_slice %arg14[%dma_wait3A_175, %dma_wait3A_176] : memref<10240x128xf32, #tpu.memory_space<vmem_shared>> -> memref<10240x128xf32, #tpu.memory_space<vmem_shared>>
          tpu.wait_indirect_dma semaphore(%run_scoped3A_165 : memref<!tpu.dma_semaphore, #tpu.memory_space<semaphore_mem>>) src(%arg12 : memref<128x128xf32, #tpu.memory_space<vmem>>) dst(%dma_wait3A_177 : memref<10240x128xf32, #tpu.memory_space<vmem_shared>>)
          tpu.yield
        }) : () -> ()
        %add3A = arith.constant 2 : i32
        %add3A_99 = arith.addi %mul3A_77, %add3A : i32
        %dma_start3A = arith.constant 0 : i32
        %dma_start3A_100 = tpu.memref_slice %arg10[%add3A_99, %dma_start3A] : memref<82x128xi32, #tpu.memory_space<vmem>> -> memref<1x128xi32, #tpu.memory_space<vmem>>
        %dma_start3A_101 = tpu.memref_squeeze %dma_start3A_100 : memref<1x128xi32, #tpu.memory_space<vmem>> -> memref<128xi32, #tpu.memory_space<vmem>>
        %dma_start3A_102 = arith.constant 0 : i32
        %dma_start3A_103 = arith.constant 0 : i32
        %dma_start3A_104 = tpu.memref_slice %arg2[%dma_start3A_102, %dma_start3A_103] : memref<10000x128xf32, #tpu.memory_space<hbm>> -> memref<10000x128xf32, #tpu.memory_space<hbm>>
        tpu.enqueue_indirect_dma source(%dma_start3A_104 : memref<10000x128xf32, #tpu.memory_space<hbm>>) target(%arg12 : memref<128x128xf32, #tpu.memory_space<vmem>>) offsets(%dma_start3A_101 : memref<128xi32, #tpu.memory_space<vmem>>) semaphore(%arg15 : memref<!tpu.dma_semaphore, #tpu.memory_space<semaphore_mem>>)
        %add3A_105 = arith.constant 2 : i32
        %add3A_106 = arith.addi %mul3A_77, %add3A_105 : i32
        %dma_start3A_107 = arith.constant 0 : i32
        %dma_start3A_108 = arith.constant 0 : i32
        %dma_start3A_109 = tpu.memref_slice %arg11[%dma_start3A_107, %dma_start3A_108] : memref<2x128xi32, #tpu.memory_space<vmem>> -> memref<1x128xi32, #tpu.memory_space<vmem>>
        %dma_start3A_110 = tpu.memref_squeeze %dma_start3A_109 : memref<1x128xi32, #tpu.memory_space<vmem>> -> memref<128xi32, #tpu.memory_space<vmem>>
        %dma_start3A_111 = arith.constant 0 : i32
        %dma_start3A_112 = tpu.memref_slice %arg5[%arg1, %add3A_106, %dma_start3A_111] : memref<16x82x128xi32, #tpu.memory_space<hbm>> -> memref<1x1x128xi32, #tpu.memory_space<hbm>>
        %dma_start3A_113 = tpu.memref_squeeze %dma_start3A_112 : memref<1x1x128xi32, #tpu.memory_space<hbm>> -> memref<128xi32, #tpu.memory_space<hbm>>
        %dma_start3A_114 = arith.constant 0 : i32
        %dma_start3A_115 = tpu.memref_slice %arg11[%dma_start3A_107, %dma_start3A_114] : memref<2x128xi32, #tpu.memory_space<vmem>> -> memref<1x128xi32, #tpu.memory_space<vmem>>
        %dma_start3A_116 = tpu.memref_squeeze %dma_start3A_115 : memref<1x128xi32, #tpu.memory_space<vmem>> -> memref<128xi32, #tpu.memory_space<vmem>>
        %dma_start3A_117 = arith.constant 0 : i32
        %dma_start3A_118 = tpu.memref_slice %arg5[%arg1, %add3A_106, %dma_start3A_117] : memref<16x82x128xi32, #tpu.memory_space<hbm>> -> memref<1x1x128xi32, #tpu.memory_space<hbm>>
        %dma_start3A_119 = tpu.memref_squeeze %dma_start3A_118 : memref<1x1x128xi32, #tpu.memory_space<hbm>> -> memref<128xi32, #tpu.memory_space<hbm>>
        tpu.enqueue_dma source(%dma_start3A_119 : memref<128xi32, #tpu.memory_space<hbm>>) target(%dma_start3A_116 : memref<128xi32, #tpu.memory_space<vmem>>) target_semaphore(%arg17 : memref<!tpu.dma_semaphore, #tpu.memory_space<semaphore_mem>>)
        %dma_wait3A_120 = arith.constant 1 : i32
        %dma_wait3A_121 = arith.constant 0 : i32
        %dma_wait3A_122 = tpu.memref_slice %arg10[%dma_wait3A_120, %dma_wait3A_121] : memref<82x128xi32, #tpu.memory_space<vmem>> -> memref<1x128xi32, #tpu.memory_space<vmem>>
        %dma_wait3A_123 = tpu.memref_squeeze %dma_wait3A_122 : memref<1x128xi32, #tpu.memory_space<vmem>> -> memref<128xi32, #tpu.memory_space<vmem>>
        %dma_wait3A_124 = arith.constant 0 : i32
        %dma_wait3A_125 = arith.constant 0 : i32
        %dma_wait3A_126 = tpu.memref_slice %arg2[%dma_wait3A_124, %dma_wait3A_125] : memref<10000x128xf32, #tpu.memory_space<hbm>> -> memref<10000x128xf32, #tpu.memory_space<hbm>>
        tpu.wait_indirect_dma semaphore(%arg16 : memref<!tpu.dma_semaphore, #tpu.memory_space<semaphore_mem>>) src(%dma_wait3A_126 : memref<10000x128xf32, #tpu.memory_space<hbm>>) dst(%arg13 : memref<128x128xf32, #tpu.memory_space<vmem>>)
        %dma_wait3A_127 = arith.constant 1 : i32
        %dma_wait3A_128 = arith.constant 1 : i32
        %dma_wait3A_129 = arith.constant 0 : i32
        %dma_wait3A_130 = tpu.memref_slice %arg11[%dma_wait3A_128, %dma_wait3A_129] : memref<2x128xi32, #tpu.memory_space<vmem>> -> memref<1x128xi32, #tpu.memory_space<vmem>>
        %dma_wait3A_131 = tpu.memref_squeeze %dma_wait3A_130 : memref<1x128xi32, #tpu.memory_space<vmem>> -> memref<128xi32, #tpu.memory_space<vmem>>
        %dma_wait3A_132 = arith.constant 0 : i32
        %dma_wait3A_133 = tpu.memref_slice %arg5[%arg1, %dma_wait3A_127, %dma_wait3A_132] : memref<16x82x128xi32, #tpu.memory_space<hbm>> -> memref<1x1x128xi32, #tpu.memory_space<hbm>>
        %dma_wait3A_134 = tpu.memref_squeeze %dma_wait3A_133 : memref<1x1x128xi32, #tpu.memory_space<hbm>> -> memref<128xi32, #tpu.memory_space<hbm>>
        %dma_wait3A_135 = arith.constant 0 : i32
        %dma_wait3A_136 = tpu.memref_slice %arg11[%dma_wait3A_128, %dma_wait3A_135] : memref<2x128xi32, #tpu.memory_space<vmem>> -> memref<1x128xi32, #tpu.memory_space<vmem>>
        %dma_wait3A_137 = tpu.memref_squeeze %dma_wait3A_136 : memref<1x128xi32, #tpu.memory_space<vmem>> -> memref<128xi32, #tpu.memory_space<vmem>>
        %dma_wait3A_138 = arith.constant 0 : i32
        %dma_wait3A_139 = tpu.memref_slice %arg5[%arg1, %dma_wait3A_127, %dma_wait3A_138] : memref<16x82x128xi32, #tpu.memory_space<hbm>> -> memref<1x1x128xi32, #tpu.memory_space<hbm>>
        %dma_wait3A_140 = tpu.memref_squeeze %dma_wait3A_139 : memref<1x1x128xi32, #tpu.memory_space<hbm>> -> memref<128xi32, #tpu.memory_space<hbm>>
        tpu.wait_dma2 semaphore(%arg18 : memref<!tpu.dma_semaphore, #tpu.memory_space<semaphore_mem>>) src(%dma_wait3A_140 : memref<128xi32, #tpu.memory_space<hbm>>) dst(%dma_wait3A_137 : memref<128xi32, #tpu.memory_space<vmem>>)
        %run_scoped3A_141 = arith.constant 1 : i32
        "tpu.region"() ({
          %run_scoped3A_165 = tpu.sem_alloc : memref<!tpu.dma_semaphore, #tpu.memory_space<semaphore_mem>>
          %dma_start3A_166 = arith.constant 0 : i32
          %dma_start3A_167 = tpu.memref_slice %arg11[%run_scoped3A_141, %dma_start3A_166] : memref<2x128xi32, #tpu.memory_space<vmem>> -> memref<1x128xi32, #tpu.memory_space<vmem>>
          %dma_start3A_168 = tpu.memref_squeeze %dma_start3A_167 : memref<1x128xi32, #tpu.memory_space<vmem>> -> memref<128xi32, #tpu.memory_space<vmem>>
          %dma_start3A_169 = arith.constant 0 : i32
          %dma_start3A_170 = arith.constant 0 : i32
          %dma_start3A_171 = tpu.memref_slice %arg14[%dma_start3A_169, %dma_start3A_170] : memref<10240x128xf32, #tpu.memory_space<vmem_shared>> -> memref<10240x128xf32, #tpu.memory_space<vmem_shared>>
          tpu.enqueue_indirect_dma source(%arg13 : memref<128x128xf32, #tpu.memory_space<vmem>>) target(%dma_start3A_171 : memref<10240x128xf32, #tpu.memory_space<vmem_shared>>) offsets(%dma_start3A_168 : memref<128xi32, #tpu.memory_space<vmem>>) semaphore(%run_scoped3A_165 : memref<!tpu.dma_semaphore, #tpu.memory_space<semaphore_mem>>) {add = true}
          %dma_wait3A_172 = arith.constant 0 : i32
          %dma_wait3A_173 = tpu.memref_slice %arg11[%run_scoped3A_141, %dma_wait3A_172] : memref<2x128xi32, #tpu.memory_space<vmem>> -> memref<1x128xi32, #tpu.memory_space<vmem>>
          %dma_wait3A_174 = tpu.memref_squeeze %dma_wait3A_173 : memref<1x128xi32, #tpu.memory_space<vmem>> -> memref<128xi32, #tpu.memory_space<vmem>>
          %dma_wait3A_175 = arith.constant 0 : i32
          %dma_wait3A_176 = arith.constant 0 : i32
          %dma_wait3A_177 = tpu.memref_slice %arg14[%dma_wait3A_175, %dma_wait3A_176] : memref<10240x128xf32, #tpu.memory_space<vmem_shared>> -> memref<10240x128xf32, #tpu.memory_space<vmem_shared>>
          tpu.wait_indirect_dma semaphore(%run_scoped3A_165 : memref<!tpu.dma_semaphore, #tpu.memory_space<semaphore_mem>>) src(%arg13 : memref<128x128xf32, #tpu.memory_space<vmem>>) dst(%dma_wait3A_177 : memref<10240x128xf32, #tpu.memory_space<vmem_shared>>)
          tpu.yield
        }) : () -> ()
        %add3A_142 = arith.constant 3 : i32
        %add3A_143 = arith.addi %mul3A_77, %add3A_142 : i32
        %dma_start3A_144 = arith.constant 0 : i32
        %dma_start3A_145 = tpu.memref_slice %arg10[%add3A_143, %dma_start3A_144] : memref<82x128xi32, #tpu.memory_space<vmem>> -> memref<1x128xi32, #tpu.memory_space<vmem>>
        %dma_start3A_146 = tpu.memref_squeeze %dma_start3A_145 : memref<1x128xi32, #tpu.memory_space<vmem>> -> memref<128xi32, #tpu.memory_space<vmem>>
        %dma_start3A_147 = arith.constant 0 : i32
        %dma_start3A_148 = arith.constant 0 : i32
        %dma_start3A_149 = tpu.memref_slice %arg2[%dma_start3A_147, %dma_start3A_148] : memref<10000x128xf32, #tpu.memory_space<hbm>> -> memref<10000x128xf32, #tpu.memory_space<hbm>>
        tpu.enqueue_indirect_dma source(%dma_start3A_149 : memref<10000x128xf32, #tpu.memory_space<hbm>>) target(%arg13 : memref<128x128xf32, #tpu.memory_space<vmem>>) offsets(%dma_start3A_146 : memref<128xi32, #tpu.memory_space<vmem>>) semaphore(%arg16 : memref<!tpu.dma_semaphore, #tpu.memory_space<semaphore_mem>>)
        %add3A_150 = arith.constant 3 : i32
        %add3A_151 = arith.addi %mul3A_77, %add3A_150 : i32
        %dma_start3A_152 = arith.constant 1 : i32
        %dma_start3A_153 = arith.constant 0 : i32
        %dma_start3A_154 = tpu.memref_slice %arg11[%dma_start3A_152, %dma_start3A_153] : memref<2x128xi32, #tpu.memory_space<vmem>> -> memref<1x128xi32, #tpu.memory_space<vmem>>
        %dma_start3A_155 = tpu.memref_squeeze %dma_start3A_154 : memref<1x128xi32, #tpu.memory_space<vmem>> -> memref<128xi32, #tpu.memory_space<vmem>>
        %dma_start3A_156 = arith.constant 0 : i32
        %dma_start3A_157 = tpu.memref_slice %arg5[%arg1, %add3A_151, %dma_start3A_156] : memref<16x82x128xi32, #tpu.memory_space<hbm>> -> memref<1x1x128xi32, #tpu.memory_space<hbm>>
        %dma_start3A_158 = tpu.memref_squeeze %dma_start3A_157 : memref<1x1x128xi32, #tpu.memory_space<hbm>> -> memref<128xi32, #tpu.memory_space<hbm>>
        %dma_start3A_159 = arith.constant 0 : i32
        %dma_start3A_160 = tpu.memref_slice %arg11[%dma_start3A_152, %dma_start3A_159] : memref<2x128xi32, #tpu.memory_space<vmem>> -> memref<1x128xi32, #tpu.memory_space<vmem>>
        %dma_start3A_161 = tpu.memref_squeeze %dma_start3A_160 : memref<1x128xi32, #tpu.memory_space<vmem>> -> memref<128xi32, #tpu.memory_space<vmem>>
        %dma_start3A_162 = arith.constant 0 : i32
        %dma_start3A_163 = tpu.memref_slice %arg5[%arg1, %add3A_151, %dma_start3A_162] : memref<16x82x128xi32, #tpu.memory_space<hbm>> -> memref<1x1x128xi32, #tpu.memory_space<hbm>>
        %dma_start3A_164 = tpu.memref_squeeze %dma_start3A_163 : memref<1x1x128xi32, #tpu.memory_space<hbm>> -> memref<128xi32, #tpu.memory_space<hbm>>
        tpu.enqueue_dma source(%dma_start3A_164 : memref<128xi32, #tpu.memory_space<hbm>>) target(%dma_start3A_161 : memref<128xi32, #tpu.memory_space<vmem>>) target_semaphore(%arg18 : memref<!tpu.dma_semaphore, #tpu.memory_space<semaphore_mem>>)
      }
      %scan3A_33 = arith.constant 40 : i32
      %dma_wait3A = arith.constant 0 : i32
      %dma_wait3A_34 = arith.constant 0 : i32
      %dma_wait3A_35 = tpu.memref_slice %arg10[%dma_wait3A, %dma_wait3A_34] : memref<82x128xi32, #tpu.memory_space<vmem>> -> memref<1x128xi32, #tpu.memory_space<vmem>>
      %dma_wait3A_36 = tpu.memref_squeeze %dma_wait3A_35 : memref<1x128xi32, #tpu.memory_space<vmem>> -> memref<128xi32, #tpu.memory_space<vmem>>
      %dma_wait3A_37 = arith.constant 0 : i32
      %dma_wait3A_38 = arith.constant 0 : i32
      %dma_wait3A_39 = tpu.memref_slice %arg2[%dma_wait3A_37, %dma_wait3A_38] : memref<10000x128xf32, #tpu.memory_space<hbm>> -> memref<10000x128xf32, #tpu.memory_space<hbm>>
      tpu.wait_indirect_dma semaphore(%arg15 : memref<!tpu.dma_semaphore, #tpu.memory_space<semaphore_mem>>) src(%dma_wait3A_39 : memref<10000x128xf32, #tpu.memory_space<hbm>>) dst(%arg12 : memref<128x128xf32, #tpu.memory_space<vmem>>)
      %dma_wait3A_40 = arith.constant 1 : i32
      %dma_wait3A_41 = arith.constant 0 : i32
      %dma_wait3A_42 = tpu.memref_slice %arg10[%dma_wait3A_40, %dma_wait3A_41] : memref<82x128xi32, #tpu.memory_space<vmem>> -> memref<1x128xi32, #tpu.memory_space<vmem>>
      %dma_wait3A_43 = tpu.memref_squeeze %dma_wait3A_42 : memref<1x128xi32, #tpu.memory_space<vmem>> -> memref<128xi32, #tpu.memory_space<vmem>>
      %dma_wait3A_44 = arith.constant 0 : i32
      %dma_wait3A_45 = arith.constant 0 : i32
      %dma_wait3A_46 = tpu.memref_slice %arg2[%dma_wait3A_44, %dma_wait3A_45] : memref<10000x128xf32, #tpu.memory_space<hbm>> -> memref<10000x128xf32, #tpu.memory_space<hbm>>
      tpu.wait_indirect_dma semaphore(%arg16 : memref<!tpu.dma_semaphore, #tpu.memory_space<semaphore_mem>>) src(%dma_wait3A_46 : memref<10000x128xf32, #tpu.memory_space<hbm>>) dst(%arg13 : memref<128x128xf32, #tpu.memory_space<vmem>>)
      %dma_wait3A_47 = arith.constant 0 : i32
      %dma_wait3A_48 = arith.constant 0 : i32
      %dma_wait3A_49 = arith.constant 0 : i32
      %dma_wait3A_50 = tpu.memref_slice %arg11[%dma_wait3A_48, %dma_wait3A_49] : memref<2x128xi32, #tpu.memory_space<vmem>> -> memref<1x128xi32, #tpu.memory_space<vmem>>
      %dma_wait3A_51 = tpu.memref_squeeze %dma_wait3A_50 : memref<1x128xi32, #tpu.memory_space<vmem>> -> memref<128xi32, #tpu.memory_space<vmem>>
      %dma_wait3A_52 = arith.constant 0 : i32
      %dma_wait3A_53 = tpu.memref_slice %arg5[%arg1, %dma_wait3A_47, %dma_wait3A_52] : memref<16x82x128xi32, #tpu.memory_space<hbm>> -> memref<1x1x128xi32, #tpu.memory_space<hbm>>
      %dma_wait3A_54 = tpu.memref_squeeze %dma_wait3A_53 : memref<1x1x128xi32, #tpu.memory_space<hbm>> -> memref<128xi32, #tpu.memory_space<hbm>>
      %dma_wait3A_55 = arith.constant 0 : i32
      %dma_wait3A_56 = tpu.memref_slice %arg11[%dma_wait3A_48, %dma_wait3A_55] : memref<2x128xi32, #tpu.memory_space<vmem>> -> memref<1x128xi32, #tpu.memory_space<vmem>>
      %dma_wait3A_57 = tpu.memref_squeeze %dma_wait3A_56 : memref<1x128xi32, #tpu.memory_space<vmem>> -> memref<128xi32, #tpu.memory_space<vmem>>
      %dma_wait3A_58 = arith.constant 0 : i32
      %dma_wait3A_59 = tpu.memref_slice %arg5[%arg1, %dma_wait3A_47, %dma_wait3A_58] : memref<16x82x128xi32, #tpu.memory_space<hbm>> -> memref<1x1x128xi32, #tpu.memory_space<hbm>>
      %dma_wait3A_60 = tpu.memref_squeeze %dma_wait3A_59 : memref<1x1x128xi32, #tpu.memory_space<hbm>> -> memref<128xi32, #tpu.memory_space<hbm>>
      tpu.wait_dma2 semaphore(%arg17 : memref<!tpu.dma_semaphore, #tpu.memory_space<semaphore_mem>>) src(%dma_wait3A_60 : memref<128xi32, #tpu.memory_space<hbm>>) dst(%dma_wait3A_57 : memref<128xi32, #tpu.memory_space<vmem>>)
      %dma_wait3A_61 = arith.constant 1 : i32
      %dma_wait3A_62 = arith.constant 1 : i32
      %dma_wait3A_63 = arith.constant 0 : i32
      %dma_wait3A_64 = tpu.memref_slice %arg11[%dma_wait3A_62, %dma_wait3A_63] : memref<2x128xi32, #tpu.memory_space<vmem>> -> memref<1x128xi32, #tpu.memory_space<vmem>>
      %dma_wait3A_65 = tpu.memref_squeeze %dma_wait3A_64 : memref<1x128xi32, #tpu.memory_space<vmem>> -> memref<128xi32, #tpu.memory_space<vmem>>
      %dma_wait3A_66 = arith.constant 0 : i32
      %dma_wait3A_67 = tpu.memref_slice %arg5[%arg1, %dma_wait3A_61, %dma_wait3A_66] : memref<16x82x128xi32, #tpu.memory_space<hbm>> -> memref<1x1x128xi32, #tpu.memory_space<hbm>>
      %dma_wait3A_68 = tpu.memref_squeeze %dma_wait3A_67 : memref<1x1x128xi32, #tpu.memory_space<hbm>> -> memref<128xi32, #tpu.memory_space<hbm>>
      %dma_wait3A_69 = arith.constant 0 : i32
      %dma_wait3A_70 = tpu.memref_slice %arg11[%dma_wait3A_62, %dma_wait3A_69] : memref<2x128xi32, #tpu.memory_space<vmem>> -> memref<1x128xi32, #tpu.memory_space<vmem>>
      %dma_wait3A_71 = tpu.memref_squeeze %dma_wait3A_70 : memref<1x128xi32, #tpu.memory_space<vmem>> -> memref<128xi32, #tpu.memory_space<vmem>>
      %dma_wait3A_72 = arith.constant 0 : i32
      %dma_wait3A_73 = tpu.memref_slice %arg5[%arg1, %dma_wait3A_61, %dma_wait3A_72] : memref<16x82x128xi32, #tpu.memory_space<hbm>> -> memref<1x1x128xi32, #tpu.memory_space<hbm>>
      %dma_wait3A_74 = tpu.memref_squeeze %dma_wait3A_73 : memref<1x1x128xi32, #tpu.memory_space<hbm>> -> memref<128xi32, #tpu.memory_space<hbm>>
      tpu.wait_dma2 semaphore(%arg18 : memref<!tpu.dma_semaphore, #tpu.memory_space<semaphore_mem>>) src(%dma_wait3A_74 : memref<128xi32, #tpu.memory_space<hbm>>) dst(%dma_wait3A_71 : memref<128xi32, #tpu.memory_space<vmem>>)
    } else {
    }
    %eq3A_13 = arith.constant 1 : i32
    %eq3A_14 = arith.cmpi eq, %arg0, %eq3A_13 : i32
    %convert_element_type3A_15 = arith.extui %eq3A_14 : i1 to i32
    %cond3A_16 = arith.constant 0 : i32
    %cond3A_17 = arith.cmpi ne, %convert_element_type3A_15, %cond3A_16 : i32
    scf.if %cond3A_17 {
      %scan3A = arith.constant 0 : i32
      %scan3A_29 = arith.constant 0 : i32
      %scan3A_30 = arith.constant 40 : i32
      %scan3A_31 = arith.addi %scan3A_29, %scan3A_30 : i32
      %scan3A_32 = arith.constant 1 : i32
      scf.for %scan3A_75 = %scan3A_29 to %scan3A_31 step %scan3A_32  : i32 {
        %mul3A_76 = arith.constant 2 : i32
        %mul3A_77 = arith.muli %mul3A_76, %scan3A_75 : i32
        %dma_wait3A_78 = arith.constant 0 : i32
        %dma_wait3A_79 = arith.constant 0 : i32
        %dma_wait3A_80 = tpu.memref_slice %arg10[%dma_wait3A_78, %dma_wait3A_79] : memref<82x128xi32, #tpu.memory_space<vmem>> -> memref<1x128xi32, #tpu.memory_space<vmem>>
        %dma_wait3A_81 = tpu.memref_squeeze %dma_wait3A_80 : memref<1x128xi32, #tpu.memory_space<vmem>> -> memref<128xi32, #tpu.memory_space<vmem>>
        %dma_wait3A_82 = arith.constant 0 : i32
        %dma_wait3A_83 = arith.constant 0 : i32
        %dma_wait3A_84 = tpu.memref_slice %arg3[%dma_wait3A_82, %dma_wait3A_83] : memref<10000x128xf32, #tpu.memory_space<hbm>> -> memref<10000x128xf32, #tpu.memory_space<hbm>>
        tpu.wait_indirect_dma semaphore(%arg15 : memref<!tpu.dma_semaphore, #tpu.memory_space<semaphore_mem>>) src(%dma_wait3A_84 : memref<10000x128xf32, #tpu.memory_space<hbm>>) dst(%arg12 : memref<128x128xf32, #tpu.memory_space<vmem>>)
        %dma_wait3A_85 = arith.constant 0 : i32
        %dma_wait3A_86 = arith.constant 0 : i32
        %dma_wait3A_87 = arith.constant 0 : i32
        %dma_wait3A_88 = tpu.memref_slice %arg11[%dma_wait3A_86, %dma_wait3A_87] : memref<2x128xi32, #tpu.memory_space<vmem>> -> memref<1x128xi32, #tpu.memory_space<vmem>>
        %dma_wait3A_89 = tpu.memref_squeeze %dma_wait3A_88 : memref<1x128xi32, #tpu.memory_space<vmem>> -> memref<128xi32, #tpu.memory_space<vmem>>
        %dma_wait3A_90 = arith.constant 0 : i32
        %dma_wait3A_91 = tpu.memref_slice %arg5[%arg1, %dma_wait3A_85, %dma_wait3A_90] : memref<16x82x128xi32, #tpu.memory_space<hbm>> -> memref<1x1x128xi32, #tpu.memory_space<hbm>>
        %dma_wait3A_92 = tpu.memref_squeeze %dma_wait3A_91 : memref<1x1x128xi32, #tpu.memory_space<hbm>> -> memref<128xi32, #tpu.memory_space<hbm>>
        %dma_wait3A_93 = arith.constant 0 : i32
        %dma_wait3A_94 = tpu.memref_slice %arg11[%dma_wait3A_86, %dma_wait3A_93] : memref<2x128xi32, #tpu.memory_space<vmem>> -> memref<1x128xi32, #tpu.memory_space<vmem>>
        %dma_wait3A_95 = tpu.memref_squeeze %dma_wait3A_94 : memref<1x128xi32, #tpu.memory_space<vmem>> -> memref<128xi32, #tpu.memory_space<vmem>>
        %dma_wait3A_96 = arith.constant 0 : i32
        %dma_wait3A_97 = tpu.memref_slice %arg5[%arg1, %dma_wait3A_85, %dma_wait3A_96] : memref<16x82x128xi32, #tpu.memory_space<hbm>> -> memref<1x1x128xi32, #tpu.memory_space<hbm>>
        %dma_wait3A_98 = tpu.memref_squeeze %dma_wait3A_97 : memref<1x1x128xi32, #tpu.memory_space<hbm>> -> memref<128xi32, #tpu.memory_space<hbm>>
        tpu.wait_dma2 semaphore(%arg17 : memref<!tpu.dma_semaphore, #tpu.memory_space<semaphore_mem>>) src(%dma_wait3A_98 : memref<128xi32, #tpu.memory_space<hbm>>) dst(%dma_wait3A_95 : memref<128xi32, #tpu.memory_space<vmem>>)
        %run_scoped3A = arith.constant 0 : i32
        "tpu.region"() ({
          %run_scoped3A_165 = tpu.sem_alloc : memref<!tpu.dma_semaphore, #tpu.memory_space<semaphore_mem>>
          %dma_start3A_166 = arith.constant 0 : i32
          %dma_start3A_167 = tpu.memref_slice %arg11[%run_scoped3A, %dma_start3A_166] : memref<2x128xi32, #tpu.memory_space<vmem>> -> memref<1x128xi32, #tpu.memory_space<vmem>>
          %dma_start3A_168 = tpu.memref_squeeze %dma_start3A_167 : memref<1x128xi32, #tpu.memory_space<vmem>> -> memref<128xi32, #tpu.memory_space<vmem>>
          %dma_start3A_169 = arith.constant 0 : i32
          %dma_start3A_170 = arith.constant 0 : i32
          %dma_start3A_171 = tpu.memref_slice %arg14[%dma_start3A_169, %dma_start3A_170] : memref<10240x128xf32, #tpu.memory_space<vmem_shared>> -> memref<10240x128xf32, #tpu.memory_space<vmem_shared>>
          tpu.enqueue_indirect_dma source(%arg12 : memref<128x128xf32, #tpu.memory_space<vmem>>) target(%dma_start3A_171 : memref<10240x128xf32, #tpu.memory_space<vmem_shared>>) offsets(%dma_start3A_168 : memref<128xi32, #tpu.memory_space<vmem>>) semaphore(%run_scoped3A_165 : memref<!tpu.dma_semaphore, #tpu.memory_space<semaphore_mem>>) {add = true}
          %dma_wait3A_172 = arith.constant 0 : i32
          %dma_wait3A_173 = tpu.memref_slice %arg11[%run_scoped3A, %dma_wait3A_172] : memref<2x128xi32, #tpu.memory_space<vmem>> -> memref<1x128xi32, #tpu.memory_space<vmem>>
          %dma_wait3A_174 = tpu.memref_squeeze %dma_wait3A_173 : memref<1x128xi32, #tpu.memory_space<vmem>> -> memref<128xi32, #tpu.memory_space<vmem>>
          %dma_wait3A_175 = arith.constant 0 : i32
          %dma_wait3A_176 = arith.constant 0 : i32
          %dma_wait3A_177 = tpu.memref_slice %arg14[%dma_wait3A_175, %dma_wait3A_176] : memref<10240x128xf32, #tpu.memory_space<vmem_shared>> -> memref<10240x128xf32, #tpu.memory_space<vmem_shared>>
          tpu.wait_indirect_dma semaphore(%run_scoped3A_165 : memref<!tpu.dma_semaphore, #tpu.memory_space<semaphore_mem>>) src(%arg12 : memref<128x128xf32, #tpu.memory_space<vmem>>) dst(%dma_wait3A_177 : memref<10240x128xf32, #tpu.memory_space<vmem_shared>>)
          tpu.yield
        }) : () -> ()
        %add3A = arith.constant 2 : i32
        %add3A_99 = arith.addi %mul3A_77, %add3A : i32
        %dma_start3A = arith.constant 0 : i32
        %dma_start3A_100 = tpu.memref_slice %arg10[%add3A_99, %dma_start3A] : memref<82x128xi32, #tpu.memory_space<vmem>> -> memref<1x128xi32, #tpu.memory_space<vmem>>
        %dma_start3A_101 = tpu.memref_squeeze %dma_start3A_100 : memref<1x128xi32, #tpu.memory_space<vmem>> -> memref<128xi32, #tpu.memory_space<vmem>>
        %dma_start3A_102 = arith.constant 0 : i32
        %dma_start3A_103 = arith.constant 0 : i32
        %dma_start3A_104 = tpu.memref_slice %arg3[%dma_start3A_102, %dma_start3A_103] : memref<10000x128xf32, #tpu.memory_space<hbm>> -> memref<10000x128xf32, #tpu.memory_space<hbm>>
        tpu.enqueue_indirect_dma source(%dma_start3A_104 : memref<10000x128xf32, #tpu.memory_space<hbm>>) target(%arg12 : memref<128x128xf32, #tpu.memory_space<vmem>>) offsets(%dma_start3A_101 : memref<128xi32, #tpu.memory_space<vmem>>) semaphore(%arg15 : memref<!tpu.dma_semaphore, #tpu.memory_space<semaphore_mem>>)
        %add3A_105 = arith.constant 2 : i32
        %add3A_106 = arith.addi %mul3A_77, %add3A_105 : i32
        %dma_start3A_107 = arith.constant 0 : i32
        %dma_start3A_108 = arith.constant 0 : i32
        %dma_start3A_109 = tpu.memref_slice %arg11[%dma_start3A_107, %dma_start3A_108] : memref<2x128xi32, #tpu.memory_space<vmem>> -> memref<1x128xi32, #tpu.memory_space<vmem>>
        %dma_start3A_110 = tpu.memref_squeeze %dma_start3A_109 : memref<1x128xi32, #tpu.memory_space<vmem>> -> memref<128xi32, #tpu.memory_space<vmem>>
        %dma_start3A_111 = arith.constant 0 : i32
        %dma_start3A_112 = tpu.memref_slice %arg5[%arg1, %add3A_106, %dma_start3A_111] : memref<16x82x128xi32, #tpu.memory_space<hbm>> -> memref<1x1x128xi32, #tpu.memory_space<hbm>>
        %dma_start3A_113 = tpu.memref_squeeze %dma_start3A_112 : memref<1x1x128xi32, #tpu.memory_space<hbm>> -> memref<128xi32, #tpu.memory_space<hbm>>
        %dma_start3A_114 = arith.constant 0 : i32
        %dma_start3A_115 = tpu.memref_slice %arg11[%dma_start3A_107, %dma_start3A_114] : memref<2x128xi32, #tpu.memory_space<vmem>> -> memref<1x128xi32, #tpu.memory_space<vmem>>
        %dma_start3A_116 = tpu.memref_squeeze %dma_start3A_115 : memref<1x128xi32, #tpu.memory_space<vmem>> -> memref<128xi32, #tpu.memory_space<vmem>>
        %dma_start3A_117 = arith.constant 0 : i32
        %dma_start3A_118 = tpu.memref_slice %arg5[%arg1, %add3A_106, %dma_start3A_117] : memref<16x82x128xi32, #tpu.memory_space<hbm>> -> memref<1x1x128xi32, #tpu.memory_space<hbm>>
        %dma_start3A_119 = tpu.memref_squeeze %dma_start3A_118 : memref<1x1x128xi32, #tpu.memory_space<hbm>> -> memref<128xi32, #tpu.memory_space<hbm>>
        tpu.enqueue_dma source(%dma_start3A_119 : memref<128xi32, #tpu.memory_space<hbm>>) target(%dma_start3A_116 : memref<128xi32, #tpu.memory_space<vmem>>) target_semaphore(%arg17 : memref<!tpu.dma_semaphore, #tpu.memory_space<semaphore_mem>>)
        %dma_wait3A_120 = arith.constant 1 : i32
        %dma_wait3A_121 = arith.constant 0 : i32
        %dma_wait3A_122 = tpu.memref_slice %arg10[%dma_wait3A_120, %dma_wait3A_121] : memref<82x128xi32, #tpu.memory_space<vmem>> -> memref<1x128xi32, #tpu.memory_space<vmem>>
        %dma_wait3A_123 = tpu.memref_squeeze %dma_wait3A_122 : memref<1x128xi32, #tpu.memory_space<vmem>> -> memref<128xi32, #tpu.memory_space<vmem>>
        %dma_wait3A_124 = arith.constant 0 : i32
        %dma_wait3A_125 = arith.constant 0 : i32
        %dma_wait3A_126 = tpu.memref_slice %arg3[%dma_wait3A_124, %dma_wait3A_125] : memref<10000x128xf32, #tpu.memory_space<hbm>> -> memref<10000x128xf32, #tpu.memory_space<hbm>>
        tpu.wait_indirect_dma semaphore(%arg16 : memref<!tpu.dma_semaphore, #tpu.memory_space<semaphore_mem>>) src(%dma_wait3A_126 : memref<10000x128xf32, #tpu.memory_space<hbm>>) dst(%arg13 : memref<128x128xf32, #tpu.memory_space<vmem>>)
        %dma_wait3A_127 = arith.constant 1 : i32
        %dma_wait3A_128 = arith.constant 1 : i32
        %dma_wait3A_129 = arith.constant 0 : i32
        %dma_wait3A_130 = tpu.memref_slice %arg11[%dma_wait3A_128, %dma_wait3A_129] : memref<2x128xi32, #tpu.memory_space<vmem>> -> memref<1x128xi32, #tpu.memory_space<vmem>>
        %dma_wait3A_131 = tpu.memref_squeeze %dma_wait3A_130 : memref<1x128xi32, #tpu.memory_space<vmem>> -> memref<128xi32, #tpu.memory_space<vmem>>
        %dma_wait3A_132 = arith.constant 0 : i32
        %dma_wait3A_133 = tpu.memref_slice %arg5[%arg1, %dma_wait3A_127, %dma_wait3A_132] : memref<16x82x128xi32, #tpu.memory_space<hbm>> -> memref<1x1x128xi32, #tpu.memory_space<hbm>>
        %dma_wait3A_134 = tpu.memref_squeeze %dma_wait3A_133 : memref<1x1x128xi32, #tpu.memory_space<hbm>> -> memref<128xi32, #tpu.memory_space<hbm>>
        %dma_wait3A_135 = arith.constant 0 : i32
        %dma_wait3A_136 = tpu.memref_slice %arg11[%dma_wait3A_128, %dma_wait3A_135] : memref<2x128xi32, #tpu.memory_space<vmem>> -> memref<1x128xi32, #tpu.memory_space<vmem>>
        %dma_wait3A_137 = tpu.memref_squeeze %dma_wait3A_136 : memref<1x128xi32, #tpu.memory_space<vmem>> -> memref<128xi32, #tpu.memory_space<vmem>>
        %dma_wait3A_138 = arith.constant 0 : i32
        %dma_wait3A_139 = tpu.memref_slice %arg5[%arg1, %dma_wait3A_127, %dma_wait3A_138] : memref<16x82x128xi32, #tpu.memory_space<hbm>> -> memref<1x1x128xi32, #tpu.memory_space<hbm>>
        %dma_wait3A_140 = tpu.memref_squeeze %dma_wait3A_139 : memref<1x1x128xi32, #tpu.memory_space<hbm>> -> memref<128xi32, #tpu.memory_space<hbm>>
        tpu.wait_dma2 semaphore(%arg18 : memref<!tpu.dma_semaphore, #tpu.memory_space<semaphore_mem>>) src(%dma_wait3A_140 : memref<128xi32, #tpu.memory_space<hbm>>) dst(%dma_wait3A_137 : memref<128xi32, #tpu.memory_space<vmem>>)
        %run_scoped3A_141 = arith.constant 1 : i32
        "tpu.region"() ({
          %run_scoped3A_165 = tpu.sem_alloc : memref<!tpu.dma_semaphore, #tpu.memory_space<semaphore_mem>>
          %dma_start3A_166 = arith.constant 0 : i32
          %dma_start3A_167 = tpu.memref_slice %arg11[%run_scoped3A_141, %dma_start3A_166] : memref<2x128xi32, #tpu.memory_space<vmem>> -> memref<1x128xi32, #tpu.memory_space<vmem>>
          %dma_start3A_168 = tpu.memref_squeeze %dma_start3A_167 : memref<1x128xi32, #tpu.memory_space<vmem>> -> memref<128xi32, #tpu.memory_space<vmem>>
          %dma_start3A_169 = arith.constant 0 : i32
          %dma_start3A_170 = arith.constant 0 : i32
          %dma_start3A_171 = tpu.memref_slice %arg14[%dma_start3A_169, %dma_start3A_170] : memref<10240x128xf32, #tpu.memory_space<vmem_shared>> -> memref<10240x128xf32, #tpu.memory_space<vmem_shared>>
          tpu.enqueue_indirect_dma source(%arg13 : memref<128x128xf32, #tpu.memory_space<vmem>>) target(%dma_start3A_171 : memref<10240x128xf32, #tpu.memory_space<vmem_shared>>) offsets(%dma_start3A_168 : memref<128xi32, #tpu.memory_space<vmem>>) semaphore(%run_scoped3A_165 : memref<!tpu.dma_semaphore, #tpu.memory_space<semaphore_mem>>) {add = true}
          %dma_wait3A_172 = arith.constant 0 : i32
          %dma_wait3A_173 = tpu.memref_slice %arg11[%run_scoped3A_141, %dma_wait3A_172] : memref<2x128xi32, #tpu.memory_space<vmem>> -> memref<1x128xi32, #tpu.memory_space<vmem>>
          %dma_wait3A_174 = tpu.memref_squeeze %dma_wait3A_173 : memref<1x128xi32, #tpu.memory_space<vmem>> -> memref<128xi32, #tpu.memory_space<vmem>>
          %dma_wait3A_175 = arith.constant 0 : i32
          %dma_wait3A_176 = arith.constant 0 : i32
          %dma_wait3A_177 = tpu.memref_slice %arg14[%dma_wait3A_175, %dma_wait3A_176] : memref<10240x128xf32, #tpu.memory_space<vmem_shared>> -> memref<10240x128xf32, #tpu.memory_space<vmem_shared>>
          tpu.wait_indirect_dma semaphore(%run_scoped3A_165 : memref<!tpu.dma_semaphore, #tpu.memory_space<semaphore_mem>>) src(%arg13 : memref<128x128xf32, #tpu.memory_space<vmem>>) dst(%dma_wait3A_177 : memref<10240x128xf32, #tpu.memory_space<vmem_shared>>)
          tpu.yield
        }) : () -> ()
        %add3A_142 = arith.constant 3 : i32
        %add3A_143 = arith.addi %mul3A_77, %add3A_142 : i32
        %dma_start3A_144 = arith.constant 0 : i32
        %dma_start3A_145 = tpu.memref_slice %arg10[%add3A_143, %dma_start3A_144] : memref<82x128xi32, #tpu.memory_space<vmem>> -> memref<1x128xi32, #tpu.memory_space<vmem>>
        %dma_start3A_146 = tpu.memref_squeeze %dma_start3A_145 : memref<1x128xi32, #tpu.memory_space<vmem>> -> memref<128xi32, #tpu.memory_space<vmem>>
        %dma_start3A_147 = arith.constant 0 : i32
        %dma_start3A_148 = arith.constant 0 : i32
        %dma_start3A_149 = tpu.memref_slice %arg3[%dma_start3A_147, %dma_start3A_148] : memref<10000x128xf32, #tpu.memory_space<hbm>> -> memref<10000x128xf32, #tpu.memory_space<hbm>>
        tpu.enqueue_indirect_dma source(%dma_start3A_149 : memref<10000x128xf32, #tpu.memory_space<hbm>>) target(%arg13 : memref<128x128xf32, #tpu.memory_space<vmem>>) offsets(%dma_start3A_146 : memref<128xi32, #tpu.memory_space<vmem>>) semaphore(%arg16 : memref<!tpu.dma_semaphore, #tpu.memory_space<semaphore_mem>>)
        %add3A_150 = arith.constant 3 : i32
        %add3A_151 = arith.addi %mul3A_77, %add3A_150 : i32
        %dma_start3A_152 = arith.constant 1 : i32
        %dma_start3A_153 = arith.constant 0 : i32
        %dma_start3A_154 = tpu.memref_slice %arg11[%dma_start3A_152, %dma_start3A_153] : memref<2x128xi32, #tpu.memory_space<vmem>> -> memref<1x128xi32, #tpu.memory_space<vmem>>
        %dma_start3A_155 = tpu.memref_squeeze %dma_start3A_154 : memref<1x128xi32, #tpu.memory_space<vmem>> -> memref<128xi32, #tpu.memory_space<vmem>>
        %dma_start3A_156 = arith.constant 0 : i32
        %dma_start3A_157 = tpu.memref_slice %arg5[%arg1, %add3A_151, %dma_start3A_156] : memref<16x82x128xi32, #tpu.memory_space<hbm>> -> memref<1x1x128xi32, #tpu.memory_space<hbm>>
        %dma_start3A_158 = tpu.memref_squeeze %dma_start3A_157 : memref<1x1x128xi32, #tpu.memory_space<hbm>> -> memref<128xi32, #tpu.memory_space<hbm>>
        %dma_start3A_159 = arith.constant 0 : i32
        %dma_start3A_160 = tpu.memref_slice %arg11[%dma_start3A_152, %dma_start3A_159] : memref<2x128xi32, #tpu.memory_space<vmem>> -> memref<1x128xi32, #tpu.memory_space<vmem>>
        %dma_start3A_161 = tpu.memref_squeeze %dma_start3A_160 : memref<1x128xi32, #tpu.memory_space<vmem>> -> memref<128xi32, #tpu.memory_space<vmem>>
        %dma_start3A_162 = arith.constant 0 : i32
        %dma_start3A_163 = tpu.memref_slice %arg5[%arg1, %add3A_151, %dma_start3A_162] : memref<16x82x128xi32, #tpu.memory_space<hbm>> -> memref<1x1x128xi32, #tpu.memory_space<hbm>>
        %dma_start3A_164 = tpu.memref_squeeze %dma_start3A_163 : memref<1x1x128xi32, #tpu.memory_space<hbm>> -> memref<128xi32, #tpu.memory_space<hbm>>
        tpu.enqueue_dma source(%dma_start3A_164 : memref<128xi32, #tpu.memory_space<hbm>>) target(%dma_start3A_161 : memref<128xi32, #tpu.memory_space<vmem>>) target_semaphore(%arg18 : memref<!tpu.dma_semaphore, #tpu.memory_space<semaphore_mem>>)
      }
      %scan3A_33 = arith.constant 40 : i32
      %dma_wait3A = arith.constant 0 : i32
      %dma_wait3A_34 = arith.constant 0 : i32
      %dma_wait3A_35 = tpu.memref_slice %arg10[%dma_wait3A, %dma_wait3A_34] : memref<82x128xi32, #tpu.memory_space<vmem>> -> memref<1x128xi32, #tpu.memory_space<vmem>>
      %dma_wait3A_36 = tpu.memref_squeeze %dma_wait3A_35 : memref<1x128xi32, #tpu.memory_space<vmem>> -> memref<128xi32, #tpu.memory_space<vmem>>
      %dma_wait3A_37 = arith.constant 0 : i32
      %dma_wait3A_38 = arith.constant 0 : i32
      %dma_wait3A_39 = tpu.memref_slice %arg3[%dma_wait3A_37, %dma_wait3A_38] : memref<10000x128xf32, #tpu.memory_space<hbm>> -> memref<10000x128xf32, #tpu.memory_space<hbm>>
      tpu.wait_indirect_dma semaphore(%arg15 : memref<!tpu.dma_semaphore, #tpu.memory_space<semaphore_mem>>) src(%dma_wait3A_39 : memref<10000x128xf32, #tpu.memory_space<hbm>>) dst(%arg12 : memref<128x128xf32, #tpu.memory_space<vmem>>)
      %dma_wait3A_40 = arith.constant 1 : i32
      %dma_wait3A_41 = arith.constant 0 : i32
      %dma_wait3A_42 = tpu.memref_slice %arg10[%dma_wait3A_40, %dma_wait3A_41] : memref<82x128xi32, #tpu.memory_space<vmem>> -> memref<1x128xi32, #tpu.memory_space<vmem>>
      %dma_wait3A_43 = tpu.memref_squeeze %dma_wait3A_42 : memref<1x128xi32, #tpu.memory_space<vmem>> -> memref<128xi32, #tpu.memory_space<vmem>>
      %dma_wait3A_44 = arith.constant 0 : i32
      %dma_wait3A_45 = arith.constant 0 : i32
      %dma_wait3A_46 = tpu.memref_slice %arg3[%dma_wait3A_44, %dma_wait3A_45] : memref<10000x128xf32, #tpu.memory_space<hbm>> -> memref<10000x128xf32, #tpu.memory_space<hbm>>
      tpu.wait_indirect_dma semaphore(%arg16 : memref<!tpu.dma_semaphore, #tpu.memory_space<semaphore_mem>>) src(%dma_wait3A_46 : memref<10000x128xf32, #tpu.memory_space<hbm>>) dst(%arg13 : memref<128x128xf32, #tpu.memory_space<vmem>>)
      %dma_wait3A_47 = arith.constant 0 : i32
      %dma_wait3A_48 = arith.constant 0 : i32
      %dma_wait3A_49 = arith.constant 0 : i32
      %dma_wait3A_50 = tpu.memref_slice %arg11[%dma_wait3A_48, %dma_wait3A_49] : memref<2x128xi32, #tpu.memory_space<vmem>> -> memref<1x128xi32, #tpu.memory_space<vmem>>
      %dma_wait3A_51 = tpu.memref_squeeze %dma_wait3A_50 : memref<1x128xi32, #tpu.memory_space<vmem>> -> memref<128xi32, #tpu.memory_space<vmem>>
      %dma_wait3A_52 = arith.constant 0 : i32
      %dma_wait3A_53 = tpu.memref_slice %arg5[%arg1, %dma_wait3A_47, %dma_wait3A_52] : memref<16x82x128xi32, #tpu.memory_space<hbm>> -> memref<1x1x128xi32, #tpu.memory_space<hbm>>
      %dma_wait3A_54 = tpu.memref_squeeze %dma_wait3A_53 : memref<1x1x128xi32, #tpu.memory_space<hbm>> -> memref<128xi32, #tpu.memory_space<hbm>>
      %dma_wait3A_55 = arith.constant 0 : i32
      %dma_wait3A_56 = tpu.memref_slice %arg11[%dma_wait3A_48, %dma_wait3A_55] : memref<2x128xi32, #tpu.memory_space<vmem>> -> memref<1x128xi32, #tpu.memory_space<vmem>>
      %dma_wait3A_57 = tpu.memref_squeeze %dma_wait3A_56 : memref<1x128xi32, #tpu.memory_space<vmem>> -> memref<128xi32, #tpu.memory_space<vmem>>
      %dma_wait3A_58 = arith.constant 0 : i32
      %dma_wait3A_59 = tpu.memref_slice %arg5[%arg1, %dma_wait3A_47, %dma_wait3A_58] : memref<16x82x128xi32, #tpu.memory_space<hbm>> -> memref<1x1x128xi32, #tpu.memory_space<hbm>>
      %dma_wait3A_60 = tpu.memref_squeeze %dma_wait3A_59 : memref<1x1x128xi32, #tpu.memory_space<hbm>> -> memref<128xi32, #tpu.memory_space<hbm>>
      tpu.wait_dma2 semaphore(%arg17 : memref<!tpu.dma_semaphore, #tpu.memory_space<semaphore_mem>>) src(%dma_wait3A_60 : memref<128xi32, #tpu.memory_space<hbm>>) dst(%dma_wait3A_57 : memref<128xi32, #tpu.memory_space<vmem>>)
      %dma_wait3A_61 = arith.constant 1 : i32
      %dma_wait3A_62 = arith.constant 1 : i32
      %dma_wait3A_63 = arith.constant 0 : i32
      %dma_wait3A_64 = tpu.memref_slice %arg11[%dma_wait3A_62, %dma_wait3A_63] : memref<2x128xi32, #tpu.memory_space<vmem>> -> memref<1x128xi32, #tpu.memory_space<vmem>>
      %dma_wait3A_65 = tpu.memref_squeeze %dma_wait3A_64 : memref<1x128xi32, #tpu.memory_space<vmem>> -> memref<128xi32, #tpu.memory_space<vmem>>
      %dma_wait3A_66 = arith.constant 0 : i32
      %dma_wait3A_67 = tpu.memref_slice %arg5[%arg1, %dma_wait3A_61, %dma_wait3A_66] : memref<16x82x128xi32, #tpu.memory_space<hbm>> -> memref<1x1x128xi32, #tpu.memory_space<hbm>>
      %dma_wait3A_68 = tpu.memref_squeeze %dma_wait3A_67 : memref<1x1x128xi32, #tpu.memory_space<hbm>> -> memref<128xi32, #tpu.memory_space<hbm>>
      %dma_wait3A_69 = arith.constant 0 : i32
      %dma_wait3A_70 = tpu.memref_slice %arg11[%dma_wait3A_62, %dma_wait3A_69] : memref<2x128xi32, #tpu.memory_space<vmem>> -> memref<1x128xi32, #tpu.memory_space<vmem>>
      %dma_wait3A_71 = tpu.memref_squeeze %dma_wait3A_70 : memref<1x128xi32, #tpu.memory_space<vmem>> -> memref<128xi32, #tpu.memory_space<vmem>>
      %dma_wait3A_72 = arith.constant 0 : i32
      %dma_wait3A_73 = tpu.memref_slice %arg5[%arg1, %dma_wait3A_61, %dma_wait3A_72] : memref<16x82x128xi32, #tpu.memory_space<hbm>> -> memref<1x1x128xi32, #tpu.memory_space<hbm>>
      %dma_wait3A_74 = tpu.memref_squeeze %dma_wait3A_73 : memref<1x1x128xi32, #tpu.memory_space<hbm>> -> memref<128xi32, #tpu.memory_space<hbm>>
      tpu.wait_dma2 semaphore(%arg18 : memref<!tpu.dma_semaphore, #tpu.memory_space<semaphore_mem>>) src(%dma_wait3A_74 : memref<128xi32, #tpu.memory_space<hbm>>) dst(%dma_wait3A_71 : memref<128xi32, #tpu.memory_space<vmem>>)
    } else {
    }
    %barrier3A_18 = arith.constant 0 : index
    tpu.barrier barrier_id(%barrier3A_18)
    %eq3A_19 = arith.constant 0 : i32
    %eq3A_20 = arith.cmpi eq, %arg0, %eq3A_19 : i32
    %convert_element_type3A_21 = arith.extui %eq3A_20 : i1 to i32
    %cond3A_22 = arith.constant 0 : i32
    %cond3A_23 = arith.cmpi ne, %convert_element_type3A_21, %cond3A_22 : i32
    scf.if %cond3A_23 {
      "tpu.region"() ({
        %run_scoped3A = tpu.sem_alloc : memref<!tpu.dma_semaphore, #tpu.memory_space<semaphore_mem>>
        %dma_start3A = arith.constant 0 : i32
        %dma_start3A_29 = tpu.memref_slice %arg8[%mul3A_0, %dma_start3A] : memref<10240x128xf32, #tpu.memory_space<hbm>> -> memref<640x128xf32, #tpu.memory_space<hbm>>
        %dma_start3A_30 = arith.constant 0 : i32
        %dma_start3A_31 = tpu.memref_slice %arg14[%mul3A_0, %dma_start3A_30] : memref<10240x128xf32, #tpu.memory_space<vmem_shared>> -> memref<640x128xf32, #tpu.memory_space<vmem_shared>>
        tpu.enqueue_dma source(%dma_start3A_31 : memref<640x128xf32, #tpu.memory_space<vmem_shared>>) target(%dma_start3A_29 : memref<640x128xf32, #tpu.memory_space<hbm>>) target_semaphore(%run_scoped3A : memref<!tpu.dma_semaphore, #tpu.memory_space<semaphore_mem>>)
        %dma_wait3A = arith.constant 0 : i32
        %dma_wait3A_32 = tpu.memref_slice %arg8[%mul3A_0, %dma_wait3A] : memref<10240x128xf32, #tpu.memory_space<hbm>> -> memref<640x128xf32, #tpu.memory_space<hbm>>
        %dma_wait3A_33 = arith.constant 0 : i32
        %dma_wait3A_34 = tpu.memref_slice %arg14[%mul3A_0, %dma_wait3A_33] : memref<10240x128xf32, #tpu.memory_space<vmem_shared>> -> memref<640x128xf32, #tpu.memory_space<vmem_shared>>
        tpu.wait_dma2 semaphore(%run_scoped3A : memref<!tpu.dma_semaphore, #tpu.memory_space<semaphore_mem>>) src(%dma_wait3A_34 : memref<640x128xf32, #tpu.memory_space<vmem_shared>>) dst(%dma_wait3A_32 : memref<640x128xf32, #tpu.memory_space<hbm>>)
        tpu.yield
      }) : () -> ()
    } else {
    }
    %eq3A_24 = arith.constant 1 : i32
    %eq3A_25 = arith.cmpi eq, %arg0, %eq3A_24 : i32
    %convert_element_type3A_26 = arith.extui %eq3A_25 : i1 to i32
    %cond3A_27 = arith.constant 0 : i32
    %cond3A_28 = arith.cmpi ne, %convert_element_type3A_26, %cond3A_27 : i32
    scf.if %cond3A_28 {
      "tpu.region"() ({
        %run_scoped3A = tpu.sem_alloc : memref<!tpu.dma_semaphore, #tpu.memory_space<semaphore_mem>>
        %dma_start3A = arith.constant 0 : i32
        %dma_start3A_29 = tpu.memref_slice %arg9[%mul3A_0, %dma_start3A] : memref<10240x128xf32, #tpu.memory_space<hbm>> -> memref<640x128xf32, #tpu.memory_space<hbm>>
        %dma_start3A_30 = arith.constant 0 : i32
        %dma_start3A_31 = tpu.memref_slice %arg14[%mul3A_0, %dma_start3A_30] : memref<10240x128xf32, #tpu.memory_space<vmem_shared>> -> memref<640x128xf32, #tpu.memory_space<vmem_shared>>
        tpu.enqueue_dma source(%dma_start3A_31 : memref<640x128xf32, #tpu.memory_space<vmem_shared>>) target(%dma_start3A_29 : memref<640x128xf32, #tpu.memory_space<hbm>>) target_semaphore(%run_scoped3A : memref<!tpu.dma_semaphore, #tpu.memory_space<semaphore_mem>>)
        %dma_wait3A = arith.constant 0 : i32
        %dma_wait3A_32 = tpu.memref_slice %arg9[%mul3A_0, %dma_wait3A] : memref<10240x128xf32, #tpu.memory_space<hbm>> -> memref<640x128xf32, #tpu.memory_space<hbm>>
        %dma_wait3A_33 = arith.constant 0 : i32
        %dma_wait3A_34 = tpu.memref_slice %arg14[%mul3A_0, %dma_wait3A_33] : memref<10240x128xf32, #tpu.memory_space<vmem_shared>> -> memref<640x128xf32, #tpu.memory_space<vmem_shared>>
        tpu.wait_dma2 semaphore(%run_scoped3A : memref<!tpu.dma_semaphore, #tpu.memory_space<semaphore_mem>>) src(%dma_wait3A_34 : memref<640x128xf32, #tpu.memory_space<vmem_shared>>) dst(%dma_wait3A_32 : memref<640x128xf32, #tpu.memory_space<hbm>>)
        tpu.yield
      }) : () -> ()
    } else {
    }
    return
  }
}

#map = affine_map<(d0, d1) -> (0, 0)>
#map1 = affine_map<(d0, d1) -> (0, 0, 0)>
module attributes {stable_mosaic.version = 14 : i64} {
  func.func @k(%arg0: i32, %arg1: i32, %arg2: memref<10000x128xf32, #tpu.memory_space<hbm>>, %arg3: memref<10000x128xf32, #tpu.memory_space<hbm>>, %arg4: memref<16x82x128xi32, #tpu.memory_space<hbm>>, %arg5: memref<16x82x128xi32, #tpu.memory_space<hbm>>, %arg6: memref<10240x128xf32, #tpu.memory_space<hbm>>, %arg7: memref<8x8xf32, #tpu.memory_space<hbm>>, %arg8: memref<10240x128xf32, #tpu.memory_space<hbm>>, %arg9: memref<10240x128xf32, #tpu.memory_space<hbm>>, %arg10: memref<82x128xi32, #tpu.memory_space<vmem>>, %arg11: memref<2x128xi32, #tpu.memory_space<vmem>>, %arg12: memref<128x128xf32, #tpu.memory_space<vmem>>, %arg13: memref<128x128xf32, #tpu.memory_space<vmem>>, %arg14: memref<10240x128xf32, #tpu.memory_space<vmem_shared>>, %arg15: memref<!tpu.dma_semaphore, #tpu.memory_space<semaphore_mem>>, %arg16: memref<!tpu.dma_semaphore, #tpu.memory_space<semaphore_mem>>, %arg17: memref<!tpu.dma_semaphore, #tpu.memory_space<semaphore_mem>>, %arg18: memref<!tpu.dma_semaphore, #tpu.memory_space<semaphore_mem>>) attributes {dimension_semantics = [#tpu.dimension_semantics<core_parallel>, #tpu.dimension_semantics<subcore_parallel>], iteration_bounds = array<i64: 2, 16>, scalar_prefetch = 0 : i64, scratch_operands = 9 : i64, tpu.core_type = #tpu.core_type<sc_vector_subcore>, window_params = [{transform_indices = #map}, {transform_indices = #map}, {transform_indices = #map1}, {transform_indices = #map1}, {transform_indices = #map}, {transform_indices = #map}, {transform_indices = #map}, {transform_indices = #map}]} {
    %mul3A = arith.constant 640 : i32
    %mul3A_0 = arith.muli %arg1, %mul3A : i32
    "tpu.region"() ({
      %run_scoped3A = tpu.sem_alloc : memref<!tpu.dma_semaphore, #tpu.memory_space<semaphore_mem>>
      %dma_start3A = arith.constant 0 : i32
      %dma_start3A_29 = arith.constant 0 : i32
      %dma_start3A_30 = tpu.memref_slice %arg4[%arg1, %dma_start3A, %dma_start3A_29] : memref<16x82x128xi32, #tpu.memory_space<hbm>> -> memref<1x82x128xi32, #tpu.memory_space<hbm>>
      %dma_start3A_31 = tpu.memref_squeeze %dma_start3A_30 : memref<1x82x128xi32, #tpu.memory_space<hbm>> -> memref<82x128xi32, #tpu.memory_space<hbm>>
      %dma_start3A_32 = arith.constant 0 : i32
      %dma_start3A_33 = arith.constant 0 : i32
      %dma_start3A_34 = tpu.memref_slice %arg4[%arg1, %dma_start3A_32, %dma_start3A_33] : memref<16x82x128xi32, #tpu.memory_space<hbm>> -> memref<1x82x128xi32, #tpu.memory_space<hbm>>
      %dma_start3A_35 = tpu.memref_squeeze %dma_start3A_34 : memref<1x82x128xi32, #tpu.memory_space<hbm>> -> memref<82x128xi32, #tpu.memory_space<hbm>>
      tpu.enqueue_dma source(%dma_start3A_35 : memref<82x128xi32, #tpu.memory_space<hbm>>) target(%arg10 : memref<82x128xi32, #tpu.memory_space<vmem>>) target_semaphore(%run_scoped3A : memref<!tpu.dma_semaphore, #tpu.memory_space<semaphore_mem>>)
      %dma_wait3A = arith.constant 0 : i32
      %dma_wait3A_36 = arith.constant 0 : i32
      %dma_wait3A_37 = tpu.memref_slice %arg4[%arg1, %dma_wait3A, %dma_wait3A_36] : memref<16x82x128xi32, #tpu.memory_space<hbm>> -> memref<1x82x128xi32, #tpu.memory_space<hbm>>
      %dma_wait3A_38 = tpu.memref_squeeze %dma_wait3A_37 : memref<1x82x128xi32, #tpu.memory_space<hbm>> -> memref<82x128xi32, #tpu.memory_space<hbm>>
      %dma_wait3A_39 = arith.constant 0 : i32
      %dma_wait3A_40 = arith.constant 0 : i32
      %dma_wait3A_41 = tpu.memref_slice %arg4[%arg1, %dma_wait3A_39, %dma_wait3A_40] : memref<16x82x128xi32, #tpu.memory_space<hbm>> -> memref<1x82x128xi32, #tpu.memory_space<hbm>>
      %dma_wait3A_42 = tpu.memref_squeeze %dma_wait3A_41 : memref<1x82x128xi32, #tpu.memory_space<hbm>> -> memref<82x128xi32, #tpu.memory_space<hbm>>
      tpu.wait_dma2 semaphore(%run_scoped3A : memref<!tpu.dma_semaphore, #tpu.memory_space<semaphore_mem>>) src(%dma_wait3A_42 : memref<82x128xi32, #tpu.memory_space<hbm>>) dst(%arg10 : memref<82x128xi32, #tpu.memory_space<vmem>>)
      tpu.yield
    }) : () -> ()
    %eq3A = arith.constant 0 : i32
    %eq3A_1 = arith.cmpi eq, %arg0, %eq3A : i32
    %convert_element_type3A = arith.extui %eq3A_1 : i1 to i32
    %cond3A = arith.constant 0 : i32
    %cond3A_2 = arith.cmpi ne, %convert_element_type3A, %cond3A : i32
    scf.if %cond3A_2 {
      %dma_start3A = arith.constant 0 : i32
      %dma_start3A_29 = arith.constant 0 : i32
      %dma_start3A_30 = tpu.memref_slice %arg10[%dma_start3A, %dma_start3A_29] : memref<82x128xi32, #tpu.memory_space<vmem>> -> memref<1x128xi32, #tpu.memory_space<vmem>>
      %dma_start3A_31 = tpu.memref_squeeze %dma_start3A_30 : memref<1x128xi32, #tpu.memory_space<vmem>> -> memref<128xi32, #tpu.memory_space<vmem>>
      %dma_start3A_32 = arith.constant 0 : i32
      %dma_start3A_33 = arith.constant 0 : i32
      %dma_start3A_34 = tpu.memref_slice %arg2[%dma_start3A_32, %dma_start3A_33] : memref<10000x128xf32, #tpu.memory_space<hbm>> -> memref<10000x128xf32, #tpu.memory_space<hbm>>
      tpu.enqueue_indirect_dma source(%dma_start3A_34 : memref<10000x128xf32, #tpu.memory_space<hbm>>) target(%arg12 : memref<128x128xf32, #tpu.memory_space<vmem>>) offsets(%dma_start3A_31 : memref<128xi32, #tpu.memory_space<vmem>>) semaphore(%arg15 : memref<!tpu.dma_semaphore, #tpu.memory_space<semaphore_mem>>)
      %dma_start3A_35 = arith.constant 1 : i32
      %dma_start3A_36 = arith.constant 0 : i32
      %dma_start3A_37 = tpu.memref_slice %arg10[%dma_start3A_35, %dma_start3A_36] : memref<82x128xi32, #tpu.memory_space<vmem>> -> memref<1x128xi32, #tpu.memory_space<vmem>>
      %dma_start3A_38 = tpu.memref_squeeze %dma_start3A_37 : memref<1x128xi32, #tpu.memory_space<vmem>> -> memref<128xi32, #tpu.memory_space<vmem>>
      %dma_start3A_39 = arith.constant 0 : i32
      %dma_start3A_40 = arith.constant 0 : i32
      %dma_start3A_41 = tpu.memref_slice %arg2[%dma_start3A_39, %dma_start3A_40] : memref<10000x128xf32, #tpu.memory_space<hbm>> -> memref<10000x128xf32, #tpu.memory_space<hbm>>
      tpu.enqueue_indirect_dma source(%dma_start3A_41 : memref<10000x128xf32, #tpu.memory_space<hbm>>) target(%arg13 : memref<128x128xf32, #tpu.memory_space<vmem>>) offsets(%dma_start3A_38 : memref<128xi32, #tpu.memory_space<vmem>>) semaphore(%arg16 : memref<!tpu.dma_semaphore, #tpu.memory_space<semaphore_mem>>)
      %dma_start3A_42 = arith.constant 0 : i32
      %dma_start3A_43 = arith.constant 0 : i32
      %dma_start3A_44 = arith.constant 0 : i32
      %dma_start3A_45 = tpu.memref_slice %arg11[%dma_start3A_43, %dma_start3A_44] : memref<2x128xi32, #tpu.memory_space<vmem>> -> memref<1x128xi32, #tpu.memory_space<vmem>>
      %dma_start3A_46 = tpu.memref_squeeze %dma_start3A_45 : memref<1x128xi32, #tpu.memory_space<vmem>> -> memref<128xi32, #tpu.memory_space<vmem>>
      %dma_start3A_47 = arith.constant 0 : i32
      %dma_start3A_48 = tpu.memref_slice %arg5[%arg1, %dma_start3A_42, %dma_start3A_47] : memref<16x82x128xi32, #tpu.memory_space<hbm>> -> memref<1x1x128xi32, #tpu.memory_space<hbm>>
      %dma_start3A_49 = tpu.memref_squeeze %dma_start3A_48 : memref<1x1x128xi32, #tpu.memory_space<hbm>> -> memref<128xi32, #tpu.memory_space<hbm>>
      %dma_start3A_50 = arith.constant 0 : i32
      %dma_start3A_51 = tpu.memref_slice %arg11[%dma_start3A_43, %dma_start3A_50] : memref<2x128xi32, #tpu.memory_space<vmem>> -> memref<1x128xi32, #tpu.memory_space<vmem>>
      %dma_start3A_52 = tpu.memref_squeeze %dma_start3A_51 : memref<1x128xi32, #tpu.memory_space<vmem>> -> memref<128xi32, #tpu.memory_space<vmem>>
      %dma_start3A_53 = arith.constant 0 : i32
      %dma_start3A_54 = tpu.memref_slice %arg5[%arg1, %dma_start3A_42, %dma_start3A_53] : memref<16x82x128xi32, #tpu.memory_space<hbm>> -> memref<1x1x128xi32, #tpu.memory_space<hbm>>
      %dma_start3A_55 = tpu.memref_squeeze %dma_start3A_54 : memref<1x1x128xi32, #tpu.memory_space<hbm>> -> memref<128xi32, #tpu.memory_space<hbm>>
      tpu.enqueue_dma source(%dma_start3A_55 : memref<128xi32, #tpu.memory_space<hbm>>) target(%dma_start3A_52 : memref<128xi32, #tpu.memory_space<vmem>>) target_semaphore(%arg17 : memref<!tpu.dma_semaphore, #tpu.memory_space<semaphore_mem>>)
      %dma_start3A_56 = arith.constant 1 : i32
      %dma_start3A_57 = arith.constant 1 : i32
      %dma_start3A_58 = arith.constant 0 : i32
      %dma_start3A_59 = tpu.memref_slice %arg11[%dma_start3A_57, %dma_start3A_58] : memref<2x128xi32, #tpu.memory_space<vmem>> -> memref<1x128xi32, #tpu.memory_space<vmem>>
      %dma_start3A_60 = tpu.memref_squeeze %dma_start3A_59 : memref<1x128xi32, #tpu.memory_space<vmem>> -> memref<128xi32, #tpu.memory_space<vmem>>
      %dma_start3A_61 = arith.constant 0 : i32
      %dma_start3A_62 = tpu.memref_slice %arg5[%arg1, %dma_start3A_56, %dma_start3A_61] : memref<16x82x128xi32, #tpu.memory_space<hbm>> -> memref<1x1x128xi32, #tpu.memory_space<hbm>>
      %dma_start3A_63 = tpu.memref_squeeze %dma_start3A_62 : memref<1x1x128xi32, #tpu.memory_space<hbm>> -> memref<128xi32, #tpu.memory_space<hbm>>
      %dma_start3A_64 = arith.constant 0 : i32
      %dma_start3A_65 = tpu.memref_slice %arg11[%dma_start3A_57, %dma_start3A_64] : memref<2x128xi32, #tpu.memory_space<vmem>> -> memref<1x128xi32, #tpu.memory_space<vmem>>
      %dma_start3A_66 = tpu.memref_squeeze %dma_start3A_65 : memref<1x128xi32, #tpu.memory_space<vmem>> -> memref<128xi32, #tpu.memory_space<vmem>>
      %dma_start3A_67 = arith.constant 0 : i32
      %dma_start3A_68 = tpu.memref_slice %arg5[%arg1, %dma_start3A_56, %dma_start3A_67] : memref<16x82x128xi32, #tpu.memory_space<hbm>> -> memref<1x1x128xi32, #tpu.memory_space<hbm>>
      %dma_start3A_69 = tpu.memref_squeeze %dma_start3A_68 : memref<1x1x128xi32, #tpu.memory_space<hbm>> -> memref<128xi32, #tpu.memory_space<hbm>>
      tpu.enqueue_dma source(%dma_start3A_69 : memref<128xi32, #tpu.memory_space<hbm>>) target(%dma_start3A_66 : memref<128xi32, #tpu.memory_space<vmem>>) target_semaphore(%arg18 : memref<!tpu.dma_semaphore, #tpu.memory_space<semaphore_mem>>)
    } else {
    }
    %eq3A_3 = arith.constant 1 : i32
    %eq3A_4 = arith.cmpi eq, %arg0, %eq3A_3 : i32
    %convert_element_type3A_5 = arith.extui %eq3A_4 : i1 to i32
    %cond3A_6 = arith.constant 0 : i32
    %cond3A_7 = arith.cmpi ne, %convert_element_type3A_5, %cond3A_6 : i32
    scf.if %cond3A_7 {
      %dma_start3A = arith.constant 0 : i32
      %dma_start3A_29 = arith.constant 0 : i32
      %dma_start3A_30 = tpu.memref_slice %arg10[%dma_start3A, %dma_start3A_29] : memref<82x128xi32, #tpu.memory_space<vmem>> -> memref<1x128xi32, #tpu.memory_space<vmem>>
      %dma_start3A_31 = tpu.memref_squeeze %dma_start3A_30 : memref<1x128xi32, #tpu.memory_space<vmem>> -> memref<128xi32, #tpu.memory_space<vmem>>
      %dma_start3A_32 = arith.constant 0 : i32
      %dma_start3A_33 = arith.constant 0 : i32
      %dma_start3A_34 = tpu.memref_slice %arg3[%dma_start3A_32, %dma_start3A_33] : memref<10000x128xf32, #tpu.memory_space<hbm>> -> memref<10000x128xf32, #tpu.memory_space<hbm>>
      tpu.enqueue_indirect_dma source(%dma_start3A_34 : memref<10000x128xf32, #tpu.memory_space<hbm>>) target(%arg12 : memref<128x128xf32, #tpu.memory_space<vmem>>) offsets(%dma_start3A_31 : memref<128xi32, #tpu.memory_space<vmem>>) semaphore(%arg15 : memref<!tpu.dma_semaphore, #tpu.memory_space<semaphore_mem>>)
      %dma_start3A_35 = arith.constant 1 : i32
      %dma_start3A_36 = arith.constant 0 : i32
      %dma_start3A_37 = tpu.memref_slice %arg10[%dma_start3A_35, %dma_start3A_36] : memref<82x128xi32, #tpu.memory_space<vmem>> -> memref<1x128xi32, #tpu.memory_space<vmem>>
      %dma_start3A_38 = tpu.memref_squeeze %dma_start3A_37 : memref<1x128xi32, #tpu.memory_space<vmem>> -> memref<128xi32, #tpu.memory_space<vmem>>
      %dma_start3A_39 = arith.constant 0 : i32
      %dma_start3A_40 = arith.constant 0 : i32
      %dma_start3A_41 = tpu.memref_slice %arg3[%dma_start3A_39, %dma_start3A_40] : memref<10000x128xf32, #tpu.memory_space<hbm>> -> memref<10000x128xf32, #tpu.memory_space<hbm>>
      tpu.enqueue_indirect_dma source(%dma_start3A_41 : memref<10000x128xf32, #tpu.memory_space<hbm>>) target(%arg13 : memref<128x128xf32, #tpu.memory_space<vmem>>) offsets(%dma_start3A_38 : memref<128xi32, #tpu.memory_space<vmem>>) semaphore(%arg16 : memref<!tpu.dma_semaphore, #tpu.memory_space<semaphore_mem>>)
      %dma_start3A_42 = arith.constant 0 : i32
      %dma_start3A_43 = arith.constant 0 : i32
      %dma_start3A_44 = arith.constant 0 : i32
      %dma_start3A_45 = tpu.memref_slice %arg11[%dma_start3A_43, %dma_start3A_44] : memref<2x128xi32, #tpu.memory_space<vmem>> -> memref<1x128xi32, #tpu.memory_space<vmem>>
      %dma_start3A_46 = tpu.memref_squeeze %dma_start3A_45 : memref<1x128xi32, #tpu.memory_space<vmem>> -> memref<128xi32, #tpu.memory_space<vmem>>
      %dma_start3A_47 = arith.constant 0 : i32
      %dma_start3A_48 = tpu.memref_slice %arg5[%arg1, %dma_start3A_42, %dma_start3A_47] : memref<16x82x128xi32, #tpu.memory_space<hbm>> -> memref<1x1x128xi32, #tpu.memory_space<hbm>>
      %dma_start3A_49 = tpu.memref_squeeze %dma_start3A_48 : memref<1x1x128xi32, #tpu.memory_space<hbm>> -> memref<128xi32, #tpu.memory_space<hbm>>
      %dma_start3A_50 = arith.constant 0 : i32
      %dma_start3A_51 = tpu.memref_slice %arg11[%dma_start3A_43, %dma_start3A_50] : memref<2x128xi32, #tpu.memory_space<vmem>> -> memref<1x128xi32, #tpu.memory_space<vmem>>
      %dma_start3A_52 = tpu.memref_squeeze %dma_start3A_51 : memref<1x128xi32, #tpu.memory_space<vmem>> -> memref<128xi32, #tpu.memory_space<vmem>>
      %dma_start3A_53 = arith.constant 0 : i32
      %dma_start3A_54 = tpu.memref_slice %arg5[%arg1, %dma_start3A_42, %dma_start3A_53] : memref<16x82x128xi32, #tpu.memory_space<hbm>> -> memref<1x1x128xi32, #tpu.memory_space<hbm>>
      %dma_start3A_55 = tpu.memref_squeeze %dma_start3A_54 : memref<1x1x128xi32, #tpu.memory_space<hbm>> -> memref<128xi32, #tpu.memory_space<hbm>>
      tpu.enqueue_dma source(%dma_start3A_55 : memref<128xi32, #tpu.memory_space<hbm>>) target(%dma_start3A_52 : memref<128xi32, #tpu.memory_space<vmem>>) target_semaphore(%arg17 : memref<!tpu.dma_semaphore, #tpu.memory_space<semaphore_mem>>)
      %dma_start3A_56 = arith.constant 1 : i32
      %dma_start3A_57 = arith.constant 1 : i32
      %dma_start3A_58 = arith.constant 0 : i32
      %dma_start3A_59 = tpu.memref_slice %arg11[%dma_start3A_57, %dma_start3A_58] : memref<2x128xi32, #tpu.memory_space<vmem>> -> memref<1x128xi32, #tpu.memory_space<vmem>>
      %dma_start3A_60 = tpu.memref_squeeze %dma_start3A_59 : memref<1x128xi32, #tpu.memory_space<vmem>> -> memref<128xi32, #tpu.memory_space<vmem>>
      %dma_start3A_61 = arith.constant 0 : i32
      %dma_start3A_62 = tpu.memref_slice %arg5[%arg1, %dma_start3A_56, %dma_start3A_61] : memref<16x82x128xi32, #tpu.memory_space<hbm>> -> memref<1x1x128xi32, #tpu.memory_space<hbm>>
      %dma_start3A_63 = tpu.memref_squeeze %dma_start3A_62 : memref<1x1x128xi32, #tpu.memory_space<hbm>> -> memref<128xi32, #tpu.memory_space<hbm>>
      %dma_start3A_64 = arith.constant 0 : i32
      %dma_start3A_65 = tpu.memref_slice %arg11[%dma_start3A_57, %dma_start3A_64] : memref<2x128xi32, #tpu.memory_space<vmem>> -> memref<1x128xi32, #tpu.memory_space<vmem>>
      %dma_start3A_66 = tpu.memref_squeeze %dma_start3A_65 : memref<1x128xi32, #tpu.memory_space<vmem>> -> memref<128xi32, #tpu.memory_space<vmem>>
      %dma_start3A_67 = arith.constant 0 : i32
      %dma_start3A_68 = tpu.memref_slice %arg5[%arg1, %dma_start3A_56, %dma_start3A_67] : memref<16x82x128xi32, #tpu.memory_space<hbm>> -> memref<1x1x128xi32, #tpu.memory_space<hbm>>
      %dma_start3A_69 = tpu.memref_squeeze %dma_start3A_68 : memref<1x1x128xi32, #tpu.memory_space<hbm>> -> memref<128xi32, #tpu.memory_space<hbm>>
      tpu.enqueue_dma source(%dma_start3A_69 : memref<128xi32, #tpu.memory_space<hbm>>) target(%dma_start3A_66 : memref<128xi32, #tpu.memory_space<vmem>>) target_semaphore(%arg18 : memref<!tpu.dma_semaphore, #tpu.memory_space<semaphore_mem>>)
    } else {
    }
    "tpu.region"() ({
      %run_scoped3A = tpu.sem_alloc : memref<!tpu.dma_semaphore, #tpu.memory_space<semaphore_mem>>
      %dma_start3A = arith.constant 0 : i32
      %dma_start3A_29 = tpu.memref_slice %arg14[%mul3A_0, %dma_start3A] : memref<10240x128xf32, #tpu.memory_space<vmem_shared>> -> memref<640x128xf32, #tpu.memory_space<vmem_shared>>
      %dma_start3A_30 = arith.constant 0 : i32
      %dma_start3A_31 = tpu.memref_slice %arg6[%mul3A_0, %dma_start3A_30] : memref<10240x128xf32, #tpu.memory_space<hbm>> -> memref<640x128xf32, #tpu.memory_space<hbm>>
      tpu.enqueue_dma source(%dma_start3A_31 : memref<640x128xf32, #tpu.memory_space<hbm>>) target(%dma_start3A_29 : memref<640x128xf32, #tpu.memory_space<vmem_shared>>) target_semaphore(%run_scoped3A : memref<!tpu.dma_semaphore, #tpu.memory_space<semaphore_mem>>)
      %dma_wait3A = arith.constant 0 : i32
      %dma_wait3A_32 = tpu.memref_slice %arg14[%mul3A_0, %dma_wait3A] : memref<10240x128xf32, #tpu.memory_space<vmem_shared>> -> memref<640x128xf32, #tpu.memory_space<vmem_shared>>
      %dma_wait3A_33 = arith.constant 0 : i32
      %dma_wait3A_34 = tpu.memref_slice %arg6[%mul3A_0, %dma_wait3A_33] : memref<10240x128xf32, #tpu.memory_space<hbm>> -> memref<640x128xf32, #tpu.memory_space<hbm>>
      tpu.wait_dma2 semaphore(%run_scoped3A : memref<!tpu.dma_semaphore, #tpu.memory_space<semaphore_mem>>) src(%dma_wait3A_34 : memref<640x128xf32, #tpu.memory_space<hbm>>) dst(%dma_wait3A_32 : memref<640x128xf32, #tpu.memory_space<vmem_shared>>)
      tpu.yield
    }) : () -> ()
    %barrier3A = arith.constant 0 : index
    tpu.barrier barrier_id(%barrier3A)
    %eq3A_8 = arith.constant 0 : i32
    %eq3A_9 = arith.cmpi eq, %arg0, %eq3A_8 : i32
    %convert_element_type3A_10 = arith.extui %eq3A_9 : i1 to i32
    %cond3A_11 = arith.constant 0 : i32
    %cond3A_12 = arith.cmpi ne, %convert_element_type3A_10, %cond3A_11 : i32
    scf.if %cond3A_12 {
      %scan3A = arith.constant 0 : i32
      %scan3A_29 = arith.constant 0 : i32
      %scan3A_30 = arith.constant 40 : i32
      %scan3A_31 = arith.addi %scan3A_29, %scan3A_30 : i32
      %scan3A_32 = arith.constant 1 : i32
      scf.for %scan3A_75 = %scan3A_29 to %scan3A_31 step %scan3A_32  : i32 {
        %mul3A_76 = arith.constant 2 : i32
        %mul3A_77 = arith.muli %mul3A_76, %scan3A_75 : i32
        %dma_wait3A_78 = arith.constant 0 : i32
        %dma_wait3A_79 = arith.constant 0 : i32
        %dma_wait3A_80 = tpu.memref_slice %arg10[%dma_wait3A_78, %dma_wait3A_79] : memref<82x128xi32, #tpu.memory_space<vmem>> -> memref<1x128xi32, #tpu.memory_space<vmem>>
        %dma_wait3A_81 = tpu.memref_squeeze %dma_wait3A_80 : memref<1x128xi32, #tpu.memory_space<vmem>> -> memref<128xi32, #tpu.memory_space<vmem>>
        %dma_wait3A_82 = arith.constant 0 : i32
        %dma_wait3A_83 = arith.constant 0 : i32
        %dma_wait3A_84 = tpu.memref_slice %arg2[%dma_wait3A_82, %dma_wait3A_83] : memref<10000x128xf32, #tpu.memory_space<hbm>> -> memref<10000x128xf32, #tpu.memory_space<hbm>>
        tpu.wait_indirect_dma semaphore(%arg15 : memref<!tpu.dma_semaphore, #tpu.memory_space<semaphore_mem>>) src(%dma_wait3A_84 : memref<10000x128xf32, #tpu.memory_space<hbm>>) dst(%arg12 : memref<128x128xf32, #tpu.memory_space<vmem>>)
        %dma_wait3A_85 = arith.constant 0 : i32
        %dma_wait3A_86 = arith.constant 0 : i32
        %dma_wait3A_87 = arith.constant 0 : i32
        %dma_wait3A_88 = tpu.memref_slice %arg11[%dma_wait3A_86, %dma_wait3A_87] : memref<2x128xi32, #tpu.memory_space<vmem>> -> memref<1x128xi32, #tpu.memory_space<vmem>>
        %dma_wait3A_89 = tpu.memref_squeeze %dma_wait3A_88 : memref<1x128xi32, #tpu.memory_space<vmem>> -> memref<128xi32, #tpu.memory_space<vmem>>
        %dma_wait3A_90 = arith.constant 0 : i32
        %dma_wait3A_91 = tpu.memref_slice %arg5[%arg1, %dma_wait3A_85, %dma_wait3A_90] : memref<16x82x128xi32, #tpu.memory_space<hbm>> -> memref<1x1x128xi32, #tpu.memory_space<hbm>>
        %dma_wait3A_92 = tpu.memref_squeeze %dma_wait3A_91 : memref<1x1x128xi32, #tpu.memory_space<hbm>> -> memref<128xi32, #tpu.memory_space<hbm>>
        %dma_wait3A_93 = arith.constant 0 : i32
        %dma_wait3A_94 = tpu.memref_slice %arg11[%dma_wait3A_86, %dma_wait3A_93] : memref<2x128xi32, #tpu.memory_space<vmem>> -> memref<1x128xi32, #tpu.memory_space<vmem>>
        %dma_wait3A_95 = tpu.memref_squeeze %dma_wait3A_94 : memref<1x128xi32, #tpu.memory_space<vmem>> -> memref<128xi32, #tpu.memory_space<vmem>>
        %dma_wait3A_96 = arith.constant 0 : i32
        %dma_wait3A_97 = tpu.memref_slice %arg5[%arg1, %dma_wait3A_85, %dma_wait3A_96] : memref<16x82x128xi32, #tpu.memory_space<hbm>> -> memref<1x1x128xi32, #tpu.memory_space<hbm>>
        %dma_wait3A_98 = tpu.memref_squeeze %dma_wait3A_97 : memref<1x1x128xi32, #tpu.memory_space<hbm>> -> memref<128xi32, #tpu.memory_space<hbm>>
        tpu.wait_dma2 semaphore(%arg17 : memref<!tpu.dma_semaphore, #tpu.memory_space<semaphore_mem>>) src(%dma_wait3A_98 : memref<128xi32, #tpu.memory_space<hbm>>) dst(%dma_wait3A_95 : memref<128xi32, #tpu.memory_space<vmem>>)
        %run_scoped3A = arith.constant 0 : i32
        "tpu.region"() ({
          %run_scoped3A_165 = tpu.sem_alloc : memref<!tpu.dma_semaphore, #tpu.memory_space<semaphore_mem>>
          %dma_start3A_166 = arith.constant 0 : i32
          %dma_start3A_167 = tpu.memref_slice %arg11[%run_scoped3A, %dma_start3A_166] : memref<2x128xi32, #tpu.memory_space<vmem>> -> memref<1x128xi32, #tpu.memory_space<vmem>>
          %dma_start3A_168 = tpu.memref_squeeze %dma_start3A_167 : memref<1x128xi32, #tpu.memory_space<vmem>> -> memref<128xi32, #tpu.memory_space<vmem>>
          %dma_start3A_169 = arith.constant 0 : i32
          %dma_start3A_170 = arith.constant 0 : i32
          %dma_start3A_171 = tpu.memref_slice %arg14[%dma_start3A_169, %dma_start3A_170] : memref<10240x128xf32, #tpu.memory_space<vmem_shared>> -> memref<10240x128xf32, #tpu.memory_space<vmem_shared>>
          tpu.enqueue_indirect_dma source(%arg12 : memref<128x128xf32, #tpu.memory_space<vmem>>) target(%dma_start3A_171 : memref<10240x128xf32, #tpu.memory_space<vmem_shared>>) offsets(%dma_start3A_168 : memref<128xi32, #tpu.memory_space<vmem>>) semaphore(%run_scoped3A_165 : memref<!tpu.dma_semaphore, #tpu.memory_space<semaphore_mem>>) {add = true}
          %dma_wait3A_172 = arith.constant 0 : i32
          %dma_wait3A_173 = tpu.memref_slice %arg11[%run_scoped3A, %dma_wait3A_172] : memref<2x128xi32, #tpu.memory_space<vmem>> -> memref<1x128xi32, #tpu.memory_space<vmem>>
          %dma_wait3A_174 = tpu.memref_squeeze %dma_wait3A_173 : memref<1x128xi32, #tpu.memory_space<vmem>> -> memref<128xi32, #tpu.memory_space<vmem>>
          %dma_wait3A_175 = arith.constant 0 : i32
          %dma_wait3A_176 = arith.constant 0 : i32
          %dma_wait3A_177 = tpu.memref_slice %arg14[%dma_wait3A_175, %dma_wait3A_176] : memref<10240x128xf32, #tpu.memory_space<vmem_shared>> -> memref<10240x128xf32, #tpu.memory_space<vmem_shared>>
          tpu.wait_indirect_dma semaphore(%run_scoped3A_165 : memref<!tpu.dma_semaphore, #tpu.memory_space<semaphore_mem>>) src(%arg12 : memref<128x128xf32, #tpu.memory_space<vmem>>) dst(%dma_wait3A_177 : memref<10240x128xf32, #tpu.memory_space<vmem_shared>>)
          tpu.yield
        }) : () -> ()
        %add3A = arith.constant 2 : i32
        %add3A_99 = arith.addi %mul3A_77, %add3A : i32
        %dma_start3A = arith.constant 0 : i32
        %dma_start3A_100 = tpu.memref_slice %arg10[%add3A_99, %dma_start3A] : memref<82x128xi32, #tpu.memory_space<vmem>> -> memref<1x128xi32, #tpu.memory_space<vmem>>
        %dma_start3A_101 = tpu.memref_squeeze %dma_start3A_100 : memref<1x128xi32, #tpu.memory_space<vmem>> -> memref<128xi32, #tpu.memory_space<vmem>>
        %dma_start3A_102 = arith.constant 0 : i32
        %dma_start3A_103 = arith.constant 0 : i32
        %dma_start3A_104 = tpu.memref_slice %arg2[%dma_start3A_102, %dma_start3A_103] : memref<10000x128xf32, #tpu.memory_space<hbm>> -> memref<10000x128xf32, #tpu.memory_space<hbm>>
        tpu.enqueue_indirect_dma source(%dma_start3A_104 : memref<10000x128xf32, #tpu.memory_space<hbm>>) target(%arg12 : memref<128x128xf32, #tpu.memory_space<vmem>>) offsets(%dma_start3A_101 : memref<128xi32, #tpu.memory_space<vmem>>) semaphore(%arg15 : memref<!tpu.dma_semaphore, #tpu.memory_space<semaphore_mem>>)
        %add3A_105 = arith.constant 2 : i32
        %add3A_106 = arith.addi %mul3A_77, %add3A_105 : i32
        %dma_start3A_107 = arith.constant 0 : i32
        %dma_start3A_108 = arith.constant 0 : i32
        %dma_start3A_109 = tpu.memref_slice %arg11[%dma_start3A_107, %dma_start3A_108] : memref<2x128xi32, #tpu.memory_space<vmem>> -> memref<1x128xi32, #tpu.memory_space<vmem>>
        %dma_start3A_110 = tpu.memref_squeeze %dma_start3A_109 : memref<1x128xi32, #tpu.memory_space<vmem>> -> memref<128xi32, #tpu.memory_space<vmem>>
        %dma_start3A_111 = arith.constant 0 : i32
        %dma_start3A_112 = tpu.memref_slice %arg5[%arg1, %add3A_106, %dma_start3A_111] : memref<16x82x128xi32, #tpu.memory_space<hbm>> -> memref<1x1x128xi32, #tpu.memory_space<hbm>>
        %dma_start3A_113 = tpu.memref_squeeze %dma_start3A_112 : memref<1x1x128xi32, #tpu.memory_space<hbm>> -> memref<128xi32, #tpu.memory_space<hbm>>
        %dma_start3A_114 = arith.constant 0 : i32
        %dma_start3A_115 = tpu.memref_slice %arg11[%dma_start3A_107, %dma_start3A_114] : memref<2x128xi32, #tpu.memory_space<vmem>> -> memref<1x128xi32, #tpu.memory_space<vmem>>
        %dma_start3A_116 = tpu.memref_squeeze %dma_start3A_115 : memref<1x128xi32, #tpu.memory_space<vmem>> -> memref<128xi32, #tpu.memory_space<vmem>>
        %dma_start3A_117 = arith.constant 0 : i32
        %dma_start3A_118 = tpu.memref_slice %arg5[%arg1, %add3A_106, %dma_start3A_117] : memref<16x82x128xi32, #tpu.memory_space<hbm>> -> memref<1x1x128xi32, #tpu.memory_space<hbm>>
        %dma_start3A_119 = tpu.memref_squeeze %dma_start3A_118 : memref<1x1x128xi32, #tpu.memory_space<hbm>> -> memref<128xi32, #tpu.memory_space<hbm>>
        tpu.enqueue_dma source(%dma_start3A_119 : memref<128xi32, #tpu.memory_space<hbm>>) target(%dma_start3A_116 : memref<128xi32, #tpu.memory_space<vmem>>) target_semaphore(%arg17 : memref<!tpu.dma_semaphore, #tpu.memory_space<semaphore_mem>>)
        %dma_wait3A_120 = arith.constant 1 : i32
        %dma_wait3A_121 = arith.constant 0 : i32
        %dma_wait3A_122 = tpu.memref_slice %arg10[%dma_wait3A_120, %dma_wait3A_121] : memref<82x128xi32, #tpu.memory_space<vmem>> -> memref<1x128xi32, #tpu.memory_space<vmem>>
        %dma_wait3A_123 = tpu.memref_squeeze %dma_wait3A_122 : memref<1x128xi32, #tpu.memory_space<vmem>> -> memref<128xi32, #tpu.memory_space<vmem>>
        %dma_wait3A_124 = arith.constant 0 : i32
        %dma_wait3A_125 = arith.constant 0 : i32
        %dma_wait3A_126 = tpu.memref_slice %arg2[%dma_wait3A_124, %dma_wait3A_125] : memref<10000x128xf32, #tpu.memory_space<hbm>> -> memref<10000x128xf32, #tpu.memory_space<hbm>>
        tpu.wait_indirect_dma semaphore(%arg16 : memref<!tpu.dma_semaphore, #tpu.memory_space<semaphore_mem>>) src(%dma_wait3A_126 : memref<10000x128xf32, #tpu.memory_space<hbm>>) dst(%arg13 : memref<128x128xf32, #tpu.memory_space<vmem>>)
        %dma_wait3A_127 = arith.constant 1 : i32
        %dma_wait3A_128 = arith.constant 1 : i32
        %dma_wait3A_129 = arith.constant 0 : i32
        %dma_wait3A_130 = tpu.memref_slice %arg11[%dma_wait3A_128, %dma_wait3A_129] : memref<2x128xi32, #tpu.memory_space<vmem>> -> memref<1x128xi32, #tpu.memory_space<vmem>>
        %dma_wait3A_131 = tpu.memref_squeeze %dma_wait3A_130 : memref<1x128xi32, #tpu.memory_space<vmem>> -> memref<128xi32, #tpu.memory_space<vmem>>
        %dma_wait3A_132 = arith.constant 0 : i32
        %dma_wait3A_133 = tpu.memref_slice %arg5[%arg1, %dma_wait3A_127, %dma_wait3A_132] : memref<16x82x128xi32, #tpu.memory_space<hbm>> -> memref<1x1x128xi32, #tpu.memory_space<hbm>>
        %dma_wait3A_134 = tpu.memref_squeeze %dma_wait3A_133 : memref<1x1x128xi32, #tpu.memory_space<hbm>> -> memref<128xi32, #tpu.memory_space<hbm>>
        %dma_wait3A_135 = arith.constant 0 : i32
        %dma_wait3A_136 = tpu.memref_slice %arg11[%dma_wait3A_128, %dma_wait3A_135] : memref<2x128xi32, #tpu.memory_space<vmem>> -> memref<1x128xi32, #tpu.memory_space<vmem>>
        %dma_wait3A_137 = tpu.memref_squeeze %dma_wait3A_136 : memref<1x128xi32, #tpu.memory_space<vmem>> -> memref<128xi32, #tpu.memory_space<vmem>>
        %dma_wait3A_138 = arith.constant 0 : i32
        %dma_wait3A_139 = tpu.memref_slice %arg5[%arg1, %dma_wait3A_127, %dma_wait3A_138] : memref<16x82x128xi32, #tpu.memory_space<hbm>> -> memref<1x1x128xi32, #tpu.memory_space<hbm>>
        %dma_wait3A_140 = tpu.memref_squeeze %dma_wait3A_139 : memref<1x1x128xi32, #tpu.memory_space<hbm>> -> memref<128xi32, #tpu.memory_space<hbm>>
        tpu.wait_dma2 semaphore(%arg18 : memref<!tpu.dma_semaphore, #tpu.memory_space<semaphore_mem>>) src(%dma_wait3A_140 : memref<128xi32, #tpu.memory_space<hbm>>) dst(%dma_wait3A_137 : memref<128xi32, #tpu.memory_space<vmem>>)
        %run_scoped3A_141 = arith.constant 1 : i32
        "tpu.region"() ({
          %run_scoped3A_165 = tpu.sem_alloc : memref<!tpu.dma_semaphore, #tpu.memory_space<semaphore_mem>>
          %dma_start3A_166 = arith.constant 0 : i32
          %dma_start3A_167 = tpu.memref_slice %arg11[%run_scoped3A_141, %dma_start3A_166] : memref<2x128xi32, #tpu.memory_space<vmem>> -> memref<1x128xi32, #tpu.memory_space<vmem>>
          %dma_start3A_168 = tpu.memref_squeeze %dma_start3A_167 : memref<1x128xi32, #tpu.memory_space<vmem>> -> memref<128xi32, #tpu.memory_space<vmem>>
          %dma_start3A_169 = arith.constant 0 : i32
          %dma_start3A_170 = arith.constant 0 : i32
          %dma_start3A_171 = tpu.memref_slice %arg14[%dma_start3A_169, %dma_start3A_170] : memref<10240x128xf32, #tpu.memory_space<vmem_shared>> -> memref<10240x128xf32, #tpu.memory_space<vmem_shared>>
          tpu.enqueue_indirect_dma source(%arg13 : memref<128x128xf32, #tpu.memory_space<vmem>>) target(%dma_start3A_171 : memref<10240x128xf32, #tpu.memory_space<vmem_shared>>) offsets(%dma_start3A_168 : memref<128xi32, #tpu.memory_space<vmem>>) semaphore(%run_scoped3A_165 : memref<!tpu.dma_semaphore, #tpu.memory_space<semaphore_mem>>) {add = true}
          %dma_wait3A_172 = arith.constant 0 : i32
          %dma_wait3A_173 = tpu.memref_slice %arg11[%run_scoped3A_141, %dma_wait3A_172] : memref<2x128xi32, #tpu.memory_space<vmem>> -> memref<1x128xi32, #tpu.memory_space<vmem>>
          %dma_wait3A_174 = tpu.memref_squeeze %dma_wait3A_173 : memref<1x128xi32, #tpu.memory_space<vmem>> -> memref<128xi32, #tpu.memory_space<vmem>>
          %dma_wait3A_175 = arith.constant 0 : i32
          %dma_wait3A_176 = arith.constant 0 : i32
          %dma_wait3A_177 = tpu.memref_slice %arg14[%dma_wait3A_175, %dma_wait3A_176] : memref<10240x128xf32, #tpu.memory_space<vmem_shared>> -> memref<10240x128xf32, #tpu.memory_space<vmem_shared>>
          tpu.wait_indirect_dma semaphore(%run_scoped3A_165 : memref<!tpu.dma_semaphore, #tpu.memory_space<semaphore_mem>>) src(%arg13 : memref<128x128xf32, #tpu.memory_space<vmem>>) dst(%dma_wait3A_177 : memref<10240x128xf32, #tpu.memory_space<vmem_shared>>)
          tpu.yield
        }) : () -> ()
        %add3A_142 = arith.constant 3 : i32
        %add3A_143 = arith.addi %mul3A_77, %add3A_142 : i32
        %dma_start3A_144 = arith.constant 0 : i32
        %dma_start3A_145 = tpu.memref_slice %arg10[%add3A_143, %dma_start3A_144] : memref<82x128xi32, #tpu.memory_space<vmem>> -> memref<1x128xi32, #tpu.memory_space<vmem>>
        %dma_start3A_146 = tpu.memref_squeeze %dma_start3A_145 : memref<1x128xi32, #tpu.memory_space<vmem>> -> memref<128xi32, #tpu.memory_space<vmem>>
        %dma_start3A_147 = arith.constant 0 : i32
        %dma_start3A_148 = arith.constant 0 : i32
        %dma_start3A_149 = tpu.memref_slice %arg2[%dma_start3A_147, %dma_start3A_148] : memref<10000x128xf32, #tpu.memory_space<hbm>> -> memref<10000x128xf32, #tpu.memory_space<hbm>>
        tpu.enqueue_indirect_dma source(%dma_start3A_149 : memref<10000x128xf32, #tpu.memory_space<hbm>>) target(%arg13 : memref<128x128xf32, #tpu.memory_space<vmem>>) offsets(%dma_start3A_146 : memref<128xi32, #tpu.memory_space<vmem>>) semaphore(%arg16 : memref<!tpu.dma_semaphore, #tpu.memory_space<semaphore_mem>>)
        %add3A_150 = arith.constant 3 : i32
        %add3A_151 = arith.addi %mul3A_77, %add3A_150 : i32
        %dma_start3A_152 = arith.constant 1 : i32
        %dma_start3A_153 = arith.constant 0 : i32
        %dma_start3A_154 = tpu.memref_slice %arg11[%dma_start3A_152, %dma_start3A_153] : memref<2x128xi32, #tpu.memory_space<vmem>> -> memref<1x128xi32, #tpu.memory_space<vmem>>
        %dma_start3A_155 = tpu.memref_squeeze %dma_start3A_154 : memref<1x128xi32, #tpu.memory_space<vmem>> -> memref<128xi32, #tpu.memory_space<vmem>>
        %dma_start3A_156 = arith.constant 0 : i32
        %dma_start3A_157 = tpu.memref_slice %arg5[%arg1, %add3A_151, %dma_start3A_156] : memref<16x82x128xi32, #tpu.memory_space<hbm>> -> memref<1x1x128xi32, #tpu.memory_space<hbm>>
        %dma_start3A_158 = tpu.memref_squeeze %dma_start3A_157 : memref<1x1x128xi32, #tpu.memory_space<hbm>> -> memref<128xi32, #tpu.memory_space<hbm>>
        %dma_start3A_159 = arith.constant 0 : i32
        %dma_start3A_160 = tpu.memref_slice %arg11[%dma_start3A_152, %dma_start3A_159] : memref<2x128xi32, #tpu.memory_space<vmem>> -> memref<1x128xi32, #tpu.memory_space<vmem>>
        %dma_start3A_161 = tpu.memref_squeeze %dma_start3A_160 : memref<1x128xi32, #tpu.memory_space<vmem>> -> memref<128xi32, #tpu.memory_space<vmem>>
        %dma_start3A_162 = arith.constant 0 : i32
        %dma_start3A_163 = tpu.memref_slice %arg5[%arg1, %add3A_151, %dma_start3A_162] : memref<16x82x128xi32, #tpu.memory_space<hbm>> -> memref<1x1x128xi32, #tpu.memory_space<hbm>>
        %dma_start3A_164 = tpu.memref_squeeze %dma_start3A_163 : memref<1x1x128xi32, #tpu.memory_space<hbm>> -> memref<128xi32, #tpu.memory_space<hbm>>
        tpu.enqueue_dma source(%dma_start3A_164 : memref<128xi32, #tpu.memory_space<hbm>>) target(%dma_start3A_161 : memref<128xi32, #tpu.memory_space<vmem>>) target_semaphore(%arg18 : memref<!tpu.dma_semaphore, #tpu.memory_space<semaphore_mem>>)
      }
      %scan3A_33 = arith.constant 40 : i32
      %dma_wait3A = arith.constant 0 : i32
      %dma_wait3A_34 = arith.constant 0 : i32
      %dma_wait3A_35 = tpu.memref_slice %arg10[%dma_wait3A, %dma_wait3A_34] : memref<82x128xi32, #tpu.memory_space<vmem>> -> memref<1x128xi32, #tpu.memory_space<vmem>>
      %dma_wait3A_36 = tpu.memref_squeeze %dma_wait3A_35 : memref<1x128xi32, #tpu.memory_space<vmem>> -> memref<128xi32, #tpu.memory_space<vmem>>
      %dma_wait3A_37 = arith.constant 0 : i32
      %dma_wait3A_38 = arith.constant 0 : i32
      %dma_wait3A_39 = tpu.memref_slice %arg2[%dma_wait3A_37, %dma_wait3A_38] : memref<10000x128xf32, #tpu.memory_space<hbm>> -> memref<10000x128xf32, #tpu.memory_space<hbm>>
      tpu.wait_indirect_dma semaphore(%arg15 : memref<!tpu.dma_semaphore, #tpu.memory_space<semaphore_mem>>) src(%dma_wait3A_39 : memref<10000x128xf32, #tpu.memory_space<hbm>>) dst(%arg12 : memref<128x128xf32, #tpu.memory_space<vmem>>)
      %dma_wait3A_40 = arith.constant 1 : i32
      %dma_wait3A_41 = arith.constant 0 : i32
      %dma_wait3A_42 = tpu.memref_slice %arg10[%dma_wait3A_40, %dma_wait3A_41] : memref<82x128xi32, #tpu.memory_space<vmem>> -> memref<1x128xi32, #tpu.memory_space<vmem>>
      %dma_wait3A_43 = tpu.memref_squeeze %dma_wait3A_42 : memref<1x128xi32, #tpu.memory_space<vmem>> -> memref<128xi32, #tpu.memory_space<vmem>>
      %dma_wait3A_44 = arith.constant 0 : i32
      %dma_wait3A_45 = arith.constant 0 : i32
      %dma_wait3A_46 = tpu.memref_slice %arg2[%dma_wait3A_44, %dma_wait3A_45] : memref<10000x128xf32, #tpu.memory_space<hbm>> -> memref<10000x128xf32, #tpu.memory_space<hbm>>
      tpu.wait_indirect_dma semaphore(%arg16 : memref<!tpu.dma_semaphore, #tpu.memory_space<semaphore_mem>>) src(%dma_wait3A_46 : memref<10000x128xf32, #tpu.memory_space<hbm>>) dst(%arg13 : memref<128x128xf32, #tpu.memory_space<vmem>>)
      %dma_wait3A_47 = arith.constant 0 : i32
      %dma_wait3A_48 = arith.constant 0 : i32
      %dma_wait3A_49 = arith.constant 0 : i32
      %dma_wait3A_50 = tpu.memref_slice %arg11[%dma_wait3A_48, %dma_wait3A_49] : memref<2x128xi32, #tpu.memory_space<vmem>> -> memref<1x128xi32, #tpu.memory_space<vmem>>
      %dma_wait3A_51 = tpu.memref_squeeze %dma_wait3A_50 : memref<1x128xi32, #tpu.memory_space<vmem>> -> memref<128xi32, #tpu.memory_space<vmem>>
      %dma_wait3A_52 = arith.constant 0 : i32
      %dma_wait3A_53 = tpu.memref_slice %arg5[%arg1, %dma_wait3A_47, %dma_wait3A_52] : memref<16x82x128xi32, #tpu.memory_space<hbm>> -> memref<1x1x128xi32, #tpu.memory_space<hbm>>
      %dma_wait3A_54 = tpu.memref_squeeze %dma_wait3A_53 : memref<1x1x128xi32, #tpu.memory_space<hbm>> -> memref<128xi32, #tpu.memory_space<hbm>>
      %dma_wait3A_55 = arith.constant 0 : i32
      %dma_wait3A_56 = tpu.memref_slice %arg11[%dma_wait3A_48, %dma_wait3A_55] : memref<2x128xi32, #tpu.memory_space<vmem>> -> memref<1x128xi32, #tpu.memory_space<vmem>>
      %dma_wait3A_57 = tpu.memref_squeeze %dma_wait3A_56 : memref<1x128xi32, #tpu.memory_space<vmem>> -> memref<128xi32, #tpu.memory_space<vmem>>
      %dma_wait3A_58 = arith.constant 0 : i32
      %dma_wait3A_59 = tpu.memref_slice %arg5[%arg1, %dma_wait3A_47, %dma_wait3A_58] : memref<16x82x128xi32, #tpu.memory_space<hbm>> -> memref<1x1x128xi32, #tpu.memory_space<hbm>>
      %dma_wait3A_60 = tpu.memref_squeeze %dma_wait3A_59 : memref<1x1x128xi32, #tpu.memory_space<hbm>> -> memref<128xi32, #tpu.memory_space<hbm>>
      tpu.wait_dma2 semaphore(%arg17 : memref<!tpu.dma_semaphore, #tpu.memory_space<semaphore_mem>>) src(%dma_wait3A_60 : memref<128xi32, #tpu.memory_space<hbm>>) dst(%dma_wait3A_57 : memref<128xi32, #tpu.memory_space<vmem>>)
      %dma_wait3A_61 = arith.constant 1 : i32
      %dma_wait3A_62 = arith.constant 1 : i32
      %dma_wait3A_63 = arith.constant 0 : i32
      %dma_wait3A_64 = tpu.memref_slice %arg11[%dma_wait3A_62, %dma_wait3A_63] : memref<2x128xi32, #tpu.memory_space<vmem>> -> memref<1x128xi32, #tpu.memory_space<vmem>>
      %dma_wait3A_65 = tpu.memref_squeeze %dma_wait3A_64 : memref<1x128xi32, #tpu.memory_space<vmem>> -> memref<128xi32, #tpu.memory_space<vmem>>
      %dma_wait3A_66 = arith.constant 0 : i32
      %dma_wait3A_67 = tpu.memref_slice %arg5[%arg1, %dma_wait3A_61, %dma_wait3A_66] : memref<16x82x128xi32, #tpu.memory_space<hbm>> -> memref<1x1x128xi32, #tpu.memory_space<hbm>>
      %dma_wait3A_68 = tpu.memref_squeeze %dma_wait3A_67 : memref<1x1x128xi32, #tpu.memory_space<hbm>> -> memref<128xi32, #tpu.memory_space<hbm>>
      %dma_wait3A_69 = arith.constant 0 : i32
      %dma_wait3A_70 = tpu.memref_slice %arg11[%dma_wait3A_62, %dma_wait3A_69] : memref<2x128xi32, #tpu.memory_space<vmem>> -> memref<1x128xi32, #tpu.memory_space<vmem>>
      %dma_wait3A_71 = tpu.memref_squeeze %dma_wait3A_70 : memref<1x128xi32, #tpu.memory_space<vmem>> -> memref<128xi32, #tpu.memory_space<vmem>>
      %dma_wait3A_72 = arith.constant 0 : i32
      %dma_wait3A_73 = tpu.memref_slice %arg5[%arg1, %dma_wait3A_61, %dma_wait3A_72] : memref<16x82x128xi32, #tpu.memory_space<hbm>> -> memref<1x1x128xi32, #tpu.memory_space<hbm>>
      %dma_wait3A_74 = tpu.memref_squeeze %dma_wait3A_73 : memref<1x1x128xi32, #tpu.memory_space<hbm>> -> memref<128xi32, #tpu.memory_space<hbm>>
      tpu.wait_dma2 semaphore(%arg18 : memref<!tpu.dma_semaphore, #tpu.memory_space<semaphore_mem>>) src(%dma_wait3A_74 : memref<128xi32, #tpu.memory_space<hbm>>) dst(%dma_wait3A_71 : memref<128xi32, #tpu.memory_space<vmem>>)
    } else {
    }
    %eq3A_13 = arith.constant 1 : i32
    %eq3A_14 = arith.cmpi eq, %arg0, %eq3A_13 : i32
    %convert_element_type3A_15 = arith.extui %eq3A_14 : i1 to i32
    %cond3A_16 = arith.constant 0 : i32
    %cond3A_17 = arith.cmpi ne, %convert_element_type3A_15, %cond3A_16 : i32
    scf.if %cond3A_17 {
      %scan3A = arith.constant 0 : i32
      %scan3A_29 = arith.constant 0 : i32
      %scan3A_30 = arith.constant 40 : i32
      %scan3A_31 = arith.addi %scan3A_29, %scan3A_30 : i32
      %scan3A_32 = arith.constant 1 : i32
      scf.for %scan3A_75 = %scan3A_29 to %scan3A_31 step %scan3A_32  : i32 {
        %mul3A_76 = arith.constant 2 : i32
        %mul3A_77 = arith.muli %mul3A_76, %scan3A_75 : i32
        %dma_wait3A_78 = arith.constant 0 : i32
        %dma_wait3A_79 = arith.constant 0 : i32
        %dma_wait3A_80 = tpu.memref_slice %arg10[%dma_wait3A_78, %dma_wait3A_79] : memref<82x128xi32, #tpu.memory_space<vmem>> -> memref<1x128xi32, #tpu.memory_space<vmem>>
        %dma_wait3A_81 = tpu.memref_squeeze %dma_wait3A_80 : memref<1x128xi32, #tpu.memory_space<vmem>> -> memref<128xi32, #tpu.memory_space<vmem>>
        %dma_wait3A_82 = arith.constant 0 : i32
        %dma_wait3A_83 = arith.constant 0 : i32
        %dma_wait3A_84 = tpu.memref_slice %arg3[%dma_wait3A_82, %dma_wait3A_83] : memref<10000x128xf32, #tpu.memory_space<hbm>> -> memref<10000x128xf32, #tpu.memory_space<hbm>>
        tpu.wait_indirect_dma semaphore(%arg15 : memref<!tpu.dma_semaphore, #tpu.memory_space<semaphore_mem>>) src(%dma_wait3A_84 : memref<10000x128xf32, #tpu.memory_space<hbm>>) dst(%arg12 : memref<128x128xf32, #tpu.memory_space<vmem>>)
        %dma_wait3A_85 = arith.constant 0 : i32
        %dma_wait3A_86 = arith.constant 0 : i32
        %dma_wait3A_87 = arith.constant 0 : i32
        %dma_wait3A_88 = tpu.memref_slice %arg11[%dma_wait3A_86, %dma_wait3A_87] : memref<2x128xi32, #tpu.memory_space<vmem>> -> memref<1x128xi32, #tpu.memory_space<vmem>>
        %dma_wait3A_89 = tpu.memref_squeeze %dma_wait3A_88 : memref<1x128xi32, #tpu.memory_space<vmem>> -> memref<128xi32, #tpu.memory_space<vmem>>
        %dma_wait3A_90 = arith.constant 0 : i32
        %dma_wait3A_91 = tpu.memref_slice %arg5[%arg1, %dma_wait3A_85, %dma_wait3A_90] : memref<16x82x128xi32, #tpu.memory_space<hbm>> -> memref<1x1x128xi32, #tpu.memory_space<hbm>>
        %dma_wait3A_92 = tpu.memref_squeeze %dma_wait3A_91 : memref<1x1x128xi32, #tpu.memory_space<hbm>> -> memref<128xi32, #tpu.memory_space<hbm>>
        %dma_wait3A_93 = arith.constant 0 : i32
        %dma_wait3A_94 = tpu.memref_slice %arg11[%dma_wait3A_86, %dma_wait3A_93] : memref<2x128xi32, #tpu.memory_space<vmem>> -> memref<1x128xi32, #tpu.memory_space<vmem>>
        %dma_wait3A_95 = tpu.memref_squeeze %dma_wait3A_94 : memref<1x128xi32, #tpu.memory_space<vmem>> -> memref<128xi32, #tpu.memory_space<vmem>>
        %dma_wait3A_96 = arith.constant 0 : i32
        %dma_wait3A_97 = tpu.memref_slice %arg5[%arg1, %dma_wait3A_85, %dma_wait3A_96] : memref<16x82x128xi32, #tpu.memory_space<hbm>> -> memref<1x1x128xi32, #tpu.memory_space<hbm>>
        %dma_wait3A_98 = tpu.memref_squeeze %dma_wait3A_97 : memref<1x1x128xi32, #tpu.memory_space<hbm>> -> memref<128xi32, #tpu.memory_space<hbm>>
        tpu.wait_dma2 semaphore(%arg17 : memref<!tpu.dma_semaphore, #tpu.memory_space<semaphore_mem>>) src(%dma_wait3A_98 : memref<128xi32, #tpu.memory_space<hbm>>) dst(%dma_wait3A_95 : memref<128xi32, #tpu.memory_space<vmem>>)
        %run_scoped3A = arith.constant 0 : i32
        "tpu.region"() ({
          %run_scoped3A_165 = tpu.sem_alloc : memref<!tpu.dma_semaphore, #tpu.memory_space<semaphore_mem>>
          %dma_start3A_166 = arith.constant 0 : i32
          %dma_start3A_167 = tpu.memref_slice %arg11[%run_scoped3A, %dma_start3A_166] : memref<2x128xi32, #tpu.memory_space<vmem>> -> memref<1x128xi32, #tpu.memory_space<vmem>>
          %dma_start3A_168 = tpu.memref_squeeze %dma_start3A_167 : memref<1x128xi32, #tpu.memory_space<vmem>> -> memref<128xi32, #tpu.memory_space<vmem>>
          %dma_start3A_169 = arith.constant 0 : i32
          %dma_start3A_170 = arith.constant 0 : i32
          %dma_start3A_171 = tpu.memref_slice %arg14[%dma_start3A_169, %dma_start3A_170] : memref<10240x128xf32, #tpu.memory_space<vmem_shared>> -> memref<10240x128xf32, #tpu.memory_space<vmem_shared>>
          tpu.enqueue_indirect_dma source(%arg12 : memref<128x128xf32, #tpu.memory_space<vmem>>) target(%dma_start3A_171 : memref<10240x128xf32, #tpu.memory_space<vmem_shared>>) offsets(%dma_start3A_168 : memref<128xi32, #tpu.memory_space<vmem>>) semaphore(%run_scoped3A_165 : memref<!tpu.dma_semaphore, #tpu.memory_space<semaphore_mem>>) {add = true}
          %dma_wait3A_172 = arith.constant 0 : i32
          %dma_wait3A_173 = tpu.memref_slice %arg11[%run_scoped3A, %dma_wait3A_172] : memref<2x128xi32, #tpu.memory_space<vmem>> -> memref<1x128xi32, #tpu.memory_space<vmem>>
          %dma_wait3A_174 = tpu.memref_squeeze %dma_wait3A_173 : memref<1x128xi32, #tpu.memory_space<vmem>> -> memref<128xi32, #tpu.memory_space<vmem>>
          %dma_wait3A_175 = arith.constant 0 : i32
          %dma_wait3A_176 = arith.constant 0 : i32
          %dma_wait3A_177 = tpu.memref_slice %arg14[%dma_wait3A_175, %dma_wait3A_176] : memref<10240x128xf32, #tpu.memory_space<vmem_shared>> -> memref<10240x128xf32, #tpu.memory_space<vmem_shared>>
          tpu.wait_indirect_dma semaphore(%run_scoped3A_165 : memref<!tpu.dma_semaphore, #tpu.memory_space<semaphore_mem>>) src(%arg12 : memref<128x128xf32, #tpu.memory_space<vmem>>) dst(%dma_wait3A_177 : memref<10240x128xf32, #tpu.memory_space<vmem_shared>>)
          tpu.yield
        }) : () -> ()
        %add3A = arith.constant 2 : i32
        %add3A_99 = arith.addi %mul3A_77, %add3A : i32
        %dma_start3A = arith.constant 0 : i32
        %dma_start3A_100 = tpu.memref_slice %arg10[%add3A_99, %dma_start3A] : memref<82x128xi32, #tpu.memory_space<vmem>> -> memref<1x128xi32, #tpu.memory_space<vmem>>
        %dma_start3A_101 = tpu.memref_squeeze %dma_start3A_100 : memref<1x128xi32, #tpu.memory_space<vmem>> -> memref<128xi32, #tpu.memory_space<vmem>>
        %dma_start3A_102 = arith.constant 0 : i32
        %dma_start3A_103 = arith.constant 0 : i32
        %dma_start3A_104 = tpu.memref_slice %arg3[%dma_start3A_102, %dma_start3A_103] : memref<10000x128xf32, #tpu.memory_space<hbm>> -> memref<10000x128xf32, #tpu.memory_space<hbm>>
        tpu.enqueue_indirect_dma source(%dma_start3A_104 : memref<10000x128xf32, #tpu.memory_space<hbm>>) target(%arg12 : memref<128x128xf32, #tpu.memory_space<vmem>>) offsets(%dma_start3A_101 : memref<128xi32, #tpu.memory_space<vmem>>) semaphore(%arg15 : memref<!tpu.dma_semaphore, #tpu.memory_space<semaphore_mem>>)
        %add3A_105 = arith.constant 2 : i32
        %add3A_106 = arith.addi %mul3A_77, %add3A_105 : i32
        %dma_start3A_107 = arith.constant 0 : i32
        %dma_start3A_108 = arith.constant 0 : i32
        %dma_start3A_109 = tpu.memref_slice %arg11[%dma_start3A_107, %dma_start3A_108] : memref<2x128xi32, #tpu.memory_space<vmem>> -> memref<1x128xi32, #tpu.memory_space<vmem>>
        %dma_start3A_110 = tpu.memref_squeeze %dma_start3A_109 : memref<1x128xi32, #tpu.memory_space<vmem>> -> memref<128xi32, #tpu.memory_space<vmem>>
        %dma_start3A_111 = arith.constant 0 : i32
        %dma_start3A_112 = tpu.memref_slice %arg5[%arg1, %add3A_106, %dma_start3A_111] : memref<16x82x128xi32, #tpu.memory_space<hbm>> -> memref<1x1x128xi32, #tpu.memory_space<hbm>>
        %dma_start3A_113 = tpu.memref_squeeze %dma_start3A_112 : memref<1x1x128xi32, #tpu.memory_space<hbm>> -> memref<128xi32, #tpu.memory_space<hbm>>
        %dma_start3A_114 = arith.constant 0 : i32
        %dma_start3A_115 = tpu.memref_slice %arg11[%dma_start3A_107, %dma_start3A_114] : memref<2x128xi32, #tpu.memory_space<vmem>> -> memref<1x128xi32, #tpu.memory_space<vmem>>
        %dma_start3A_116 = tpu.memref_squeeze %dma_start3A_115 : memref<1x128xi32, #tpu.memory_space<vmem>> -> memref<128xi32, #tpu.memory_space<vmem>>
        %dma_start3A_117 = arith.constant 0 : i32
        %dma_start3A_118 = tpu.memref_slice %arg5[%arg1, %add3A_106, %dma_start3A_117] : memref<16x82x128xi32, #tpu.memory_space<hbm>> -> memref<1x1x128xi32, #tpu.memory_space<hbm>>
        %dma_start3A_119 = tpu.memref_squeeze %dma_start3A_118 : memref<1x1x128xi32, #tpu.memory_space<hbm>> -> memref<128xi32, #tpu.memory_space<hbm>>
        tpu.enqueue_dma source(%dma_start3A_119 : memref<128xi32, #tpu.memory_space<hbm>>) target(%dma_start3A_116 : memref<128xi32, #tpu.memory_space<vmem>>) target_semaphore(%arg17 : memref<!tpu.dma_semaphore, #tpu.memory_space<semaphore_mem>>)
        %dma_wait3A_120 = arith.constant 1 : i32
        %dma_wait3A_121 = arith.constant 0 : i32
        %dma_wait3A_122 = tpu.memref_slice %arg10[%dma_wait3A_120, %dma_wait3A_121] : memref<82x128xi32, #tpu.memory_space<vmem>> -> memref<1x128xi32, #tpu.memory_space<vmem>>
        %dma_wait3A_123 = tpu.memref_squeeze %dma_wait3A_122 : memref<1x128xi32, #tpu.memory_space<vmem>> -> memref<128xi32, #tpu.memory_space<vmem>>
        %dma_wait3A_124 = arith.constant 0 : i32
        %dma_wait3A_125 = arith.constant 0 : i32
        %dma_wait3A_126 = tpu.memref_slice %arg3[%dma_wait3A_124, %dma_wait3A_125] : memref<10000x128xf32, #tpu.memory_space<hbm>> -> memref<10000x128xf32, #tpu.memory_space<hbm>>
        tpu.wait_indirect_dma semaphore(%arg16 : memref<!tpu.dma_semaphore, #tpu.memory_space<semaphore_mem>>) src(%dma_wait3A_126 : memref<10000x128xf32, #tpu.memory_space<hbm>>) dst(%arg13 : memref<128x128xf32, #tpu.memory_space<vmem>>)
        %dma_wait3A_127 = arith.constant 1 : i32
        %dma_wait3A_128 = arith.constant 1 : i32
        %dma_wait3A_129 = arith.constant 0 : i32
        %dma_wait3A_130 = tpu.memref_slice %arg11[%dma_wait3A_128, %dma_wait3A_129] : memref<2x128xi32, #tpu.memory_space<vmem>> -> memref<1x128xi32, #tpu.memory_space<vmem>>
        %dma_wait3A_131 = tpu.memref_squeeze %dma_wait3A_130 : memref<1x128xi32, #tpu.memory_space<vmem>> -> memref<128xi32, #tpu.memory_space<vmem>>
        %dma_wait3A_132 = arith.constant 0 : i32
        %dma_wait3A_133 = tpu.memref_slice %arg5[%arg1, %dma_wait3A_127, %dma_wait3A_132] : memref<16x82x128xi32, #tpu.memory_space<hbm>> -> memref<1x1x128xi32, #tpu.memory_space<hbm>>
        %dma_wait3A_134 = tpu.memref_squeeze %dma_wait3A_133 : memref<1x1x128xi32, #tpu.memory_space<hbm>> -> memref<128xi32, #tpu.memory_space<hbm>>
        %dma_wait3A_135 = arith.constant 0 : i32
        %dma_wait3A_136 = tpu.memref_slice %arg11[%dma_wait3A_128, %dma_wait3A_135] : memref<2x128xi32, #tpu.memory_space<vmem>> -> memref<1x128xi32, #tpu.memory_space<vmem>>
        %dma_wait3A_137 = tpu.memref_squeeze %dma_wait3A_136 : memref<1x128xi32, #tpu.memory_space<vmem>> -> memref<128xi32, #tpu.memory_space<vmem>>
        %dma_wait3A_138 = arith.constant 0 : i32
        %dma_wait3A_139 = tpu.memref_slice %arg5[%arg1, %dma_wait3A_127, %dma_wait3A_138] : memref<16x82x128xi32, #tpu.memory_space<hbm>> -> memref<1x1x128xi32, #tpu.memory_space<hbm>>
        %dma_wait3A_140 = tpu.memref_squeeze %dma_wait3A_139 : memref<1x1x128xi32, #tpu.memory_space<hbm>> -> memref<128xi32, #tpu.memory_space<hbm>>
        tpu.wait_dma2 semaphore(%arg18 : memref<!tpu.dma_semaphore, #tpu.memory_space<semaphore_mem>>) src(%dma_wait3A_140 : memref<128xi32, #tpu.memory_space<hbm>>) dst(%dma_wait3A_137 : memref<128xi32, #tpu.memory_space<vmem>>)
        %run_scoped3A_141 = arith.constant 1 : i32
        "tpu.region"() ({
          %run_scoped3A_165 = tpu.sem_alloc : memref<!tpu.dma_semaphore, #tpu.memory_space<semaphore_mem>>
          %dma_start3A_166 = arith.constant 0 : i32
          %dma_start3A_167 = tpu.memref_slice %arg11[%run_scoped3A_141, %dma_start3A_166] : memref<2x128xi32, #tpu.memory_space<vmem>> -> memref<1x128xi32, #tpu.memory_space<vmem>>
          %dma_start3A_168 = tpu.memref_squeeze %dma_start3A_167 : memref<1x128xi32, #tpu.memory_space<vmem>> -> memref<128xi32, #tpu.memory_space<vmem>>
          %dma_start3A_169 = arith.constant 0 : i32
          %dma_start3A_170 = arith.constant 0 : i32
          %dma_start3A_171 = tpu.memref_slice %arg14[%dma_start3A_169, %dma_start3A_170] : memref<10240x128xf32, #tpu.memory_space<vmem_shared>> -> memref<10240x128xf32, #tpu.memory_space<vmem_shared>>
          tpu.enqueue_indirect_dma source(%arg13 : memref<128x128xf32, #tpu.memory_space<vmem>>) target(%dma_start3A_171 : memref<10240x128xf32, #tpu.memory_space<vmem_shared>>) offsets(%dma_start3A_168 : memref<128xi32, #tpu.memory_space<vmem>>) semaphore(%run_scoped3A_165 : memref<!tpu.dma_semaphore, #tpu.memory_space<semaphore_mem>>) {add = true}
          %dma_wait3A_172 = arith.constant 0 : i32
          %dma_wait3A_173 = tpu.memref_slice %arg11[%run_scoped3A_141, %dma_wait3A_172] : memref<2x128xi32, #tpu.memory_space<vmem>> -> memref<1x128xi32, #tpu.memory_space<vmem>>
          %dma_wait3A_174 = tpu.memref_squeeze %dma_wait3A_173 : memref<1x128xi32, #tpu.memory_space<vmem>> -> memref<128xi32, #tpu.memory_space<vmem>>
          %dma_wait3A_175 = arith.constant 0 : i32
          %dma_wait3A_176 = arith.constant 0 : i32
          %dma_wait3A_177 = tpu.memref_slice %arg14[%dma_wait3A_175, %dma_wait3A_176] : memref<10240x128xf32, #tpu.memory_space<vmem_shared>> -> memref<10240x128xf32, #tpu.memory_space<vmem_shared>>
          tpu.wait_indirect_dma semaphore(%run_scoped3A_165 : memref<!tpu.dma_semaphore, #tpu.memory_space<semaphore_mem>>) src(%arg13 : memref<128x128xf32, #tpu.memory_space<vmem>>) dst(%dma_wait3A_177 : memref<10240x128xf32, #tpu.memory_space<vmem_shared>>)
          tpu.yield
        }) : () -> ()
        %add3A_142 = arith.constant 3 : i32
        %add3A_143 = arith.addi %mul3A_77, %add3A_142 : i32
        %dma_start3A_144 = arith.constant 0 : i32
        %dma_start3A_145 = tpu.memref_slice %arg10[%add3A_143, %dma_start3A_144] : memref<82x128xi32, #tpu.memory_space<vmem>> -> memref<1x128xi32, #tpu.memory_space<vmem>>
        %dma_start3A_146 = tpu.memref_squeeze %dma_start3A_145 : memref<1x128xi32, #tpu.memory_space<vmem>> -> memref<128xi32, #tpu.memory_space<vmem>>
        %dma_start3A_147 = arith.constant 0 : i32
        %dma_start3A_148 = arith.constant 0 : i32
        %dma_start3A_149 = tpu.memref_slice %arg3[%dma_start3A_147, %dma_start3A_148] : memref<10000x128xf32, #tpu.memory_space<hbm>> -> memref<10000x128xf32, #tpu.memory_space<hbm>>
        tpu.enqueue_indirect_dma source(%dma_start3A_149 : memref<10000x128xf32, #tpu.memory_space<hbm>>) target(%arg13 : memref<128x128xf32, #tpu.memory_space<vmem>>) offsets(%dma_start3A_146 : memref<128xi32, #tpu.memory_space<vmem>>) semaphore(%arg16 : memref<!tpu.dma_semaphore, #tpu.memory_space<semaphore_mem>>)
        %add3A_150 = arith.constant 3 : i32
        %add3A_151 = arith.addi %mul3A_77, %add3A_150 : i32
        %dma_start3A_152 = arith.constant 1 : i32
        %dma_start3A_153 = arith.constant 0 : i32
        %dma_start3A_154 = tpu.memref_slice %arg11[%dma_start3A_152, %dma_start3A_153] : memref<2x128xi32, #tpu.memory_space<vmem>> -> memref<1x128xi32, #tpu.memory_space<vmem>>
        %dma_start3A_155 = tpu.memref_squeeze %dma_start3A_154 : memref<1x128xi32, #tpu.memory_space<vmem>> -> memref<128xi32, #tpu.memory_space<vmem>>
        %dma_start3A_156 = arith.constant 0 : i32
        %dma_start3A_157 = tpu.memref_slice %arg5[%arg1, %add3A_151, %dma_start3A_156] : memref<16x82x128xi32, #tpu.memory_space<hbm>> -> memref<1x1x128xi32, #tpu.memory_space<hbm>>
        %dma_start3A_158 = tpu.memref_squeeze %dma_start3A_157 : memref<1x1x128xi32, #tpu.memory_space<hbm>> -> memref<128xi32, #tpu.memory_space<hbm>>
        %dma_start3A_159 = arith.constant 0 : i32
        %dma_start3A_160 = tpu.memref_slice %arg11[%dma_start3A_152, %dma_start3A_159] : memref<2x128xi32, #tpu.memory_space<vmem>> -> memref<1x128xi32, #tpu.memory_space<vmem>>
        %dma_start3A_161 = tpu.memref_squeeze %dma_start3A_160 : memref<1x128xi32, #tpu.memory_space<vmem>> -> memref<128xi32, #tpu.memory_space<vmem>>
        %dma_start3A_162 = arith.constant 0 : i32
        %dma_start3A_163 = tpu.memref_slice %arg5[%arg1, %add3A_151, %dma_start3A_162] : memref<16x82x128xi32, #tpu.memory_space<hbm>> -> memref<1x1x128xi32, #tpu.memory_space<hbm>>
        %dma_start3A_164 = tpu.memref_squeeze %dma_start3A_163 : memref<1x1x128xi32, #tpu.memory_space<hbm>> -> memref<128xi32, #tpu.memory_space<hbm>>
        tpu.enqueue_dma source(%dma_start3A_164 : memref<128xi32, #tpu.memory_space<hbm>>) target(%dma_start3A_161 : memref<128xi32, #tpu.memory_space<vmem>>) target_semaphore(%arg18 : memref<!tpu.dma_semaphore, #tpu.memory_space<semaphore_mem>>)
      }
      %scan3A_33 = arith.constant 40 : i32
      %dma_wait3A = arith.constant 0 : i32
      %dma_wait3A_34 = arith.constant 0 : i32
      %dma_wait3A_35 = tpu.memref_slice %arg10[%dma_wait3A, %dma_wait3A_34] : memref<82x128xi32, #tpu.memory_space<vmem>> -> memref<1x128xi32, #tpu.memory_space<vmem>>
      %dma_wait3A_36 = tpu.memref_squeeze %dma_wait3A_35 : memref<1x128xi32, #tpu.memory_space<vmem>> -> memref<128xi32, #tpu.memory_space<vmem>>
      %dma_wait3A_37 = arith.constant 0 : i32
      %dma_wait3A_38 = arith.constant 0 : i32
      %dma_wait3A_39 = tpu.memref_slice %arg3[%dma_wait3A_37, %dma_wait3A_38] : memref<10000x128xf32, #tpu.memory_space<hbm>> -> memref<10000x128xf32, #tpu.memory_space<hbm>>
      tpu.wait_indirect_dma semaphore(%arg15 : memref<!tpu.dma_semaphore, #tpu.memory_space<semaphore_mem>>) src(%dma_wait3A_39 : memref<10000x128xf32, #tpu.memory_space<hbm>>) dst(%arg12 : memref<128x128xf32, #tpu.memory_space<vmem>>)
      %dma_wait3A_40 = arith.constant 1 : i32
      %dma_wait3A_41 = arith.constant 0 : i32
      %dma_wait3A_42 = tpu.memref_slice %arg10[%dma_wait3A_40, %dma_wait3A_41] : memref<82x128xi32, #tpu.memory_space<vmem>> -> memref<1x128xi32, #tpu.memory_space<vmem>>
      %dma_wait3A_43 = tpu.memref_squeeze %dma_wait3A_42 : memref<1x128xi32, #tpu.memory_space<vmem>> -> memref<128xi32, #tpu.memory_space<vmem>>
      %dma_wait3A_44 = arith.constant 0 : i32
      %dma_wait3A_45 = arith.constant 0 : i32
      %dma_wait3A_46 = tpu.memref_slice %arg3[%dma_wait3A_44, %dma_wait3A_45] : memref<10000x128xf32, #tpu.memory_space<hbm>> -> memref<10000x128xf32, #tpu.memory_space<hbm>>
      tpu.wait_indirect_dma semaphore(%arg16 : memref<!tpu.dma_semaphore, #tpu.memory_space<semaphore_mem>>) src(%dma_wait3A_46 : memref<10000x128xf32, #tpu.memory_space<hbm>>) dst(%arg13 : memref<128x128xf32, #tpu.memory_space<vmem>>)
      %dma_wait3A_47 = arith.constant 0 : i32
      %dma_wait3A_48 = arith.constant 0 : i32
      %dma_wait3A_49 = arith.constant 0 : i32
      %dma_wait3A_50 = tpu.memref_slice %arg11[%dma_wait3A_48, %dma_wait3A_49] : memref<2x128xi32, #tpu.memory_space<vmem>> -> memref<1x128xi32, #tpu.memory_space<vmem>>
      %dma_wait3A_51 = tpu.memref_squeeze %dma_wait3A_50 : memref<1x128xi32, #tpu.memory_space<vmem>> -> memref<128xi32, #tpu.memory_space<vmem>>
      %dma_wait3A_52 = arith.constant 0 : i32
      %dma_wait3A_53 = tpu.memref_slice %arg5[%arg1, %dma_wait3A_47, %dma_wait3A_52] : memref<16x82x128xi32, #tpu.memory_space<hbm>> -> memref<1x1x128xi32, #tpu.memory_space<hbm>>
      %dma_wait3A_54 = tpu.memref_squeeze %dma_wait3A_53 : memref<1x1x128xi32, #tpu.memory_space<hbm>> -> memref<128xi32, #tpu.memory_space<hbm>>
      %dma_wait3A_55 = arith.constant 0 : i32
      %dma_wait3A_56 = tpu.memref_slice %arg11[%dma_wait3A_48, %dma_wait3A_55] : memref<2x128xi32, #tpu.memory_space<vmem>> -> memref<1x128xi32, #tpu.memory_space<vmem>>
      %dma_wait3A_57 = tpu.memref_squeeze %dma_wait3A_56 : memref<1x128xi32, #tpu.memory_space<vmem>> -> memref<128xi32, #tpu.memory_space<vmem>>
      %dma_wait3A_58 = arith.constant 0 : i32
      %dma_wait3A_59 = tpu.memref_slice %arg5[%arg1, %dma_wait3A_47, %dma_wait3A_58] : memref<16x82x128xi32, #tpu.memory_space<hbm>> -> memref<1x1x128xi32, #tpu.memory_space<hbm>>
      %dma_wait3A_60 = tpu.memref_squeeze %dma_wait3A_59 : memref<1x1x128xi32, #tpu.memory_space<hbm>> -> memref<128xi32, #tpu.memory_space<hbm>>
      tpu.wait_dma2 semaphore(%arg17 : memref<!tpu.dma_semaphore, #tpu.memory_space<semaphore_mem>>) src(%dma_wait3A_60 : memref<128xi32, #tpu.memory_space<hbm>>) dst(%dma_wait3A_57 : memref<128xi32, #tpu.memory_space<vmem>>)
      %dma_wait3A_61 = arith.constant 1 : i32
      %dma_wait3A_62 = arith.constant 1 : i32
      %dma_wait3A_63 = arith.constant 0 : i32
      %dma_wait3A_64 = tpu.memref_slice %arg11[%dma_wait3A_62, %dma_wait3A_63] : memref<2x128xi32, #tpu.memory_space<vmem>> -> memref<1x128xi32, #tpu.memory_space<vmem>>
      %dma_wait3A_65 = tpu.memref_squeeze %dma_wait3A_64 : memref<1x128xi32, #tpu.memory_space<vmem>> -> memref<128xi32, #tpu.memory_space<vmem>>
      %dma_wait3A_66 = arith.constant 0 : i32
      %dma_wait3A_67 = tpu.memref_slice %arg5[%arg1, %dma_wait3A_61, %dma_wait3A_66] : memref<16x82x128xi32, #tpu.memory_space<hbm>> -> memref<1x1x128xi32, #tpu.memory_space<hbm>>
      %dma_wait3A_68 = tpu.memref_squeeze %dma_wait3A_67 : memref<1x1x128xi32, #tpu.memory_space<hbm>> -> memref<128xi32, #tpu.memory_space<hbm>>
      %dma_wait3A_69 = arith.constant 0 : i32
      %dma_wait3A_70 = tpu.memref_slice %arg11[%dma_wait3A_62, %dma_wait3A_69] : memref<2x128xi32, #tpu.memory_space<vmem>> -> memref<1x128xi32, #tpu.memory_space<vmem>>
      %dma_wait3A_71 = tpu.memref_squeeze %dma_wait3A_70 : memref<1x128xi32, #tpu.memory_space<vmem>> -> memref<128xi32, #tpu.memory_space<vmem>>
      %dma_wait3A_72 = arith.constant 0 : i32
      %dma_wait3A_73 = tpu.memref_slice %arg5[%arg1, %dma_wait3A_61, %dma_wait3A_72] : memref<16x82x128xi32, #tpu.memory_space<hbm>> -> memref<1x1x128xi32, #tpu.memory_space<hbm>>
      %dma_wait3A_74 = tpu.memref_squeeze %dma_wait3A_73 : memref<1x1x128xi32, #tpu.memory_space<hbm>> -> memref<128xi32, #tpu.memory_space<hbm>>
      tpu.wait_dma2 semaphore(%arg18 : memref<!tpu.dma_semaphore, #tpu.memory_space<semaphore_mem>>) src(%dma_wait3A_74 : memref<128xi32, #tpu.memory_space<hbm>>) dst(%dma_wait3A_71 : memref<128xi32, #tpu.memory_space<vmem>>)
    } else {
    }
    %barrier3A_18 = arith.constant 0 : index
    tpu.barrier barrier_id(%barrier3A_18)
    %eq3A_19 = arith.constant 0 : i32
    %eq3A_20 = arith.cmpi eq, %arg0, %eq3A_19 : i32
    %convert_element_type3A_21 = arith.extui %eq3A_20 : i1 to i32
    %cond3A_22 = arith.constant 0 : i32
    %cond3A_23 = arith.cmpi ne, %convert_element_type3A_21, %cond3A_22 : i32
    scf.if %cond3A_23 {
      "tpu.region"() ({
        %run_scoped3A = tpu.sem_alloc : memref<!tpu.dma_semaphore, #tpu.memory_space<semaphore_mem>>
        %dma_start3A = arith.constant 0 : i32
        %dma_start3A_29 = tpu.memref_slice %arg8[%mul3A_0, %dma_start3A] : memref<10240x128xf32, #tpu.memory_space<hbm>> -> memref<640x128xf32, #tpu.memory_space<hbm>>
        %dma_start3A_30 = arith.constant 0 : i32
        %dma_start3A_31 = tpu.memref_slice %arg14[%mul3A_0, %dma_start3A_30] : memref<10240x128xf32, #tpu.memory_space<vmem_shared>> -> memref<640x128xf32, #tpu.memory_space<vmem_shared>>
        tpu.enqueue_dma source(%dma_start3A_31 : memref<640x128xf32, #tpu.memory_space<vmem_shared>>) target(%dma_start3A_29 : memref<640x128xf32, #tpu.memory_space<hbm>>) target_semaphore(%run_scoped3A : memref<!tpu.dma_semaphore, #tpu.memory_space<semaphore_mem>>)
        %dma_wait3A = arith.constant 0 : i32
        %dma_wait3A_32 = tpu.memref_slice %arg8[%mul3A_0, %dma_wait3A] : memref<10240x128xf32, #tpu.memory_space<hbm>> -> memref<640x128xf32, #tpu.memory_space<hbm>>
        %dma_wait3A_33 = arith.constant 0 : i32
        %dma_wait3A_34 = tpu.memref_slice %arg14[%mul3A_0, %dma_wait3A_33] : memref<10240x128xf32, #tpu.memory_space<vmem_shared>> -> memref<640x128xf32, #tpu.memory_space<vmem_shared>>
        tpu.wait_dma2 semaphore(%run_scoped3A : memref<!tpu.dma_semaphore, #tpu.memory_space<semaphore_mem>>) src(%dma_wait3A_34 : memref<640x128xf32, #tpu.memory_space<vmem_shared>>) dst(%dma_wait3A_32 : memref<640x128xf32, #tpu.memory_space<hbm>>)
        tpu.yield
      }) : () -> ()
    } else {
    }
    %eq3A_24 = arith.constant 1 : i32
    %eq3A_25 = arith.cmpi eq, %arg0, %eq3A_24 : i32
    %convert_element_type3A_26 = arith.extui %eq3A_25 : i1 to i32
    %cond3A_27 = arith.constant 0 : i32
    %cond3A_28 = arith.cmpi ne, %convert_element_type3A_26, %cond3A_27 : i32
    scf.if %cond3A_28 {
      "tpu.region"() ({
        %run_scoped3A = tpu.sem_alloc : memref<!tpu.dma_semaphore, #tpu.memory_space<semaphore_mem>>
        %dma_start3A = arith.constant 0 : i32
        %dma_start3A_29 = tpu.memref_slice %arg9[%mul3A_0, %dma_start3A] : memref<10240x128xf32, #tpu.memory_space<hbm>> -> memref<640x128xf32, #tpu.memory_space<hbm>>
        %dma_start3A_30 = arith.constant 0 : i32
        %dma_start3A_31 = tpu.memref_slice %arg14[%mul3A_0, %dma_start3A_30] : memref<10240x128xf32, #tpu.memory_space<vmem_shared>> -> memref<640x128xf32, #tpu.memory_space<vmem_shared>>
        tpu.enqueue_dma source(%dma_start3A_31 : memref<640x128xf32, #tpu.memory_space<vmem_shared>>) target(%dma_start3A_29 : memref<640x128xf32, #tpu.memory_space<hbm>>) target_semaphore(%run_scoped3A : memref<!tpu.dma_semaphore, #tpu.memory_space<semaphore_mem>>)
        %dma_wait3A = arith.constant 0 : i32
        %dma_wait3A_32 = tpu.memref_slice %arg9[%mul3A_0, %dma_wait3A] : memref<10240x128xf32, #tpu.memory_space<hbm>> -> memref<640x128xf32, #tpu.memory_space<hbm>>
        %dma_wait3A_33 = arith.constant 0 : i32
        %dma_wait3A_34 = tpu.memref_slice %arg14[%mul3A_0, %dma_wait3A_33] : memref<10240x128xf32, #tpu.memory_space<vmem_shared>> -> memref<640x128xf32, #tpu.memory_space<vmem_shared>>
        tpu.wait_dma2 semaphore(%run_scoped3A : memref<!tpu.dma_semaphore, #tpu.memory_space<semaphore_mem>>) src(%dma_wait3A_34 : memref<640x128xf32, #tpu.memory_space<vmem_shared>>) dst(%dma_wait3A_32 : memref<640x128xf32, #tpu.memory_space<hbm>>)
        tpu.yield
      }) : () -> ()
    } else {
    }
    return
  }
}

module attributes {stable_mosaic.version = 14 : i64} {
  func.func @body(%arg0: i32, %arg1: memref<2000x256xf32, #tpu.memory_space<vmem>>, %arg2: memref<256x256xf32, #tpu.memory_space<vmem>>, %arg3: memref<1x256xf32, #tpu.memory_space<vmem>>, %arg4: memref<2000x128xf32, #tpu.memory_space<vmem>>, %arg5: memref<2000x128xf32, #tpu.memory_space<vmem>>) attributes {dimension_semantics = [#tpu.dimension_semantics<arbitrary>], iteration_bounds = array<i64: 5>, scalar_prefetch = 0 : i64, scratch_operands = 0 : i64, tpu.core_type = #tpu.core_type<tc>, window_params = [{transform_indices = @transform_0, window_bounds = array<i64: 2000, 256>}, {pipeline_mode = #tpu.pipeline_mode<synchronous>, transform_indices = @transform_1, window_bounds = array<i64: 256, 256>}, {pipeline_mode = #tpu.pipeline_mode<synchronous>, transform_indices = @transform_2, window_bounds = array<i64: 1, 256>}, {transform_indices = @transform_3, window_bounds = array<i64: 2000, 128>}, {transform_indices = @transform_4, window_bounds = array<i64: 2000, 128>}]} {
    %get3A = arith.constant 0 : index
    %get3A_0 = arith.constant 0 : index
    %get3A_1 = vector.load %arg1[%get3A, %get3A_0] : memref<2000x256xf32, #tpu.memory_space<vmem>>, vector<2000x256xf32>
    %get3A_2 = arith.constant 0 : index
    %get3A_3 = arith.constant 0 : index
    %get3A_4 = vector.load %arg2[%get3A_2, %get3A_3] : memref<256x256xf32, #tpu.memory_space<vmem>>, vector<256x256xf32>
    %dot_general3A = arith.constant dense<0.000000e+00> : vector<2000x256xf32>
    %dot_general3A_5 = tpu.matmul %get3A_1, %get3A_4, %dot_general3A {dimension_numbers = #tpu.dot_dimension_numbers<[1], [1], [0], [0], [0, 0, 1, 0], [], []>, transpose_lhs_hint = false} : vector<2000x256xf32>, vector<256x256xf32>, vector<2000x256xf32> -> vector<2000x256xf32>
    %get3A_6 = arith.constant 0 : index
    %get3A_7 = arith.constant 0 : index
    %get3A_8 = vector.load %arg3[%get3A_6, %get3A_7] : memref<1x256xf32, #tpu.memory_space<vmem>>, vector<1x256xf32>
    %add3A = vector.broadcast %get3A_8 : vector<1x256xf32> to vector<2000x256xf32>
    %add3A_9 = arith.addf %dot_general3A_5, %add3A : vector<2000x256xf32>
    %slice3A = vector.extract_strided_slice %add3A_9 {offsets = [0, 0], sizes = [2000, 128], strides = [1, 1]} : vector<2000x256xf32> to vector<2000x128xf32>
    %swap3A = arith.constant 0 : index
    %swap3A_10 = arith.constant 0 : index
    %swap3A_11 = vector.load %arg4[%swap3A, %swap3A_10] : memref<2000x128xf32, #tpu.memory_space<vmem>>, vector<2000x128xf32>
    tpu.vector_store %arg4[%swap3A, %swap3A_10], %slice3A {strides = array<i32>} : memref<2000x128xf32, #tpu.memory_space<vmem>>, vector<2000x128xf32>,
    %slice3A_12 = vector.extract_strided_slice %add3A_9 {offsets = [0, 128], sizes = [2000, 128], strides = [1, 1]} : vector<2000x256xf32> to vector<2000x128xf32>
    %swap3A_13 = arith.constant 0 : index
    %swap3A_14 = arith.constant 0 : index
    %swap3A_15 = vector.load %arg5[%swap3A_13, %swap3A_14] : memref<2000x128xf32, #tpu.memory_space<vmem>>, vector<2000x128xf32>
    tpu.vector_store %arg5[%swap3A_13, %swap3A_14], %slice3A_12 {strides = array<i32>} : memref<2000x128xf32, #tpu.memory_space<vmem>>, vector<2000x128xf32>,
    return
  }
  func.func @transform_0(%arg0: i32) -> (i32, i32) {
    %c0_i32 = arith.constant 0 : i32
    %c0_i32_0 = arith.constant 0 : i32
    return %arg0, %c0_i32 : i32, i32
  }
  func.func @transform_1(%arg0: i32) -> (i32, i32) {
    %c0_i32 = arith.constant 0 : i32
    %c0_i32_0 = arith.constant 0 : i32
    %c0_i32_1 = arith.constant 0 : i32
    return %c0_i32, %c0_i32_0 : i32, i32
  }
  func.func @transform_2(%arg0: i32) -> (i32, i32) {
    %c0_i32 = arith.constant 0 : i32
    %c0_i32_0 = arith.constant 0 : i32
    %c0_i32_1 = arith.constant 0 : i32
    return %c0_i32, %c0_i32_0 : i32, i32
  }
  func.func @transform_3(%arg0: i32) -> (i32, i32) {
    %c0_i32 = arith.constant 0 : i32
    %c0_i32_0 = arith.constant 0 : i32
    return %arg0, %c0_i32 : i32, i32
  }
  func.func @transform_4(%arg0: i32) -> (i32, i32) {
    %c0_i32 = arith.constant 0 : i32
    %c0_i32_0 = arith.constant 0 : i32
    return %arg0, %c0_i32 : i32, i32
  }
}

module attributes {stable_mosaic.version = 14 : i64} {
  func.func @body(%arg0: i32, %arg1: memref<2000x128xf32, #tpu.memory_space<vmem>>, %arg2: memref<2000x128xf32, #tpu.memory_space<vmem>>, %arg3: memref<2000x16xf32, #tpu.memory_space<vmem>>, %arg4: memref<2000x16xf32, #tpu.memory_space<vmem>>, %arg5: memref<2000x256xf32, #tpu.memory_space<vmem>>, %arg6: memref<256x128xf32, #tpu.memory_space<vmem>>, %arg7: memref<256x128xf32, #tpu.memory_space<vmem>>, %arg8: memref<2000x128xf32, #tpu.memory_space<vmem>>, %arg9: memref<2000x128xf32, #tpu.memory_space<vmem>>) attributes {dimension_semantics = [#tpu.dimension_semantics<arbitrary>], iteration_bounds = array<i64: 5>, scalar_prefetch = 0 : i64, scratch_operands = 0 : i64, tpu.core_type = #tpu.core_type<tc>, window_params = [{transform_indices = @transform_0, window_bounds = array<i64: 2000, 128>}, {transform_indices = @transform_1, window_bounds = array<i64: 2000, 128>}, {transform_indices = @transform_2, window_bounds = array<i64: 2000, 16>}, {transform_indices = @transform_3, window_bounds = array<i64: 2000, 16>}, {transform_indices = @transform_4, window_bounds = array<i64: 2000, 256>}, {pipeline_mode = #tpu.pipeline_mode<synchronous>, transform_indices = @transform_5, window_bounds = array<i64: 256, 128>}, {pipeline_mode = #tpu.pipeline_mode<synchronous>, transform_indices = @transform_6, window_bounds = array<i64: 256, 128>}, {transform_indices = @transform_7, window_bounds = array<i64: 2000, 128>}, {transform_indices = @transform_8, window_bounds = array<i64: 2000, 128>}]} {
    %get3A = arith.constant 0 : index
    %get3A_0 = arith.constant 0 : index
    %get3A_1 = vector.load %arg3[%get3A, %get3A_0] : memref<2000x16xf32, #tpu.memory_space<vmem>>, vector<2000x1xf32>
    %get3A_2 = arith.constant 0 : index
    %get3A_3 = arith.constant 0 : index
    %get3A_4 = vector.load %arg4[%get3A_2, %get3A_3] : memref<2000x16xf32, #tpu.memory_space<vmem>>, vector<2000x1xf32>
    %add3A = arith.addf %get3A_1, %get3A_4 : vector<2000x1xf32>
    %max3A = arith.constant 1.000000e+00 : f32
    %max3A_5 = vector.broadcast %max3A : f32 to vector<2000x1xf32>
    %max3A_6 = arith.maximumf %add3A, %max3A_5 : vector<2000x1xf32>
    %div3A = arith.constant 1.000000e+00 : f32
    %div3A_7 = vector.broadcast %div3A : f32 to vector<2000x1xf32>
    %div3A_8 = arith.divf %div3A_7, %max3A_6 : vector<2000x1xf32>
    %get3A_9 = arith.constant 0 : index
    %get3A_10 = arith.constant 0 : index
    %get3A_11 = vector.load %arg1[%get3A_9, %get3A_10] : memref<2000x128xf32, #tpu.memory_space<vmem>>, vector<2000x128xf32>
    %mul3A = vector.broadcast %div3A_8 : vector<2000x1xf32> to vector<2000x128xf32>
    %mul3A_12 = arith.mulf %get3A_11, %mul3A : vector<2000x128xf32>
    %get3A_13 = arith.constant 0 : index
    %get3A_14 = arith.constant 0 : index
    %get3A_15 = vector.load %arg6[%get3A_13, %get3A_14] : memref<256x128xf32, #tpu.memory_space<vmem>>, vector<256x128xf32>
    %dot_general3A = arith.constant dense<0.000000e+00> : vector<2000x256xf32>
    %dot_general3A_16 = tpu.matmul %mul3A_12, %get3A_15, %dot_general3A {dimension_numbers = #tpu.dot_dimension_numbers<[1], [1], [0], [0], [0, 0, 1, 0], [], []>, transpose_lhs_hint = false} : vector<2000x128xf32>, vector<256x128xf32>, vector<2000x256xf32> -> vector<2000x256xf32>
    %get3A_17 = arith.constant 0 : index
    %get3A_18 = arith.constant 0 : index
    %get3A_19 = vector.load %arg2[%get3A_17, %get3A_18] : memref<2000x128xf32, #tpu.memory_space<vmem>>, vector<2000x128xf32>
    %mul3A_20 = vector.broadcast %div3A_8 : vector<2000x1xf32> to vector<2000x128xf32>
    %mul3A_21 = arith.mulf %get3A_19, %mul3A_20 : vector<2000x128xf32>
    %get3A_22 = arith.constant 0 : index
    %get3A_23 = arith.constant 0 : index
    %get3A_24 = vector.load %arg7[%get3A_22, %get3A_23] : memref<256x128xf32, #tpu.memory_space<vmem>>, vector<256x128xf32>
    %dot_general3A_25 = arith.constant dense<0.000000e+00> : vector<2000x256xf32>
    %dot_general3A_26 = tpu.matmul %mul3A_21, %get3A_24, %dot_general3A_25 {dimension_numbers = #tpu.dot_dimension_numbers<[1], [1], [0], [0], [0, 0, 1, 0], [], []>, transpose_lhs_hint = false} : vector<2000x128xf32>, vector<256x128xf32>, vector<2000x256xf32> -> vector<2000x256xf32>
    %add3A_27 = arith.addf %dot_general3A_16, %dot_general3A_26 : vector<2000x256xf32>
    %get3A_28 = arith.constant 0 : index
    %get3A_29 = arith.constant 0 : index
    %get3A_30 = vector.load %arg5[%get3A_28, %get3A_29] : memref<2000x256xf32, #tpu.memory_space<vmem>>, vector<2000x256xf32>
    %add3A_31 = arith.addf %add3A_27, %get3A_30 : vector<2000x256xf32>
    %max3A_32 = arith.constant 0.000000e+00 : f32
    %max3A_33 = vector.broadcast %max3A_32 : f32 to vector<2000x256xf32>
    %max3A_34 = arith.maximumf %add3A_31, %max3A_33 : vector<2000x256xf32>
    %slice3A = vector.extract_strided_slice %max3A_34 {offsets = [0, 0], sizes = [2000, 128], strides = [1, 1]} : vector<2000x256xf32> to vector<2000x128xf32>
    %swap3A = arith.constant 0 : index
    %swap3A_35 = arith.constant 0 : index
    %swap3A_36 = vector.load %arg8[%swap3A, %swap3A_35] : memref<2000x128xf32, #tpu.memory_space<vmem>>, vector<2000x128xf32>
    tpu.vector_store %arg8[%swap3A, %swap3A_35], %slice3A {strides = array<i32>} : memref<2000x128xf32, #tpu.memory_space<vmem>>, vector<2000x128xf32>,
    %slice3A_37 = vector.extract_strided_slice %max3A_34 {offsets = [0, 128], sizes = [2000, 128], strides = [1, 1]} : vector<2000x256xf32> to vector<2000x128xf32>
    %swap3A_38 = arith.constant 0 : index
    %swap3A_39 = arith.constant 0 : index
    %swap3A_40 = vector.load %arg9[%swap3A_38, %swap3A_39] : memref<2000x128xf32, #tpu.memory_space<vmem>>, vector<2000x128xf32>
    tpu.vector_store %arg9[%swap3A_38, %swap3A_39], %slice3A_37 {strides = array<i32>} : memref<2000x128xf32, #tpu.memory_space<vmem>>, vector<2000x128xf32>,
    return
  }
  func.func @transform_0(%arg0: i32) -> (i32, i32) {
    %c0_i32 = arith.constant 0 : i32
    %c0_i32_0 = arith.constant 0 : i32
    return %arg0, %c0_i32 : i32, i32
  }
  func.func @transform_1(%arg0: i32) -> (i32, i32) {
    %c0_i32 = arith.constant 0 : i32
    %c0_i32_0 = arith.constant 0 : i32
    return %arg0, %c0_i32 : i32, i32
  }
  func.func @transform_2(%arg0: i32) -> (i32, i32) {
    %c0_i32 = arith.constant 0 : i32
    %c0_i32_0 = arith.constant 0 : i32
    return %arg0, %c0_i32 : i32, i32
  }
  func.func @transform_3(%arg0: i32) -> (i32, i32) {
    %c0_i32 = arith.constant 0 : i32
    %c0_i32_0 = arith.constant 0 : i32
    return %arg0, %c0_i32 : i32, i32
  }
  func.func @transform_4(%arg0: i32) -> (i32, i32) {
    %c0_i32 = arith.constant 0 : i32
    %c0_i32_0 = arith.constant 0 : i32
    return %arg0, %c0_i32 : i32, i32
  }
  func.func @transform_5(%arg0: i32) -> (i32, i32) {
    %c0_i32 = arith.constant 0 : i32
    %c0_i32_0 = arith.constant 0 : i32
    %c0_i32_1 = arith.constant 0 : i32
    return %c0_i32, %c0_i32_0 : i32, i32
  }
  func.func @transform_6(%arg0: i32) -> (i32, i32) {
    %c0_i32 = arith.constant 0 : i32
    %c0_i32_0 = arith.constant 0 : i32
    %c0_i32_1 = arith.constant 0 : i32
    return %c0_i32, %c0_i32_0 : i32, i32
  }
  func.func @transform_7(%arg0: i32) -> (i32, i32) {
    %c0_i32 = arith.constant 0 : i32
    %c0_i32_0 = arith.constant 0 : i32
    return %arg0, %c0_i32 : i32, i32
  }
  func.func @transform_8(%arg0: i32) -> (i32, i32) {
    %c0_i32 = arith.constant 0 : i32
    %c0_i32_0 = arith.constant 0 : i32
    return %arg0, %c0_i32 : i32, i32
  }
}

module attributes {stable_mosaic.version = 14 : i64} {
  func.func @body(%arg0: i32, %arg1: memref<2000x128xf32, #tpu.memory_space<vmem>>, %arg2: memref<2000x128xf32, #tpu.memory_space<vmem>>, %arg3: memref<256x128xf32, #tpu.memory_space<vmem>>, %arg4: memref<256x128xf32, #tpu.memory_space<vmem>>, %arg5: memref<1x256xf32, #tpu.memory_space<vmem>>, %arg6: memref<2000x256xf32, #tpu.memory_space<vmem>>) attributes {dimension_semantics = [#tpu.dimension_semantics<arbitrary>], iteration_bounds = array<i64: 5>, scalar_prefetch = 0 : i64, scratch_operands = 0 : i64, tpu.core_type = #tpu.core_type<tc>, window_params = [{transform_indices = @transform_0, window_bounds = array<i64: 2000, 128>}, {transform_indices = @transform_1, window_bounds = array<i64: 2000, 128>}, {pipeline_mode = #tpu.pipeline_mode<synchronous>, transform_indices = @transform_2, window_bounds = array<i64: 256, 128>}, {pipeline_mode = #tpu.pipeline_mode<synchronous>, transform_indices = @transform_3, window_bounds = array<i64: 256, 128>}, {pipeline_mode = #tpu.pipeline_mode<synchronous>, transform_indices = @transform_4, window_bounds = array<i64: 1, 256>}, {transform_indices = @transform_5, window_bounds = array<i64: 2000, 256>}]} {
    %get3A = arith.constant 0 : index
    %get3A_0 = arith.constant 0 : index
    %get3A_1 = vector.load %arg1[%get3A, %get3A_0] : memref<2000x128xf32, #tpu.memory_space<vmem>>, vector<2000x128xf32>
    %get3A_2 = arith.constant 0 : index
    %get3A_3 = arith.constant 0 : index
    %get3A_4 = vector.load %arg3[%get3A_2, %get3A_3] : memref<256x128xf32, #tpu.memory_space<vmem>>, vector<256x128xf32>
    %dot_general3A = arith.constant dense<0.000000e+00> : vector<2000x256xf32>
    %dot_general3A_5 = tpu.matmul %get3A_1, %get3A_4, %dot_general3A {dimension_numbers = #tpu.dot_dimension_numbers<[1], [1], [0], [0], [0, 0, 1, 0], [], []>, transpose_lhs_hint = false} : vector<2000x128xf32>, vector<256x128xf32>, vector<2000x256xf32> -> vector<2000x256xf32>
    %get3A_6 = arith.constant 0 : index
    %get3A_7 = arith.constant 0 : index
    %get3A_8 = vector.load %arg2[%get3A_6, %get3A_7] : memref<2000x128xf32, #tpu.memory_space<vmem>>, vector<2000x128xf32>
    %get3A_9 = arith.constant 0 : index
    %get3A_10 = arith.constant 0 : index
    %get3A_11 = vector.load %arg4[%get3A_9, %get3A_10] : memref<256x128xf32, #tpu.memory_space<vmem>>, vector<256x128xf32>
    %dot_general3A_12 = arith.constant dense<0.000000e+00> : vector<2000x256xf32>
    %dot_general3A_13 = tpu.matmul %get3A_8, %get3A_11, %dot_general3A_12 {dimension_numbers = #tpu.dot_dimension_numbers<[1], [1], [0], [0], [0, 0, 1, 0], [], []>, transpose_lhs_hint = false} : vector<2000x128xf32>, vector<256x128xf32>, vector<2000x256xf32> -> vector<2000x256xf32>
    %add3A = arith.addf %dot_general3A_5, %dot_general3A_13 : vector<2000x256xf32>
    %get3A_14 = arith.constant 0 : index
    %get3A_15 = arith.constant 0 : index
    %get3A_16 = vector.load %arg5[%get3A_14, %get3A_15] : memref<1x256xf32, #tpu.memory_space<vmem>>, vector<1x256xf32>
    %add3A_17 = vector.broadcast %get3A_16 : vector<1x256xf32> to vector<2000x256xf32>
    %add3A_18 = arith.addf %add3A, %add3A_17 : vector<2000x256xf32>
    %swap3A = arith.constant 0 : index
    %swap3A_19 = arith.constant 0 : index
    %swap3A_20 = vector.load %arg6[%swap3A, %swap3A_19] : memref<2000x256xf32, #tpu.memory_space<vmem>>, vector<2000x256xf32>
    tpu.vector_store %arg6[%swap3A, %swap3A_19], %add3A_18 {strides = array<i32>} : memref<2000x256xf32, #tpu.memory_space<vmem>>, vector<2000x256xf32>,
    return
  }
  func.func @transform_0(%arg0: i32) -> (i32, i32) {
    %c0_i32 = arith.constant 0 : i32
    %c0_i32_0 = arith.constant 0 : i32
    return %arg0, %c0_i32 : i32, i32
  }
  func.func @transform_1(%arg0: i32) -> (i32, i32) {
    %c0_i32 = arith.constant 0 : i32
    %c0_i32_0 = arith.constant 0 : i32
    return %arg0, %c0_i32 : i32, i32
  }
  func.func @transform_2(%arg0: i32) -> (i32, i32) {
    %c0_i32 = arith.constant 0 : i32
    %c0_i32_0 = arith.constant 0 : i32
    %c0_i32_1 = arith.constant 0 : i32
    return %c0_i32, %c0_i32_0 : i32, i32
  }
  func.func @transform_3(%arg0: i32) -> (i32, i32) {
    %c0_i32 = arith.constant 0 : i32
    %c0_i32_0 = arith.constant 0 : i32
    %c0_i32_1 = arith.constant 0 : i32
    return %c0_i32, %c0_i32_0 : i32, i32
  }
  func.func @transform_4(%arg0: i32) -> (i32, i32) {
    %c0_i32 = arith.constant 0 : i32
    %c0_i32_0 = arith.constant 0 : i32
    %c0_i32_1 = arith.constant 0 : i32
    return %c0_i32, %c0_i32_0 : i32, i32
  }
  func.func @transform_5(%arg0: i32) -> (i32, i32) {
    %c0_i32 = arith.constant 0 : i32
    %c0_i32_0 = arith.constant 0 : i32
    return %arg0, %c0_i32 : i32, i32
  }
}

module attributes {stable_mosaic.version = 14 : i64} {
  func.func @body(%arg0: i32, %arg1: memref<2000x128xf32, #tpu.memory_space<vmem>>, %arg2: memref<2000x128xf32, #tpu.memory_space<vmem>>, %arg3: memref<2000x16xf32, #tpu.memory_space<vmem>>, %arg4: memref<2000x16xf32, #tpu.memory_space<vmem>>, %arg5: memref<2000x256xf32, #tpu.memory_space<vmem>>, %arg6: memref<256x128xf32, #tpu.memory_space<vmem>>, %arg7: memref<256x128xf32, #tpu.memory_space<vmem>>, %arg8: memref<2000x256xf32, #tpu.memory_space<vmem>>) attributes {dimension_semantics = [#tpu.dimension_semantics<arbitrary>], iteration_bounds = array<i64: 5>, scalar_prefetch = 0 : i64, scratch_operands = 0 : i64, tpu.core_type = #tpu.core_type<tc>, window_params = [{transform_indices = @transform_0, window_bounds = array<i64: 2000, 128>}, {transform_indices = @transform_1, window_bounds = array<i64: 2000, 128>}, {transform_indices = @transform_2, window_bounds = array<i64: 2000, 16>}, {transform_indices = @transform_3, window_bounds = array<i64: 2000, 16>}, {transform_indices = @transform_4, window_bounds = array<i64: 2000, 256>}, {pipeline_mode = #tpu.pipeline_mode<synchronous>, transform_indices = @transform_5, window_bounds = array<i64: 256, 128>}, {pipeline_mode = #tpu.pipeline_mode<synchronous>, transform_indices = @transform_6, window_bounds = array<i64: 256, 128>}, {transform_indices = @transform_7, window_bounds = array<i64: 2000, 256>}]} {
    %get3A = arith.constant 0 : index
    %get3A_0 = arith.constant 0 : index
    %get3A_1 = vector.load %arg3[%get3A, %get3A_0] : memref<2000x16xf32, #tpu.memory_space<vmem>>, vector<2000x1xf32>
    %get3A_2 = arith.constant 0 : index
    %get3A_3 = arith.constant 0 : index
    %get3A_4 = vector.load %arg4[%get3A_2, %get3A_3] : memref<2000x16xf32, #tpu.memory_space<vmem>>, vector<2000x1xf32>
    %add3A = arith.addf %get3A_1, %get3A_4 : vector<2000x1xf32>
    %max3A = arith.constant 1.000000e+00 : f32
    %max3A_5 = vector.broadcast %max3A : f32 to vector<2000x1xf32>
    %max3A_6 = arith.maximumf %add3A, %max3A_5 : vector<2000x1xf32>
    %div3A = arith.constant 1.000000e+00 : f32
    %div3A_7 = vector.broadcast %div3A : f32 to vector<2000x1xf32>
    %div3A_8 = arith.divf %div3A_7, %max3A_6 : vector<2000x1xf32>
    %get3A_9 = arith.constant 0 : index
    %get3A_10 = arith.constant 0 : index
    %get3A_11 = vector.load %arg1[%get3A_9, %get3A_10] : memref<2000x128xf32, #tpu.memory_space<vmem>>, vector<2000x128xf32>
    %mul3A = vector.broadcast %div3A_8 : vector<2000x1xf32> to vector<2000x128xf32>
    %mul3A_12 = arith.mulf %get3A_11, %mul3A : vector<2000x128xf32>
    %get3A_13 = arith.constant 0 : index
    %get3A_14 = arith.constant 0 : index
    %get3A_15 = vector.load %arg6[%get3A_13, %get3A_14] : memref<256x128xf32, #tpu.memory_space<vmem>>, vector<256x128xf32>
    %dot_general3A = arith.constant dense<0.000000e+00> : vector<2000x256xf32>
    %dot_general3A_16 = tpu.matmul %mul3A_12, %get3A_15, %dot_general3A {dimension_numbers = #tpu.dot_dimension_numbers<[1], [1], [0], [0], [0, 0, 1, 0], [], []>, transpose_lhs_hint = false} : vector<2000x128xf32>, vector<256x128xf32>, vector<2000x256xf32> -> vector<2000x256xf32>
    %get3A_17 = arith.constant 0 : index
    %get3A_18 = arith.constant 0 : index
    %get3A_19 = vector.load %arg2[%get3A_17, %get3A_18] : memref<2000x128xf32, #tpu.memory_space<vmem>>, vector<2000x128xf32>
    %mul3A_20 = vector.broadcast %div3A_8 : vector<2000x1xf32> to vector<2000x128xf32>
    %mul3A_21 = arith.mulf %get3A_19, %mul3A_20 : vector<2000x128xf32>
    %get3A_22 = arith.constant 0 : index
    %get3A_23 = arith.constant 0 : index
    %get3A_24 = vector.load %arg7[%get3A_22, %get3A_23] : memref<256x128xf32, #tpu.memory_space<vmem>>, vector<256x128xf32>
    %dot_general3A_25 = arith.constant dense<0.000000e+00> : vector<2000x256xf32>
    %dot_general3A_26 = tpu.matmul %mul3A_21, %get3A_24, %dot_general3A_25 {dimension_numbers = #tpu.dot_dimension_numbers<[1], [1], [0], [0], [0, 0, 1, 0], [], []>, transpose_lhs_hint = false} : vector<2000x128xf32>, vector<256x128xf32>, vector<2000x256xf32> -> vector<2000x256xf32>
    %add3A_27 = arith.addf %dot_general3A_16, %dot_general3A_26 : vector<2000x256xf32>
    %get3A_28 = arith.constant 0 : index
    %get3A_29 = arith.constant 0 : index
    %get3A_30 = vector.load %arg5[%get3A_28, %get3A_29] : memref<2000x256xf32, #tpu.memory_space<vmem>>, vector<2000x256xf32>
    %add3A_31 = arith.addf %add3A_27, %get3A_30 : vector<2000x256xf32>
    %swap3A = arith.constant 0 : index
    %swap3A_32 = arith.constant 0 : index
    %swap3A_33 = vector.load %arg8[%swap3A, %swap3A_32] : memref<2000x256xf32, #tpu.memory_space<vmem>>, vector<2000x256xf32>
    tpu.vector_store %arg8[%swap3A, %swap3A_32], %add3A_31 {strides = array<i32>} : memref<2000x256xf32, #tpu.memory_space<vmem>>, vector<2000x256xf32>,
    return
  }
  func.func @transform_0(%arg0: i32) -> (i32, i32) {
    %c0_i32 = arith.constant 0 : i32
    %c0_i32_0 = arith.constant 0 : i32
    return %arg0, %c0_i32 : i32, i32
  }
  func.func @transform_1(%arg0: i32) -> (i32, i32) {
    %c0_i32 = arith.constant 0 : i32
    %c0_i32_0 = arith.constant 0 : i32
    return %arg0, %c0_i32 : i32, i32
  }
  func.func @transform_2(%arg0: i32) -> (i32, i32) {
    %c0_i32 = arith.constant 0 : i32
    %c0_i32_0 = arith.constant 0 : i32
    return %arg0, %c0_i32 : i32, i32
  }
  func.func @transform_3(%arg0: i32) -> (i32, i32) {
    %c0_i32 = arith.constant 0 : i32
    %c0_i32_0 = arith.constant 0 : i32
    return %arg0, %c0_i32 : i32, i32
  }
  func.func @transform_4(%arg0: i32) -> (i32, i32) {
    %c0_i32 = arith.constant 0 : i32
    %c0_i32_0 = arith.constant 0 : i32
    return %arg0, %c0_i32 : i32, i32
  }
  func.func @transform_5(%arg0: i32) -> (i32, i32) {
    %c0_i32 = arith.constant 0 : i32
    %c0_i32_0 = arith.constant 0 : i32
    %c0_i32_1 = arith.constant 0 : i32
    return %c0_i32, %c0_i32_0 : i32, i32
  }
  func.func @transform_6(%arg0: i32) -> (i32, i32) {
    %c0_i32 = arith.constant 0 : i32
    %c0_i32_0 = arith.constant 0 : i32
    %c0_i32_1 = arith.constant 0 : i32
    return %c0_i32, %c0_i32_0 : i32, i32
  }
  func.func @transform_7(%arg0: i32) -> (i32, i32) {
    %c0_i32 = arith.constant 0 : i32
    %c0_i32_0 = arith.constant 0 : i32
    return %arg0, %c0_i32 : i32, i32
  }
}

</mosaic_0001>

<sc_bundles>
// kernel: kernel.10.cloned.1.call-start
scs
__scs_entry_jumppad:
0x0: {  	(pc) =	sbr.rel $0x88, $3  }
0x1: {  	(tag) =	ssettag $0x0;
	lr =	simm.s32 $0x1  }
0x2: {  	[smem:$0x3F97] =	sst lr;
	_ =	strace $0xD0000000  }
0x3: {  	_ = 	snop  }
0x4: {  	_ = 	snop  }
0x5: {  	_ = 	snop  }
0x6: {  	_ = 	snop  }
0x7: {  	_ = 	snop  }
__scs_overlays_trampoline_lowered:
0x8: {  	[smem:$0x3FA6] =	sst s0  }
0x9: {  	[smem:$0x3FA7] =	sst s1  }
0xa: {  	[smem:$0x3FA8] =	sst s2  }
0xb: {  	[smem:$0x3FA9] =	sst s3  }
0xc: {  	[smem:$0x3FAA] =	sst s4  }
0xd: {  	[smem:$0x3FAB] =	sst s5  }
0xe: {  	[smem:$0x3FAC] =	sst s6  }
0xf: {  	[smem:$0x3FAD] =	sst s7  }
0x10: {  	[smem:$0x3FAE] =	sst s8  }
0x11: {  	[smem:$0x3FAF] =	sst s9;
	s0 =	simm.s32 @!p0 $0x0  }
0x12: {  	s1 =	sld [smem:$0x3F95];
	s0 =	simm.s32 @p0 $0x1  }
0x13: {  	[smem:$0x3FB0] =	sst s0;
	s0 =	simm.s32 @!p1 $0x0  }
0x14: {  	s2 =	sld [smem:$0x3F94];
	s0 =	simm.s32 @p1 $0x1  }
0x15: {  	[smem:$0x3FB1] =	sst s0;
	s0 =	simm.s32 @!p2 $0x0  }
0x16: {  	s3 =	sld [smem:$0x3FDB];
	s0 =	simm.s32 @p2 $0x1  }
0x17: {  	s4 =	simm.s32 $0x1BF5;
	[smem:$0x3FB3] =	sst s0  }
0x18: {  	s0 =	sld [smem:$0x3F96];
	_ =	swait.ge [sflag:s4], $0x0  }
0x19: {  	s7 =	sld [smem:$0x3F97]  }
0x1a: {  	s8 =	sadd.s32 $0xFFFFE003, lr  }
0x1b: {  	s9 =	sadd.s32 $0xFFFFFEF7, lr;
	s5 =	simm.s32 $0xFFFFFFFF;
	p2 =	slt.u32 s8, $0xFFFFF086  }
0x1c: {  	p1 =	slt.u32 s9, $0xF7A;
	s5 =	simm.s32 @!p2 $0x0  }
0x1d: {  	s5 =	simm.s32 @p1 $0x1;
	p0 =	seq.s32 s7, s2  }
0x1e: {  	s7 =	smul.u32 @!p0 $0xF7A, s2;
	p2 =	seq.s32 @!p0 s5, $0x0  }
0x1f: {  	s9 =	smul.u32 $0xF7A, s1;
	s8 =	simm.s32 @!p0 $0x1BF5;
	p2 =	por !p2, p0  }
0x20: {  	[sflag:s8] =	ssyncset.s32 @!p0 $0xFFFFF086;
	s6 =	sadd.s32 @!p0 s3, s7;
	s7 =	simm.s32 @!p0 $0x108  }
0x21: {  	s3 =	sadd.s32 s3, s9;
	s6 =	sadd.s32 @!p0 $0x88, s6;
	s7 =	simm.s32 @p2 $0x1082  }
0x22: {  	[simem:s7], [sflag:s8] =	dma.local @!p0 [hbm:s6], $0xF7A  }
0x23: {  	s9 =	sor.u32 $0xD0000000, s2;
	s6 =	simm.s32 $0x108;
	_ =	swait.ge @!p0 [sflag:s8], $0x0  }
0x24: {  	s3 =	sadd.s32 $0x88, s3;
	s6 =	simm.s32 @!p1 $0x1082;
	[sflag:s4] =	ssyncset.s32 $0xFFFFF086  }
0x25: {  	[simem:s6], [sflag:s4] =	dma.local [hbm:s3], $0xF7A  }
0x26: {  	[smem:$0x3F97] =	sst s1;
	(tag) =	ssettag s2;
	_ =	strace s9  }
0x27: {  	s1 =	sld [smem:$0x3FA7]  }
0x28: {  	s2 =	sld [smem:$0x3FA8]  }
0x29: {  	s4 =	sld [smem:$0x3FAA]  }
0x2a: {  	p0 =	seq.s32 s5, $0x0;
	s5 =	sld [smem:$0x3FAB]  }
0x2b: {  	s6 =	sld [smem:$0x3FAC]  }
0x2c: {  	s7 =	sld [smem:$0x3FAD]  }
0x2d: {  	s3 =	simm.s32 $0x108;
	s8 =	sld [smem:$0x3FAE]  }
0x2e: {  	s3 =	simm.s32 @!p0 $0x1082;
	s9 =	sld [smem:$0x3FAF]  }
0x2f: {  	lr =	sadd.s32 s0, s3;
	s0 =	sld [smem:$0x3FA6]  }
0x30: {  	s3 =	sld [smem:$0x3FA9]  }
0x31: {  	[smem:$0x3FB2] =	sst s10  }
0x32: {  	s10 =	sld [smem:$0x3FB0];
	_ =	sdelay $0x3  }
0x33: {  	p0 =	seq.s32 s10, $0x1;
	s10 =	sld [smem:$0x3FB2];
	_ =	sdelay $0x3  }
0x34: {  	[smem:$0x3FB2] =	sst s10  }
0x35: {  	s10 =	sld [smem:$0x3FB1];
	_ =	sdelay $0x3  }
0x36: {  	p1 =	seq.s32 s10, $0x1;
	s10 =	sld [smem:$0x3FB2];
	_ =	sdelay $0x3  }
0x37: {  	[smem:$0x3FB2] =	sst s10  }
0x38: {  	s10 =	sld [smem:$0x3FB3]  }
0x39: {  	_ = 	snop;
	(pc) =	sbr.ind lr, $3  }
0x3a: {  	_ = 	snop  }
0x3b: {  	_ = 	snop  }
0x3c: {  	p2 =	seq.s32 s10, $0x1;
	s10 =	sld [smem:$0x3FB2]  }
0x3d: {  	_ =	shalt  }
0x3e: {  	_ =	shalt  }
0x3f: {  	_ =	shalt  }
0x40: {  	_ =	shalt  }
0x41: {  	_ =	shalt  }
0x42: {  	_ =	shalt  }
0x43: {  	_ =	shalt  }
0x44: {  	_ =	shalt  }
0x45: {  	_ =	shalt  }
0x46: {  	_ =	shalt  }
0x47: {  	_ =	shalt  }
0x48: {  	_ =	shalt  }
0x49: {  	_ =	shalt  }
0x4a: {  	_ =	shalt  }
0x4b: {  	_ =	shalt  }
0x4c: {  	_ =	shalt  }
0x4d: {  	_ =	shalt  }
0x4e: {  	_ =	shalt  }
0x4f: {  	_ =	shalt  }
0x50: {  	_ =	shalt  }
0x51: {  	_ =	shalt  }
0x52: {  	_ =	shalt  }
0x53: {  	_ =	shalt  }
0x54: {  	_ =	shalt  }
0x55: {  	_ =	shalt  }
0x56: {  	_ =	shalt  }
0x57: {  	_ =	shalt  }
0x58: {  	_ =	shalt  }
0x59: {  	_ =	shalt  }
0x5a: {  	_ =	shalt  }
0x5b: {  	_ =	shalt  }
0x5c: {  	_ =	shalt  }
0x5d: {  	_ =	shalt  }
0x5e: {  	_ =	shalt  }
0x5f: {  	_ =	shalt  }
0x60: {  	_ =	shalt  }
0x61: {  	_ =	shalt  }
0x62: {  	_ =	shalt  }
0x63: {  	_ =	shalt  }
0x64: {  	_ =	shalt  }
0x65: {  	_ =	shalt  }
0x66: {  	_ =	shalt  }
0x67: {  	_ =	shalt  }
0x68: {  	_ =	shalt  }
0x69: {  	_ =	shalt  }
0x6a: {  	_ =	shalt  }
0x6b: {  	_ =	shalt  }
0x6c: {  	_ =	shalt  }
0x6d: {  	_ =	shalt  }
0x6e: {  	_ =	shalt  }
0x6f: {  	_ =	shalt  }
0x70: {  	_ =	shalt  }
0x71: {  	_ =	shalt  }
0x72: {  	_ =	shalt  }
0x73: {  	_ =	shalt  }
0x74: {  	_ =	shalt  }
0x75: {  	_ =	shalt  }
0x76: {  	_ =	shalt  }
0x77: {  	_ =	shalt  }
0x78: {  	_ =	shalt  }
0x79: {  	_ =	shalt  }
0x7a: {  	_ =	shalt  }
0x7b: {  	_ =	shalt  }
0x7c: {  	_ =	shalt  }
0x7d: {  	_ =	shalt  }
0x7e: {  	_ =	shalt  }
0x7f: {  	_ =	shalt  }
0x80: {  	_ =	shalt  }
0x81: {  	_ =	shalt  }
0x82: {  	_ =	shalt  }
0x83: {  	_ =	shalt  }
0x84: {  	_ =	shalt  }
0x85: {  	_ =	shalt  }
0x86: {  	_ =	shalt  }
0x87: {  	_ =	shalt  }
.Lfunc_end0:
.L_simem_size_0:
called_computation_lowered:
.L_overlay_start_0:
0x88: {  	s2 =	sld [smem:$0x3FD9]  }
0x89: {  	s3 =	sld [smem:$0x3FFE];
	_ =	sdelay $0x1  }
0x8a: {  	s1 =	srdreg.scid  }
0x8b: {  	s0 =	sand.u32 $0x1, s1  }
0x8c: {  	s17 =	sshll.u32 s0, $0xA;
	s2 =	sadd.s32 s3, s2  }
0x8d: {  	s2 =	sadd.s32 s2, s17  }
0x8e: {  	[smem:$0x3FBE] =	sst s2  }
0x8f: {  	_ = 	snop  }
0x90: {  	s2 =	sld [smem:$0x3FD0];
	(tm) =	ssettm $0x1  }
0x91: {  	s18 =	sld [smem:$0x3FFB];
	_ =	sdelay $0x3  }
0x92: {  	_ =	strace s18  }
0x93: {  	s3 =	sld [smem:$0x3FFC];
	_ =	sdelay $0x3  }
0x94: {  	_ =	strace s3  }
0x95: {  	s3 =	sld [smem:$0x3FFD];
	_ =	sdelay $0x3  }
0x96: {  	_ =	strace s3  }
0x97: {  	_ =	strace $0x8FFFFFFF  }
0x98: {  	s19 =	sld [smem:$0x3FDB];
	_ =	sdelay $0x1  }
0x99: {  	s4 =	simm.s32 $_scs_section_size  }
0x9a: {  	s5 =	simm.s32 $_size__tile_overlayer_lowered;
	s6 =	simm.s32 $_tile_overlayer_lowered  }
0x9b: {  	s22 =	simm.s32 $0x1BFF;
	s21 =	sshll.u32 s6, $0x1;
	s3 =	sadd.s32 s4, s19  }
0x9c: {  	s7 =	simm.s32 $0x0;
	s20 =	sshll.u32 s5, $0x1;
	s5 =	sadd.s32 s21, s3  }
0x9d: {  	[timem:s7], [sflag:s22] =	dma.local [hbm:s5], s20  }
0x9e: {  	_ =	swait.ge [sflag:s22], s20  }
0x9f: {  	s4 =	ssub.s32 $0x0, s20;
	[sflag:s22] =	ssyncset.done $0x0  }
0xa0: {  	[sflag:s22] =	ssyncadd.s32 s4;
	_ =	sdelay $0x1  }
0xa1: {  	s23 =	simm.s32 $0x1B8B  }
0xa2: {  	_ =	swait.ge [sflag:s23], $0x1  }
0xa3: {  	[sflag:s23] =	ssyncset.done $0x0  }
0xa4: {  	s25 =	simm.s32 $0x1B8E;
	s24 =	sld [smem:$0x3FFE];
	[sflag:s23] =	ssyncadd.s32 $0xFFFFFFFF  }
0xa5: {  	s26 =	simm.s32 $execute0_lowered;
	[smem:$0x3FD2] =	sst s25  }
0xa6: {  	s5 =	sshll.u32 s26, $0x1;
	_ =	strace $0x80000046;
	[dreg:$0x1] =	wrdreg $0xFFFFFFFF  }
0xa7: {  	s28 =	simm.s32 $_size_execute0_lowered;
	s3 =	sadd.s32 s3, s5;
	[dreg:$0x0] =	wrdreg $0x0  }
0xa8: {  	s5 =	sshll.u32 s28, $0x1;
	[dreg:$0x2] =	wrdreg s3  }
0xa9: {  	[dreg:$0x3] =	wrdreg s5  }
0xaa: {  	[dreg:$0x4] =	wrdreg $0xC0  }
0xab: {  	_ =	task [dreg:s7], $0x5FFFF  }
0xac: {  	[dreg:$0x1] =	wrdreg $0xFFFFFFFF  }
0xad: {  	[dreg:$0x0] =	wrdreg $0x60  }
0xae: {  	[dreg:$0x2] =	wrdreg s24  }
0xaf: {  	[dreg:$0x3] =	wrdreg s2  }
0xb0: {  	[dreg:$0x4] =	wrdreg $0x6C000  }
0xb1: {  	[dreg:$0x5] =	wrdreg $0x9  }
0xb2: {  	_ =	task.clear_ibuf [dreg:s7], $0x6FFFF;
	_ =	strace $0x90000046  }
0xb3: {  	s29 =	simm.s32 $0x9;
	_ =	strace $0x80000048  }
0xb4: {  	_ =	swait.ge [sflag:s29], $0x1  }
0xb5: {  	[sflag:s29] =	ssyncadd.s32 $0xFFFFFFFF  }
0xb6: {  	_ =	strace $0x90000048  }
0xb7: {  	_ =	sfence  }
0xb8: {  	s30 =	sld [smem:$0x0];
	_ =	sdelay $0x2  }
0xb9: {  	s31 =	sshll.u32 s1, $0xD;
	s1 =	sshrl.u32 s1, $0x2  }
0xba: {  	s3 =	sand.u32 $0x4000, s31;
	s1 =	sadd.s32 s1, s30  }
0xbb: {  	s0 =	sor.u32 s3, s0;
	s1 =	sshll.u32 s1, $0x11  }
0xbc: {  	s0 =	sor.u32 s1, s0  }
0xbd: {  	s0 =	sadd.s32 $0x8F2B, s0  }
0xbe: {  	[sflag:s0] =	ssyncadd.remote.s32 $0x1  }
0xbf: {  	_ =	sfence.sel $0xFFFF  }
0xc0: {  	[dreg:$0x0] =	wrdreg $0xFFFFFFFF;
	(pc) =	sbr.abs _section_cstart, $3  }
0xc1: {  	[dreg:$0x1] =	wrdreg $0xFFFFFFFF  }
0xc2: {  	_ =	task.clear_ibuf [dreg:s7], $0x2FFFF;
	_ =	strace $0x9FFFFFFF  }
0xc3: {  	(tm) =	ssettm $0x7FFFFFFF  }
tec
execute0_lowered:
.L_overlay_start_1:
0x0: {  	(tag) =	ssettag $0x1  }
0x1: {  	s5 =	rddreg [dreg:$0x0]  }
0x2: {  	s2 =	rddreg [dreg:$0x1]  }
0x3: {  	s3 =	rddreg [dreg:$0x2]  }
0x4: {  	s0 =	rddreg [dreg:$0x3];
	s1 =	stileid.u32  }
0x5: {  	s4 =	simm.s32 $0x0;
	s7 =	srdreg.scid;
	s6 =	smul.u32 $0x580, s1  }
0x6: {  	s15 =	simm.s32 $0x0;
	[smem:$0x7FF] =	sst s4;
	s8 =	smul.u32 $0x2800, s1  }
0x7: {  	s9 =	sand.u32 $0x1, s7;
	s10 =	smul.u32 $0x50000, s1;
	s31 =	sshll.u32 s1, $0x6  }
0x8: {  	_ =	strace $0x80000047;
	s7 =	ssub.s32 $0x2, s9;
	p0 =	seq.s32 s9, $0x1  }
0x9: {  	s11 =	sadd.s32 s6, s5;
	s12 =	sadd.s32 s8, s5;
	s29 =	sshrl.u32 s7, $0x1  }
0xa: {  	s30 =	sshrl.u32 s10, $0x2;
	s6 =	sor.u32 $0x1C01, s31;
	s10 =	simm.s32 $0x5BC00  }
0xb: {  	s8 =	sshll.u32 s9, $0x7;
	s13 =	ssub.s32 s7, s29;
	s14 =	sadd.s32 s30, s3  }
0xc: {  	s5 =	sadd.s32 $0xBC00, s12;
	s7 =	sadd.s32 $0x6400, s11;
	s10 =	simm.s32 @!p0 $0x33C00  }
0xd: {  	s9 =	smax.u32 s13, $0x1;
	s10 =	sadd.s32 s10, s12;
	s11 =	sshrl.u32 s14, $0x3  }
0xe: {  	s12 =	simm.s32 $0x1;
	s13 =	simm.s32 $0x2C00;
	s14 =	simm.s32 $0x80  }
.LBB2_1:
0xf: {  	[spmem:s11], [sflag:s6] =	dma.local [hbm:s5], $0x2800  }
0x10: {  	_ =	swait.ge [sflag:s12], $0x2800  }
0x11: {  	[sflag:s12] =	ssyncset.done $0x0  }
0x12: {  	[sflag:s12] =	ssyncadd.s32 $0xFFFFD800  }
0x13: {  	[tilespmem:s13], [sflag:$0x1] =	stream.linear.gather [hbm4b:s2+s4], $0x4000, $0x38;
	[tilespmem:$0x1AC00] =	vst v63  }
0x14: {  	_ =	swait.ge [sflag:s12], $0x4000  }
0x15: {  	[sflag:s12] =	ssyncset.done $0x0  }
0x16: {  	[sflag:s12] =	ssyncadd.s32 $0xFFFFC000  }
0x17: {  	[tilespmem:s4], [sflag:$0x1] =	stream.linear.gather [hbm4b:s7+s4], $0x2900, $0x38;
	[tilespmem:$0x1AC00] =	vst v63  }
0x18: {  	_ =	swait.ge [sflag:s12], $0x2900  }
0x19: {  	[sflag:s12] =	ssyncset.done $0x0  }
0x1a: {  	[sflag:s12] =	ssyncadd.s32 $0xFFFFD700  }
0x1b: {  	s16 =	sadd.s32 $0x0, s8;
	[bflag:$0x0] =	sbarrier.arrive $0xFFFF  }
0x1c: {  	[spmem:s3] =	stream.indirect.scatter.add.f32 [tilespmem:s13], [sflag:$0x1], $0x80, s16, s14, $0xb8;
	[tilespmem:$0x1AC00] =	vst v63  }
0x1d: {  	s16 =	simm.s32 $0x400;
	_ =	swait.ge [sflag:s12], $0x4000  }
.LBB2_2:
0x1e: {  	s17 =	sshra.s32 s16, $0x2;
	[sflag:s12] =	ssyncset.done $0x0;
	p0 =	sne.s32 s16, $0xA000  }
.Ltmp0:
0x1f: {  	s17 =	sadd.s32 s17, s8;
	[sflag:s12] =	ssyncadd.s32 $0xFFFFC000;
	(pc) =	sbr.rel @p0 .LBB2_2-.Ltmp0, $3  }
0x20: {  	[spmem:s3] =	stream.indirect.scatter.add.f32 [tilespmem:s13], [sflag:$0x1], $0x80, s17, s14, $0xb8;
	[tilespmem:$0x1AC00] =	vst v63  }
0x21: {  	s16 =	sadd.s32 $0x400, s16;
	_ =	sdelay $0x1  }
0x22: {  	_ =	swait.ge [sflag:s12], $0x4000  }
0x23: {  	[sflag:s12] =	ssyncset.done $0x0;
	s15 =	sadd.s32 $0x1, s15  }
0x24: {  	[sflag:s12] =	ssyncadd.s32 $0xFFFFC000;
	p0 =	sne.s32 s15, s9  }
.Ltmp1:
0x25: {  	[bflag:$0x0] =	sbarrier.arrive $0xFFFF;
	(pc) =	sbr.rel @p0 .LBB2_1-.Ltmp1, $4  }
0x26: {  	[hbm:s10], [sflag:s6] =	dma.local [spmem:s11], $0x2800  }
0x27: {  	_ =	swait.ge [sflag:s12], $0x2800  }
0x28: {  	[sflag:s12] =	ssyncset.done $0x0  }
0x29: {  	[sflag:s12] =	ssyncadd.s32 $0xFFFFD800  }
0x2a: {  	_ =	sfence.sel $0x180000  }
0x2b: {  	[bflag:$0x0] =	sbarrier.arrive $0xFFFF  }
0x2c: {  	p0 =	sne.s32 s1, $0x0;
	_ =	strace $0x90000047  }
0x2d: {  	s0 =	sadd.s32 @!p0 $0x100000, s0;
	[bflag:$0x2] =	sbarrier.arrive $0xFFFF  }
0x2e: {  	[sflag:s0] =	ssyncadd.tile.s32 @!p0 $0x1;
	_ =	shalt  }
.Lfunc_end2:
_tile_overlayer_lowered:
.L_overlay_start_2:
0x2f: {  	(tag) =	ssettag $0x2  }
0x30: {  	s0 =	rddreg [dreg:$0x0];
	s2 =	stileid.u32  }
0x31: {  	s1 =	rddreg [dreg:$0x1];
	p0 =	sne.s32 s2, $0x0  }
0x32: {  	s3 =	rddreg [dreg:$0x2];
	[bflag:$0x3] =	sbarrier.arrive $0xFFFF;
	s2 =	simm.s32 @!p0 $0x1C01  }
0x33: {  	[timem:s3], [sflag:s2] =	dma.local @!p0 [hbm:s0], s1  }
0x34: {  	s0 =	simm.s32 @!p0 $0x1  }
0x35: {  	_ =	swait.ge @!p0 [sflag:s0], s1  }
0x36: {  	s1 =	ssub.s32 @!p0 $0x0, s1;
	[sflag:s0] =	ssyncset.done @!p0 $0x0  }
0x37: {  	[sflag:s0] =	ssyncadd.s32 @!p0 s1  }
0x38: {  	[bflag:$0x3] =	sbarrier.arrive $0xFFFF  }
0x39: {  	_ =	shalt  }

// kernel: kernel.13.cloned.1.call-start
scs
__scs_entry_jumppad:
0x0: {  	(pc) =	sbr.rel $0x88, $3  }
0x1: {  	(tag) =	ssettag $0x0;
	lr =	simm.s32 $0x1  }
0x2: {  	[smem:$0x3F97] =	sst lr;
	_ =	strace $0xD0000000  }
0x3: {  	_ = 	snop  }
0x4: {  	_ = 	snop  }
0x5: {  	_ = 	snop  }
0x6: {  	_ = 	snop  }
0x7: {  	_ = 	snop  }
__scs_overlays_trampoline_lowered:
0x8: {  	[smem:$0x3FA6] =	sst s0  }
0x9: {  	[smem:$0x3FA7] =	sst s1  }
0xa: {  	[smem:$0x3FA8] =	sst s2  }
0xb: {  	[smem:$0x3FA9] =	sst s3  }
0xc: {  	[smem:$0x3FAA] =	sst s4  }
0xd: {  	[smem:$0x3FAB] =	sst s5  }
0xe: {  	[smem:$0x3FAC] =	sst s6  }
0xf: {  	[smem:$0x3FAD] =	sst s7  }
0x10: {  	[smem:$0x3FAE] =	sst s8  }
0x11: {  	[smem:$0x3FAF] =	sst s9;
	s0 =	simm.s32 @!p0 $0x0  }
0x12: {  	s1 =	sld [smem:$0x3F95];
	s0 =	simm.s32 @p0 $0x1  }
0x13: {  	[smem:$0x3FB0] =	sst s0;
	s0 =	simm.s32 @!p1 $0x0  }
0x14: {  	s2 =	sld [smem:$0x3F94];
	s0 =	simm.s32 @p1 $0x1  }
0x15: {  	[smem:$0x3FB1] =	sst s0;
	s0 =	simm.s32 @!p2 $0x0  }
0x16: {  	s3 =	sld [smem:$0x3FDB];
	s0 =	simm.s32 @p2 $0x1  }
0x17: {  	s4 =	simm.s32 $0x1BF5;
	[smem:$0x3FB3] =	sst s0  }
0x18: {  	s0 =	sld [smem:$0x3F96];
	_ =	swait.ge [sflag:s4], $0x0  }
0x19: {  	s7 =	sld [smem:$0x3F97]  }
0x1a: {  	s8 =	sadd.s32 $0xFFFFE003, lr  }
0x1b: {  	s9 =	sadd.s32 $0xFFFFFEF7, lr;
	s5 =	simm.s32 $0xFFFFFFFF;
	p2 =	slt.u32 s8, $0xFFFFF086  }
0x1c: {  	p1 =	slt.u32 s9, $0xF7A;
	s5 =	simm.s32 @!p2 $0x0  }
0x1d: {  	s5 =	simm.s32 @p1 $0x1;
	p0 =	seq.s32 s7, s2  }
0x1e: {  	s7 =	smul.u32 @!p0 $0xF7A, s2;
	p2 =	seq.s32 @!p0 s5, $0x0  }
0x1f: {  	s9 =	smul.u32 $0xF7A, s1;
	s8 =	simm.s32 @!p0 $0x1BF5;
	p2 =	por !p2, p0  }
0x20: {  	[sflag:s8] =	ssyncset.s32 @!p0 $0xFFFFF086;
	s6 =	sadd.s32 @!p0 s3, s7;
	s7 =	simm.s32 @!p0 $0x108  }
0x21: {  	s3 =	sadd.s32 s3, s9;
	s6 =	sadd.s32 @!p0 $0x88, s6;
	s7 =	simm.s32 @p2 $0x1082  }
0x22: {  	[simem:s7], [sflag:s8] =	dma.local @!p0 [hbm:s6], $0xF7A  }
0x23: {  	s9 =	sor.u32 $0xD0000000, s2;
	s6 =	simm.s32 $0x108;
	_ =	swait.ge @!p0 [sflag:s8], $0x0  }
0x24: {  	s3 =	sadd.s32 $0x88, s3;
	s6 =	simm.s32 @!p1 $0x1082;
	[sflag:s4] =	ssyncset.s32 $0xFFFFF086  }
0x25: {  	[simem:s6], [sflag:s4] =	dma.local [hbm:s3], $0xF7A  }
0x26: {  	[smem:$0x3F97] =	sst s1;
	(tag) =	ssettag s2;
	_ =	strace s9  }
0x27: {  	s1 =	sld [smem:$0x3FA7]  }
0x28: {  	s2 =	sld [smem:$0x3FA8]  }
0x29: {  	s4 =	sld [smem:$0x3FAA]  }
0x2a: {  	p0 =	seq.s32 s5, $0x0;
	s5 =	sld [smem:$0x3FAB]  }
0x2b: {  	s6 =	sld [smem:$0x3FAC]  }
0x2c: {  	s7 =	sld [smem:$0x3FAD]  }
0x2d: {  	s3 =	simm.s32 $0x108;
	s8 =	sld [smem:$0x3FAE]  }
0x2e: {  	s3 =	simm.s32 @!p0 $0x1082;
	s9 =	sld [smem:$0x3FAF]  }
0x2f: {  	lr =	sadd.s32 s0, s3;
	s0 =	sld [smem:$0x3FA6]  }
0x30: {  	s3 =	sld [smem:$0x3FA9]  }
0x31: {  	[smem:$0x3FB2] =	sst s10  }
0x32: {  	s10 =	sld [smem:$0x3FB0];
	_ =	sdelay $0x3  }
0x33: {  	p0 =	seq.s32 s10, $0x1;
	s10 =	sld [smem:$0x3FB2];
	_ =	sdelay $0x3  }
0x34: {  	[smem:$0x3FB2] =	sst s10  }
0x35: {  	s10 =	sld [smem:$0x3FB1];
	_ =	sdelay $0x3  }
0x36: {  	p1 =	seq.s32 s10, $0x1;
	s10 =	sld [smem:$0x3FB2];
	_ =	sdelay $0x3  }
0x37: {  	[smem:$0x3FB2] =	sst s10  }
0x38: {  	s10 =	sld [smem:$0x3FB3]  }
0x39: {  	_ = 	snop;
	(pc) =	sbr.ind lr, $3  }
0x3a: {  	_ = 	snop  }
0x3b: {  	_ = 	snop  }
0x3c: {  	p2 =	seq.s32 s10, $0x1;
	s10 =	sld [smem:$0x3FB2]  }
0x3d: {  	_ =	shalt  }
0x3e: {  	_ =	shalt  }
0x3f: {  	_ =	shalt  }
0x40: {  	_ =	shalt  }
0x41: {  	_ =	shalt  }
0x42: {  	_ =	shalt  }
0x43: {  	_ =	shalt  }
0x44: {  	_ =	shalt  }
0x45: {  	_ =	shalt  }
0x46: {  	_ =	shalt  }
0x47: {  	_ =	shalt  }
0x48: {  	_ =	shalt  }
0x49: {  	_ =	shalt  }
0x4a: {  	_ =	shalt  }
0x4b: {  	_ =	shalt  }
0x4c: {  	_ =	shalt  }
0x4d: {  	_ =	shalt  }
0x4e: {  	_ =	shalt  }
0x4f: {  	_ =	shalt  }
0x50: {  	_ =	shalt  }
0x51: {  	_ =	shalt  }
0x52: {  	_ =	shalt  }
0x53: {  	_ =	shalt  }
0x54: {  	_ =	shalt  }
0x55: {  	_ =	shalt  }
0x56: {  	_ =	shalt  }
0x57: {  	_ =	shalt  }
0x58: {  	_ =	shalt  }
0x59: {  	_ =	shalt  }
0x5a: {  	_ =	shalt  }
0x5b: {  	_ =	shalt  }
0x5c: {  	_ =	shalt  }
0x5d: {  	_ =	shalt  }
0x5e: {  	_ =	shalt  }
0x5f: {  	_ =	shalt  }
0x60: {  	_ =	shalt  }
0x61: {  	_ =	shalt  }
0x62: {  	_ =	shalt  }
0x63: {  	_ =	shalt  }
0x64: {  	_ =	shalt  }
0x65: {  	_ =	shalt  }
0x66: {  	_ =	shalt  }
0x67: {  	_ =	shalt  }
0x68: {  	_ =	shalt  }
0x69: {  	_ =	shalt  }
0x6a: {  	_ =	shalt  }
0x6b: {  	_ =	shalt  }
0x6c: {  	_ =	shalt  }
0x6d: {  	_ =	shalt  }
0x6e: {  	_ =	shalt  }
0x6f: {  	_ =	shalt  }
0x70: {  	_ =	shalt  }
0x71: {  	_ =	shalt  }
0x72: {  	_ =	shalt  }
0x73: {  	_ =	shalt  }
0x74: {  	_ =	shalt  }
0x75: {  	_ =	shalt  }
0x76: {  	_ =	shalt  }
0x77: {  	_ =	shalt  }
0x78: {  	_ =	shalt  }
0x79: {  	_ =	shalt  }
0x7a: {  	_ =	shalt  }
0x7b: {  	_ =	shalt  }
0x7c: {  	_ =	shalt  }
0x7d: {  	_ =	shalt  }
0x7e: {  	_ =	shalt  }
0x7f: {  	_ =	shalt  }
0x80: {  	_ =	shalt  }
0x81: {  	_ =	shalt  }
0x82: {  	_ =	shalt  }
0x83: {  	_ =	shalt  }
0x84: {  	_ =	shalt  }
0x85: {  	_ =	shalt  }
0x86: {  	_ =	shalt  }
0x87: {  	_ =	shalt  }
.Lfunc_end0:
.L_simem_size_0:
called_computation.1_lowered:
.L_overlay_start_0:
0x88: {  	s2 =	sld [smem:$0x3FD9]  }
0x89: {  	s3 =	sld [smem:$0x3FFE];
	_ =	sdelay $0x1  }
0x8a: {  	s1 =	srdreg.scid  }
0x8b: {  	s0 =	sand.u32 $0x1, s1  }
0x8c: {  	s16 =	sshll.u32 s0, $0xA;
	s2 =	sadd.s32 s3, s2  }
0x8d: {  	s2 =	sadd.s32 s2, s16  }
0x8e: {  	[smem:$0x3FBE] =	sst s2  }
0x8f: {  	_ = 	snop  }
0x90: {  	(tm) =	ssettm $0x1  }
0x91: {  	s17 =	sld [smem:$0x3FFB];
	_ =	sdelay $0x3  }
0x92: {  	_ =	strace s17  }
0x93: {  	s2 =	sld [smem:$0x3FFC];
	_ =	sdelay $0x3  }
0x94: {  	_ =	strace s2  }
0x95: {  	s2 =	sld [smem:$0x3FFD];
	_ =	sdelay $0x3  }
0x96: {  	_ =	strace s2  }
0x97: {  	_ =	strace $0x8FFFFFFF  }
0x98: {  	s18 =	sld [smem:$0x3FDB];
	_ =	sdelay $0x1  }
0x99: {  	s19 =	simm.s32 $_scs_section_size  }
0x9a: {  	s4 =	simm.s32 $_size__tile_overlayer_lowered;
	s5 =	simm.s32 $_tile_overlayer_lowered  }
0x9b: {  	s22 =	simm.s32 $0x1BFF;
	s21 =	sshll.u32 s5, $0x1;
	s2 =	sadd.s32 s19, s18  }
0x9c: {  	s6 =	simm.s32 $0x0;
	s20 =	sshll.u32 s4, $0x1;
	s4 =	sadd.s32 s21, s2  }
0x9d: {  	[timem:s6], [sflag:s22] =	dma.local [hbm:s4], s20  }
0x9e: {  	_ =	swait.ge [sflag:s22], s20  }
0x9f: {  	s3 =	ssub.s32 $0x0, s20;
	[sflag:s22] =	ssyncset.done $0x0  }
0xa0: {  	[sflag:s22] =	ssyncadd.s32 s3;
	_ =	sdelay $0x1  }
0xa1: {  	s23 =	simm.s32 $0x1B8B  }
0xa2: {  	_ =	swait.ge [sflag:s23], $0x1  }
0xa3: {  	[sflag:s23] =	ssyncset.done $0x0  }
0xa4: {  	s25 =	simm.s32 $0x1B8E;
	s24 =	sld [smem:$0x3FFE];
	[sflag:s23] =	ssyncadd.s32 $0xFFFFFFFF  }
0xa5: {  	s26 =	simm.s32 $execute0_lowered;
	[smem:$0x3FD2] =	sst s25  }
0xa6: {  	s4 =	sshll.u32 s26, $0x1;
	_ =	strace $0x80000049;
	[dreg:$0x1] =	wrdreg $0xFFFFFFFF  }
0xa7: {  	s28 =	simm.s32 $_size_execute0_lowered;
	s2 =	sadd.s32 s2, s4;
	[dreg:$0x0] =	wrdreg $0x0  }
0xa8: {  	s4 =	sshll.u32 s28, $0x1;
	[dreg:$0x2] =	wrdreg s2  }
0xa9: {  	[dreg:$0x3] =	wrdreg s4  }
0xaa: {  	[dreg:$0x4] =	wrdreg $0xC0  }
0xab: {  	_ =	task [dreg:s6], $0x5FFFF  }
0xac: {  	[dreg:$0x1] =	wrdreg $0xFFFFFFFF  }
0xad: {  	[dreg:$0x0] =	wrdreg $0x60  }
0xae: {  	[dreg:$0x2] =	wrdreg s24  }
0xaf: {  	[dreg:$0x3] =	wrdreg $0xAD000  }
0xb0: {  	[dreg:$0x4] =	wrdreg $0x9  }
0xb1: {  	_ =	task.clear_ibuf [dreg:s6], $0x5FFFF;
	_ =	strace $0x90000049  }
0xb2: {  	s29 =	simm.s32 $0x9;
	_ =	strace $0x8000004B  }
0xb3: {  	_ =	swait.ge [sflag:s29], $0x1  }
0xb4: {  	[sflag:s29] =	ssyncadd.s32 $0xFFFFFFFF  }
0xb5: {  	_ =	strace $0x9000004B  }
0xb6: {  	_ =	sfence  }
0xb7: {  	s30 =	sld [smem:$0x0];
	_ =	sdelay $0x2  }
0xb8: {  	s31 =	sshll.u32 s1, $0xD;
	s1 =	sshrl.u32 s1, $0x2  }
0xb9: {  	s3 =	sand.u32 $0x4000, s31;
	s1 =	sadd.s32 s1, s30  }
0xba: {  	s0 =	sor.u32 s3, s0;
	s1 =	sshll.u32 s1, $0x11  }
0xbb: {  	s0 =	sor.u32 s1, s0  }
0xbc: {  	s0 =	sadd.s32 $0x8F2B, s0  }
0xbd: {  	[sflag:s0] =	ssyncadd.remote.s32 $0x1  }
0xbe: {  	_ =	sfence.sel $0xFFFF  }
0xbf: {  	[dreg:$0x0] =	wrdreg $0xFFFFFFFF;
	(pc) =	sbr.abs _section_cstart, $3  }
0xc0: {  	[dreg:$0x1] =	wrdreg $0xFFFFFFFF  }
0xc1: {  	_ =	task.clear_ibuf [dreg:s6], $0x2FFFF;
	_ =	strace $0x9FFFFFFF  }
0xc2: {  	(tm) =	ssettm $0x7FFFFFFF  }
0xc3: {  	_ =	shalt  }
tec
execute0_lowered:
.L_overlay_start_1:
0x0: {  	(tag) =	ssettag $0x1  }
0x1: {  	s0 =	rddreg [dreg:$0x0]  }
0x2: {  	s2 =	rddreg [dreg:$0x1]  }
0x3: {  	s3 =	simm.s32 $0x0;
	s9 =	stileid.u32;
	s1 =	srdreg.scid  }
0x4: {  	s17 =	simm.s32 $0x5;
	s18 =	simm.s32 $0x80;
	s19 =	simm.s32 $0x2D00  }
0x5: {  	s20 =	simm.s32 $0x6D00;
	s21 =	simm.s32 $0x2C00;
	s22 =	simm.s32 $0x2C80  }
0x6: {  	s28 =	simm.s32 $0x2;
	s29 =	simm.s32 $0x4;
	s30 =	simm.s32 $0x0  }
0x7: {  	[smem:$0x7FF] =	sst s3;
	s4 =	smul.u32 $0x2C00, s9;
	s5 =	sadd.s32 $0x89400, s0  }
0x8: {  	s6 =	sadd.s32 $0xB0600, s0;
	s7 =	smul.u32 $0x2800, s9;
	s1 =	sand.u32 $0x1, s1  }
0x9: {  	s8 =	sadd.s32 $0x6400, s0;
	s16 =	smul.u32 $0x50000, s9;
	s10 =	sadd.s32 $0xD7A00, s0  }
0xa: {  	s31 =	sshll.u32 s9, $0x6;
	_ =	strace $0x8000004A;
	s13 =	ssub.s32 $0x2, s1  }
0xb: {  	[dreg:$0x3] =	wrdreg s10;
	p0 =	seq.s32 s1, $0x0;
	s23 =	sor.u32 $0x1C05, s31  }
0xc: {  	s12 =	sshrl.u32 s4, $0x3;
	s15 =	sadd.s32 s7, s0;
	s14 =	sshrl.u32 s13, $0x1  }
0xd: {  	s26 =	sshrl.u32 s16, $0x2;
	s11 =	sadd.s32 s12, s0;
	s0 =	sadd.s32 $0xFFA00, s0  }
.Ltmp0:
0xe: {  	s25 =	ssub.s32 s13, s14;
	s12 =	sadd.s32 s8, s12;
	(pc) =	sbr.rel .LBB2_1-.Ltmp0, $4  }
0xf: {  	s24 =	sadd.s32 s26, s2;
	s14 =	smov.u32 s6;
	s15 =	sadd.s32 $0xBC00, s15  }
0x10: {  	s26 =	simm.s32 $0x3;
	[dreg:$0x4] =	wrdreg s0;
	s11 =	sadd.s32 $0x83C00, s11  }
0x11: {  	s13 =	sadd.s32 $0x10, s12;
	s16 =	smax.u32 s25, $0x1;
	s14 =	smov.u32 @p0 s5  }
0x12: {  	p0 =	sne.s32 s1, $0x0;
	s24 =	sshrl.u32 s24, $0x3;
	s25 =	simm.s32 $0x1  }
.LBB2_7:
0x13: {  	s0 =	sadd.s32 s8, s1  }
0x14: {  	[tilespmem:s22], [sflag:$0x4] =	stream.linear.gather [hbm4b:s0+s3], $0x80, $0x38;
	[tilespmem:$0x1ED00] =	vst v63  }
0x15: {  	s0 =	rddreg [dreg:$0x4]  }
.LBB2_8:
0x16: {  	_ =	swait.ge [sflag:s25], $0x4000  }
0x17: {  	[sflag:s25] =	ssyncset.done $0x0  }
0x18: {  	[sflag:s25] =	ssyncadd.s32 $0xFFFFC000  }
0x19: {  	_ =	swait.ge [sflag:s28], $0x4000  }
0x1a: {  	[sflag:s28] =	ssyncset.done $0x0  }
0x1b: {  	[sflag:s28] =	ssyncadd.s32 $0xFFFFC000  }
0x1c: {  	_ =	swait.ge [sflag:s26], $0x80  }
0x1d: {  	[sflag:s26] =	ssyncset.done $0x0  }
0x1e: {  	[sflag:s26] =	ssyncadd.s32 $0xFFFFFF80  }
0x1f: {  	_ =	swait.ge [sflag:s29], $0x80  }
0x20: {  	s30 =	sadd.s32 $0x1, s30;
	[sflag:s29] =	ssyncset.done $0x0  }
0x21: {  	p1 =	sne.s32 s30, s16;
	[sflag:s29] =	ssyncadd.s32 $0xFFFFFF80  }
.Ltmp1:
0x22: {  	s0 =	sadd.s32 s0, s7;
	[bflag:$0x0] =	sbarrier.arrive $0xFFFF;
	(pc) =	sbr.rel @!p1 .LBB2_9-.Ltmp1, $4  }
0x23: {  	[hbm:s0], [sflag:s23] =	dma.local [spmem:s24], $0x2800  }
0x24: {  	_ =	swait.ge [sflag:s17], $0x2800  }
0x25: {  	[sflag:s17] =	ssyncset.done $0x0  }
0x26: {  	[sflag:s17] =	ssyncadd.s32 $0xFFFFD800  }
.LBB2_1:
0x27: {  	[tilespmem:s3], [sflag:$0x5] =	stream.linear.gather [hbm4b:s11+s3], $0x2900, $0x38;
	[tilespmem:$0x1ED00] =	vst v63  }
0x28: {  	_ =	swait.ge [sflag:s17], $0x2900  }
0x29: {  	[sflag:s17] =	ssyncset.done $0x0  }
0x2a: {  	[sflag:s17] =	ssyncadd.s32 $0xFFFFD700  }
0x2b: {  	[tilespmem:s19], [sflag:$0x1] =	stream.indirect.gather [hbm4b:s14+s18], $0x80, s3, s18, $0xb8;
	[tilespmem:$0x1ED00] =	vst v63  }
0x2c: {  	_ = 	snop  }
0x2d: {  	[tilespmem:s20], [sflag:$0x2] =	stream.indirect.gather [hbm4b:s14+s18], $0x80, s18, s18, $0xb8;
	[tilespmem:$0x1ED00] =	vst v63  }
0x2e: {  	_ = 	snop  }
0x2f: {  	[tilespmem:s21], [sflag:$0x3] =	stream.linear.gather [hbm4b:s12+s3], $0x80, $0x38;
	[tilespmem:$0x1ED00] =	vst v63  }
0x30: {  	_ = 	snop  }
0x31: {  	[tilespmem:s22], [sflag:$0x4] =	stream.linear.gather [hbm4b:s13+s3], $0x80, $0x38;
	[tilespmem:$0x1ED00] =	vst v63  }
0x32: {  	[spmem:s24], [sflag:s23] =	dma.local [hbm:s15], $0x2800  }
.Ltmp2:
0x33: {  	_ =	swait.ge [sflag:s17], $0x2800;
	(pc) =	sbr.rel @p0 .LBB2_5-.Ltmp2, $4  }
0x34: {  	[sflag:s17] =	ssyncset.done $0x0  }
0x35: {  	[sflag:s17] =	ssyncadd.s32 $0xFFFFD800  }
0x36: {  	[bflag:$0x0] =	sbarrier.arrive $0xFFFF  }
0x37: {  	s0 =	simm.s32 $0x180;
	s31 =	simm.s32 $0x100  }
0x38: {  	_ =	swait.ge [sflag:s25], $0x4000  }
0x39: {  	[sflag:s25] =	ssyncset.done $0x0  }
0x3a: {  	[sflag:s25] =	ssyncadd.s32 $0xFFFFC000  }
0x3b: {  	_ =	swait.ge [sflag:s26], $0x80  }
0x3c: {  	s1 =	simm.s32 $0x100;
	[sflag:s26] =	ssyncset.done $0x0  }
0x3d: {  	s9 =	sand.u32 $0x7C00, s1;
	[sflag:s26] =	ssyncadd.s32 $0xFFFFFF80  }
0x3e: {  	[spmem:s2] =	stream.indirect.scatter.add.f32 [tilespmem:s19], [sflag:$0x5], $0x80, s21, s18, $0xb8;
	[tilespmem:$0x1ED00] =	vst v63  }
0x3f: {  	s1 =	sand.u32 $0x300, s1;
	s9 =	sadd.s32 s4, s9;
	_ =	swait.ge [sflag:s17], $0x4000  }
0x40: {  	s1 =	sor.u32 s1, s9;
	[sflag:s17] =	ssyncset.done $0x0  }
0x41: {  	s1 =	sshrl.u32 s1, $0x3;
	[sflag:s17] =	ssyncadd.s32 $0xFFFFC000  }
0x42: {  	[tilespmem:s19], [sflag:$0x1] =	stream.indirect.gather [hbm4b:s5+s18], $0x80, s31, s18, $0xb8;
	[tilespmem:$0x1ED00] =	vst v63  }
0x43: {  	s1 =	sadd.s32 s8, s1  }
0x44: {  	[tilespmem:s21], [sflag:$0x3] =	stream.linear.gather [hbm4b:s1+s3], $0x80, $0x38;
	[tilespmem:$0x1ED00] =	vst v63  }
0x45: {  	_ =	swait.ge [sflag:s28], $0x4000  }
0x46: {  	[sflag:s28] =	ssyncset.done $0x0  }
0x47: {  	[sflag:s28] =	ssyncadd.s32 $0xFFFFC000  }
0x48: {  	_ =	swait.ge [sflag:s29], $0x80  }
0x49: {  	[sflag:s29] =	ssyncset.done $0x0  }
0x4a: {  	s9 =	sand.u32 $0x7C00, s0;
	[sflag:s29] =	ssyncadd.s32 $0xFFFFFF80  }
0x4b: {  	[spmem:s2] =	stream.indirect.scatter.add.f32 [tilespmem:s20], [sflag:$0x5], $0x80, s22, s18, $0xb8;
	[tilespmem:$0x1ED00] =	vst v63  }
0x4c: {  	s0 =	sand.u32 $0x380, s0;
	s1 =	sadd.s32 s4, s9;
	_ =	swait.ge [sflag:s17], $0x4000  }
0x4d: {  	s10 =	simm.s32 $0x180;
	s1 =	sor.u32 s0, s1;
	[sflag:s17] =	ssyncset.done $0x0  }
0x4e: {  	s0 =	simm.s32 $0x280;
	s1 =	sshrl.u32 s1, $0x3;
	[sflag:s17] =	ssyncadd.s32 $0xFFFFC000  }
0x4f: {  	[tilespmem:s20], [sflag:$0x2] =	stream.indirect.gather [hbm4b:s5+s18], $0x80, s10, s18, $0xb8;
	[tilespmem:$0x1ED00] =	vst v63  }
.LBB2_3:
0x50: {  	p1 =	seq.s32 s0, $0x2880;
	s1 =	sadd.s32 s8, s1;
	s31 =	sadd.s32 $0x100, s31  }
0x51: {  	[tilespmem:s22], [sflag:$0x4] =	stream.linear.gather [hbm4b:s1+s3], $0x80, $0x38;
	[tilespmem:$0x1ED00] =	vst v63  }
0x52: {  	s1 =	smov.u32 s0;
	s0 =	sadd.s32 $0x100, s0;
	_ =	swait.ge [sflag:s25], $0x4000  }
0x53: {  	[sflag:s25] =	ssyncset.done $0x0  }
0x54: {  	[sflag:s25] =	ssyncadd.s32 $0xFFFFC000  }
0x55: {  	_ =	swait.ge [sflag:s26], $0x80  }
0x56: {  	[sflag:s26] =	ssyncset.done $0x0  }
0x57: {  	s9 =	sadd.s32 $0xFFFFFF80, s1;
	[sflag:s26] =	ssyncadd.s32 $0xFFFFFF80  }
0x58: {  	[spmem:s2] =	stream.indirect.scatter.add.f32 [tilespmem:s19], [sflag:$0x5], $0x80, s21, s18, $0xb8;
	[tilespmem:$0x1ED00] =	vst v63  }
0x59: {  	s10 =	sand.u32 $0x7C00, s9;
	_ =	swait.ge [sflag:s17], $0x4000  }
0x5a: {  	s9 =	sand.u32 $0x300, s9;
	s10 =	sadd.s32 s4, s10;
	[sflag:s17] =	ssyncset.done $0x0  }
0x5b: {  	s9 =	sor.u32 s9, s10;
	[sflag:s17] =	ssyncadd.s32 $0xFFFFC000  }
0x5c: {  	[tilespmem:s19], [sflag:$0x1] =	stream.indirect.gather [hbm4b:s5+s18], $0x80, s31, s18, $0xb8;
	[tilespmem:$0x1ED00] =	vst v63  }
0x5d: {  	s9 =	sshrl.u32 s9, $0x3  }
0x5e: {  	s9 =	sadd.s32 s8, s9  }
0x5f: {  	[tilespmem:s21], [sflag:$0x3] =	stream.linear.gather [hbm4b:s9+s3], $0x80, $0x38;
	[tilespmem:$0x1ED00] =	vst v63  }
0x60: {  	_ =	swait.ge [sflag:s28], $0x4000  }
0x61: {  	[sflag:s28] =	ssyncset.done $0x0  }
0x62: {  	[sflag:s28] =	ssyncadd.s32 $0xFFFFC000  }
0x63: {  	_ =	swait.ge [sflag:s29], $0x80  }
0x64: {  	[sflag:s29] =	ssyncset.done $0x0  }
0x65: {  	s9 =	sand.u32 $0x7C00, s1;
	[sflag:s29] =	ssyncadd.s32 $0xFFFFFF80  }
0x66: {  	[spmem:s2] =	stream.indirect.scatter.add.f32 [tilespmem:s20], [sflag:$0x5], $0x80, s22, s18, $0xb8;
	[tilespmem:$0x1ED00] =	vst v63  }
.Ltmp3:
0x67: {  	_ = 	snop;
	(pc) =	sbr.rel @!p1 .LBB2_3-.Ltmp3, $4  }
0x68: {  	s1 =	sand.u32 $0x380, s1;
	s9 =	sadd.s32 s4, s9;
	_ =	swait.ge [sflag:s17], $0x4000  }
0x69: {  	s1 =	sor.u32 s1, s9;
	[sflag:s17] =	ssyncset.done $0x0  }
0x6a: {  	s9 =	sadd.s32 $0x80, s31;
	s1 =	sshrl.u32 s1, $0x3;
	[sflag:s17] =	ssyncadd.s32 $0xFFFFC000  }
0x6b: {  	[tilespmem:s20], [sflag:$0x2] =	stream.indirect.gather [hbm4b:s5+s18], $0x80, s9, s18, $0xb8;
	[tilespmem:$0x1ED00] =	vst v63  }
.Ltmp4:
0x6c: {  	(pc) =	sbr.rel .LBB2_8-.Ltmp4, $4  }
0x6d: {  	_ = 	snop  }
0x6e: {  	s0 =	sadd.s32 s8, s1  }
0x6f: {  	[tilespmem:s22], [sflag:$0x4] =	stream.linear.gather [hbm4b:s0+s3], $0x80, $0x38;
	[tilespmem:$0x1ED00] =	vst v63  }
0x70: {  	s0 =	rddreg [dreg:$0x3]  }
.LBB2_5:
0x71: {  	_ =	swait.ge [sflag:s25], $0x4000  }
0x72: {  	[sflag:s25] =	ssyncset.done $0x0  }
0x73: {  	[sflag:s25] =	ssyncadd.s32 $0xFFFFC000  }
0x74: {  	_ =	swait.ge [sflag:s26], $0x80  }
0x75: {  	s1 =	simm.s32 $0x100;
	[sflag:s26] =	ssyncset.done $0x0  }
0x76: {  	s9 =	sand.u32 $0x7C00, s1;
	[sflag:s26] =	ssyncadd.s32 $0xFFFFFF80  }
0x77: {  	[spmem:s2] =	stream.indirect.scatter.add.f32 [tilespmem:s19], [sflag:$0x5], $0x80, s21, s18, $0xb8;
	[tilespmem:$0x1ED00] =	vst v63  }
0x78: {  	s1 =	sand.u32 $0x300, s1;
	s9 =	sadd.s32 s4, s9;
	_ =	swait.ge [sflag:s17], $0x4000  }
0x79: {  	s1 =	sor.u32 s1, s9;
	[sflag:s17] =	ssyncset.done $0x0  }
0x7a: {  	s1 =	sshrl.u32 s1, $0x3;
	[sflag:s17] =	ssyncadd.s32 $0xFFFFC000  }
0x7b: {  	[tilespmem:s19], [sflag:$0x1] =	stream.indirect.gather [hbm4b:s6+s18], $0x80, s31, s18, $0xb8;
	[tilespmem:$0x1ED00] =	vst v63  }
0x7c: {  	s1 =	sadd.s32 s8, s1  }
0x7d: {  	[tilespmem:s21], [sflag:$0x3] =	stream.linear.gather [hbm4b:s1+s3], $0x80, $0x38;
	[tilespmem:$0x1ED00] =	vst v63  }
0x7e: {  	_ =	swait.ge [sflag:s28], $0x4000  }
0x7f: {  	[sflag:s28] =	ssyncset.done $0x0  }
0x80: {  	[sflag:s28] =	ssyncadd.s32 $0xFFFFC000  }
0x81: {  	_ =	swait.ge [sflag:s29], $0x80  }
0x82: {  	[sflag:s29] =	ssyncset.done $0x0  }
0x83: {  	s9 =	sand.u32 $0x7C00, s0;
	[sflag:s29] =	ssyncadd.s32 $0xFFFFFF80  }
0x84: {  	[spmem:s2] =	stream.indirect.scatter.add.f32 [tilespmem:s20], [sflag:$0x5], $0x80, s22, s18, $0xb8;
	[tilespmem:$0x1ED00] =	vst v63  }
0x85: {  	s0 =	sand.u32 $0x380, s0;
	s1 =	sadd.s32 s4, s9;
	_ =	swait.ge [sflag:s17], $0x4000  }
0x86: {  	s10 =	simm.s32 $0x180;
	s1 =	sor.u32 s0, s1;
	[sflag:s17] =	ssyncset.done $0x0  }
0x87: {  	s0 =	simm.s32 $0x280;
	s1 =	sshrl.u32 s1, $0x3;
	[sflag:s17] =	ssyncadd.s32 $0xFFFFC000  }
0x88: {  	[tilespmem:s20], [sflag:$0x2] =	stream.indirect.gather [hbm4b:s6+s18], $0x80, s10, s18, $0xb8;
	[tilespmem:$0x1ED00] =	vst v63  }
.LBB2_6:
0x89: {  	p1 =	sne.s32 s0, $0x2880;
	s1 =	sadd.s32 s8, s1;
	s31 =	sadd.s32 $0x100, s31  }
0x8a: {  	[tilespmem:s22], [sflag:$0x4] =	stream.linear.gather [hbm4b:s1+s3], $0x80, $0x38;
	[tilespmem:$0x1ED00] =	vst v63  }
0x8b: {  	s1 =	smov.u32 s0;
	s0 =	sadd.s32 $0x100, s0;
	_ =	swait.ge [sflag:s25], $0x4000  }
0x8c: {  	[sflag:s25] =	ssyncset.done $0x0  }
0x8d: {  	[sflag:s25] =	ssyncadd.s32 $0xFFFFC000  }
0x8e: {  	_ =	swait.ge [sflag:s26], $0x80  }
0x8f: {  	[sflag:s26] =	ssyncset.done $0x0  }
0x90: {  	s9 =	sadd.s32 $0xFFFFFF80, s1;
	[sflag:s26] =	ssyncadd.s32 $0xFFFFFF80  }
0x91: {  	[spmem:s2] =	stream.indirect.scatter.add.f32 [tilespmem:s19], [sflag:$0x5], $0x80, s21, s18, $0xb8;
	[tilespmem:$0x1ED00] =	vst v63  }
0x92: {  	s10 =	sand.u32 $0x7C00, s9;
	_ =	swait.ge [sflag:s17], $0x4000  }
0x93: {  	s9 =	sand.u32 $0x300, s9;
	s10 =	sadd.s32 s4, s10;
	[sflag:s17] =	ssyncset.done $0x0  }
0x94: {  	s9 =	sor.u32 s9, s10;
	[sflag:s17] =	ssyncadd.s32 $0xFFFFC000  }
0x95: {  	[tilespmem:s19], [sflag:$0x1] =	stream.indirect.gather [hbm4b:s6+s18], $0x80, s31, s18, $0xb8;
	[tilespmem:$0x1ED00] =	vst v63  }
0x96: {  	s9 =	sshrl.u32 s9, $0x3  }
0x97: {  	s9 =	sadd.s32 s8, s9  }
0x98: {  	[tilespmem:s21], [sflag:$0x3] =	stream.linear.gather [hbm4b:s9+s3], $0x80, $0x38;
	[tilespmem:$0x1ED00] =	vst v63  }
0x99: {  	_ =	swait.ge [sflag:s28], $0x4000  }
0x9a: {  	[sflag:s28] =	ssyncset.done $0x0  }
0x9b: {  	[sflag:s28] =	ssyncadd.s32 $0xFFFFC000  }
0x9c: {  	_ =	swait.ge [sflag:s29], $0x80  }
0x9d: {  	[sflag:s29] =	ssyncset.done $0x0  }
0x9e: {  	s9 =	sand.u32 $0x7C00, s1;
	[sflag:s29] =	ssyncadd.s32 $0xFFFFFF80  }
0x9f: {  	[spmem:s2] =	stream.indirect.scatter.add.f32 [tilespmem:s20], [sflag:$0x5], $0x80, s22, s18, $0xb8;
	[tilespmem:$0x1ED00] =	vst v63  }
.Ltmp5:
0xa0: {  	_ = 	snop;
	(pc) =	sbr.rel @p1 .LBB2_6-.Ltmp5, $4  }
0xa1: {  	s1 =	sand.u32 $0x380, s1;
	s9 =	sadd.s32 s4, s9;
	_ =	swait.ge [sflag:s17], $0x4000  }
0xa2: {  	s1 =	sor.u32 s1, s9;
	[sflag:s17] =	ssyncset.done $0x0  }
0xa3: {  	s9 =	sadd.s32 $0x80, s31;
	s1 =	sshrl.u32 s1, $0x3;
	[sflag:s17] =	ssyncadd.s32 $0xFFFFC000  }
0xa4: {  	[tilespmem:s20], [sflag:$0x2] =	stream.indirect.gather [hbm4b:s6+s18], $0x80, s9, s18, $0xb8;
	[tilespmem:$0x1ED00] =	vst v63  }
.Ltmp6:
0xa5: {  	_ = 	snop;
	(pc) =	sbr.rel .LBB2_7-.Ltmp6, $1  }
0xa6: {  	_ =	sdelay $0x3  }
.LBB2_9:
0xa7: {  	_ =	sfence.sel $0x180000  }
0xa8: {  	[bflag:$0x0] =	sbarrier.arrive $0xFFFF  }
0xa9: {  	_ =	strace $0x9000004A  }
0xaa: {  	s0 =	stileid.u32;
	[bflag:$0x2] =	sbarrier.arrive $0xFFFF  }
0xab: {  	p0 =	sne.s32 s0, $0x0;
	s0 =	rddreg [dreg:$0x2]  }
0xac: {  	s0 =	sadd.s32 @!p0 $0x100000, s0  }
0xad: {  	[sflag:s0] =	ssyncadd.tile.s32 @!p0 $0x1;
	_ =	shalt  }
.Lfunc_end2:
_tile_overlayer_lowered:
.L_overlay_start_2:
0xae: {  	(tag) =	ssettag $0x2  }
0xaf: {  	s0 =	rddreg [dreg:$0x0];
	s2 =	stileid.u32  }
0xb0: {  	s1 =	rddreg [dreg:$0x1];
	p0 =	sne.s32 s2, $0x0  }
0xb1: {  	s3 =	rddreg [dreg:$0x2];
	[bflag:$0x3] =	sbarrier.arrive $0xFFFF;
	s2 =	simm.s32 @!p0 $0x1C05  }
0xb2: {  	[timem:s3], [sflag:s2] =	dma.local @!p0 [hbm:s0], s1  }
0xb3: {  	s0 =	simm.s32 @!p0 $0x5  }
0xb4: {  	_ =	swait.ge @!p0 [sflag:s0], s1  }
0xb5: {  	s1 =	ssub.s32 @!p0 $0x0, s1;
	[sflag:s0] =	ssyncset.done @!p0 $0x0  }
0xb6: {  	[sflag:s0] =	ssyncadd.s32 @!p0 s1  }
0xb7: {  	[bflag:$0x3] =	sbarrier.arrive $0xFFFF  }
0xb8: {  	_ =	shalt  }

// kernel: kernel.16.cloned.1.call-start
scs
__scs_entry_jumppad:
0x0: {  	(pc) =	sbr.rel $0x88, $3  }
0x1: {  	(tag) =	ssettag $0x0;
	lr =	simm.s32 $0x1  }
0x2: {  	[smem:$0x3F97] =	sst lr;
	_ =	strace $0xD0000000  }
0x3: {  	_ = 	snop  }
0x4: {  	_ = 	snop  }
0x5: {  	_ = 	snop  }
0x6: {  	_ = 	snop  }
0x7: {  	_ = 	snop  }
__scs_overlays_trampoline_lowered:
0x8: {  	[smem:$0x3FA6] =	sst s0  }
0x9: {  	[smem:$0x3FA7] =	sst s1  }
0xa: {  	[smem:$0x3FA8] =	sst s2  }
0xb: {  	[smem:$0x3FA9] =	sst s3  }
0xc: {  	[smem:$0x3FAA] =	sst s4  }
0xd: {  	[smem:$0x3FAB] =	sst s5  }
0xe: {  	[smem:$0x3FAC] =	sst s6  }
0xf: {  	[smem:$0x3FAD] =	sst s7  }
0x10: {  	[smem:$0x3FAE] =	sst s8  }
0x11: {  	[smem:$0x3FAF] =	sst s9;
	s0 =	simm.s32 @!p0 $0x0  }
0x12: {  	s1 =	sld [smem:$0x3F95];
	s0 =	simm.s32 @p0 $0x1  }
0x13: {  	[smem:$0x3FB0] =	sst s0;
	s0 =	simm.s32 @!p1 $0x0  }
0x14: {  	s2 =	sld [smem:$0x3F94];
	s0 =	simm.s32 @p1 $0x1  }
0x15: {  	[smem:$0x3FB1] =	sst s0;
	s0 =	simm.s32 @!p2 $0x0  }
0x16: {  	s3 =	sld [smem:$0x3FDB];
	s0 =	simm.s32 @p2 $0x1  }
0x17: {  	s4 =	simm.s32 $0x1BF5;
	[smem:$0x3FB3] =	sst s0  }
0x18: {  	s0 =	sld [smem:$0x3F96];
	_ =	swait.ge [sflag:s4], $0x0  }
0x19: {  	s7 =	sld [smem:$0x3F97]  }
0x1a: {  	s8 =	sadd.s32 $0xFFFFE003, lr  }
0x1b: {  	s9 =	sadd.s32 $0xFFFFFEF7, lr;
	s5 =	simm.s32 $0xFFFFFFFF;
	p2 =	slt.u32 s8, $0xFFFFF086  }
0x1c: {  	p1 =	slt.u32 s9, $0xF7A;
	s5 =	simm.s32 @!p2 $0x0  }
0x1d: {  	s5 =	simm.s32 @p1 $0x1;
	p0 =	seq.s32 s7, s2  }
0x1e: {  	s7 =	smul.u32 @!p0 $0xF7A, s2;
	p2 =	seq.s32 @!p0 s5, $0x0  }
0x1f: {  	s9 =	smul.u32 $0xF7A, s1;
	s8 =	simm.s32 @!p0 $0x1BF5;
	p2 =	por !p2, p0  }
0x20: {  	[sflag:s8] =	ssyncset.s32 @!p0 $0xFFFFF086;
	s6 =	sadd.s32 @!p0 s3, s7;
	s7 =	simm.s32 @!p0 $0x108  }
0x21: {  	s3 =	sadd.s32 s3, s9;
	s6 =	sadd.s32 @!p0 $0x88, s6;
	s7 =	simm.s32 @p2 $0x1082  }
0x22: {  	[simem:s7], [sflag:s8] =	dma.local @!p0 [hbm:s6], $0xF7A  }
0x23: {  	s9 =	sor.u32 $0xD0000000, s2;
	s6 =	simm.s32 $0x108;
	_ =	swait.ge @!p0 [sflag:s8], $0x0  }
0x24: {  	s3 =	sadd.s32 $0x88, s3;
	s6 =	simm.s32 @!p1 $0x1082;
	[sflag:s4] =	ssyncset.s32 $0xFFFFF086  }
0x25: {  	[simem:s6], [sflag:s4] =	dma.local [hbm:s3], $0xF7A  }
0x26: {  	[smem:$0x3F97] =	sst s1;
	(tag) =	ssettag s2;
	_ =	strace s9  }
0x27: {  	s1 =	sld [smem:$0x3FA7]  }
0x28: {  	s2 =	sld [smem:$0x3FA8]  }
0x29: {  	s4 =	sld [smem:$0x3FAA]  }
0x2a: {  	p0 =	seq.s32 s5, $0x0;
	s5 =	sld [smem:$0x3FAB]  }
0x2b: {  	s6 =	sld [smem:$0x3FAC]  }
0x2c: {  	s7 =	sld [smem:$0x3FAD]  }
0x2d: {  	s3 =	simm.s32 $0x108;
	s8 =	sld [smem:$0x3FAE]  }
0x2e: {  	s3 =	simm.s32 @!p0 $0x1082;
	s9 =	sld [smem:$0x3FAF]  }
0x2f: {  	lr =	sadd.s32 s0, s3;
	s0 =	sld [smem:$0x3FA6]  }
0x30: {  	s3 =	sld [smem:$0x3FA9]  }
0x31: {  	[smem:$0x3FB2] =	sst s10  }
0x32: {  	s10 =	sld [smem:$0x3FB0];
	_ =	sdelay $0x3  }
0x33: {  	p0 =	seq.s32 s10, $0x1;
	s10 =	sld [smem:$0x3FB2];
	_ =	sdelay $0x3  }
0x34: {  	[smem:$0x3FB2] =	sst s10  }
0x35: {  	s10 =	sld [smem:$0x3FB1];
	_ =	sdelay $0x3  }
0x36: {  	p1 =	seq.s32 s10, $0x1;
	s10 =	sld [smem:$0x3FB2];
	_ =	sdelay $0x3  }
0x37: {  	[smem:$0x3FB2] =	sst s10  }
0x38: {  	s10 =	sld [smem:$0x3FB3]  }
0x39: {  	_ = 	snop;
	(pc) =	sbr.ind lr, $3  }
0x3a: {  	_ = 	snop  }
0x3b: {  	_ = 	snop  }
0x3c: {  	p2 =	seq.s32 s10, $0x1;
	s10 =	sld [smem:$0x3FB2]  }
0x3d: {  	_ =	shalt  }
0x3e: {  	_ =	shalt  }
0x3f: {  	_ =	shalt  }
0x40: {  	_ =	shalt  }
0x41: {  	_ =	shalt  }
0x42: {  	_ =	shalt  }
0x43: {  	_ =	shalt  }
0x44: {  	_ =	shalt  }
0x45: {  	_ =	shalt  }
0x46: {  	_ =	shalt  }
0x47: {  	_ =	shalt  }
0x48: {  	_ =	shalt  }
0x49: {  	_ =	shalt  }
0x4a: {  	_ =	shalt  }
0x4b: {  	_ =	shalt  }
0x4c: {  	_ =	shalt  }
0x4d: {  	_ =	shalt  }
0x4e: {  	_ =	shalt  }
0x4f: {  	_ =	shalt  }
0x50: {  	_ =	shalt  }
0x51: {  	_ =	shalt  }
0x52: {  	_ =	shalt  }
0x53: {  	_ =	shalt  }
0x54: {  	_ =	shalt  }
0x55: {  	_ =	shalt  }
0x56: {  	_ =	shalt  }
0x57: {  	_ =	shalt  }
0x58: {  	_ =	shalt  }
0x59: {  	_ =	shalt  }
0x5a: {  	_ =	shalt  }
0x5b: {  	_ =	shalt  }
0x5c: {  	_ =	shalt  }
0x5d: {  	_ =	shalt  }
0x5e: {  	_ =	shalt  }
0x5f: {  	_ =	shalt  }
0x60: {  	_ =	shalt  }
0x61: {  	_ =	shalt  }
0x62: {  	_ =	shalt  }
0x63: {  	_ =	shalt  }
0x64: {  	_ =	shalt  }
0x65: {  	_ =	shalt  }
0x66: {  	_ =	shalt  }
0x67: {  	_ =	shalt  }
0x68: {  	_ =	shalt  }
0x69: {  	_ =	shalt  }
0x6a: {  	_ =	shalt  }
0x6b: {  	_ =	shalt  }
0x6c: {  	_ =	shalt  }
0x6d: {  	_ =	shalt  }
0x6e: {  	_ =	shalt  }
0x6f: {  	_ =	shalt  }
0x70: {  	_ =	shalt  }
0x71: {  	_ =	shalt  }
0x72: {  	_ =	shalt  }
0x73: {  	_ =	shalt  }
0x74: {  	_ =	shalt  }
0x75: {  	_ =	shalt  }
0x76: {  	_ =	shalt  }
0x77: {  	_ =	shalt  }
0x78: {  	_ =	shalt  }
0x79: {  	_ =	shalt  }
0x7a: {  	_ =	shalt  }
0x7b: {  	_ =	shalt  }
0x7c: {  	_ =	shalt  }
0x7d: {  	_ =	shalt  }
0x7e: {  	_ =	shalt  }
0x7f: {  	_ =	shalt  }
0x80: {  	_ =	shalt  }
0x81: {  	_ =	shalt  }
0x82: {  	_ =	shalt  }
0x83: {  	_ =	shalt  }
0x84: {  	_ =	shalt  }
0x85: {  	_ =	shalt  }
0x86: {  	_ =	shalt  }
0x87: {  	_ =	shalt  }
.Lfunc_end0:
.L_simem_size_0:
called_computation.2_lowered:
.L_overlay_start_0:
0x88: {  	s2 =	sld [smem:$0x3FD9]  }
0x89: {  	s3 =	sld [smem:$0x3FFE];
	_ =	sdelay $0x1  }
0x8a: {  	s1 =	srdreg.scid  }
0x8b: {  	s0 =	sand.u32 $0x1, s1  }
0x8c: {  	s17 =	sshll.u32 s0, $0xA;
	s2 =	sadd.s32 s3, s2  }
0x8d: {  	s2 =	sadd.s32 s2, s17  }
0x8e: {  	[smem:$0x3FBE] =	sst s2  }
0x8f: {  	_ = 	snop  }
0x90: {  	s2 =	sld [smem:$0x3FD0];
	(tm) =	ssettm $0x1  }
0x91: {  	s18 =	sld [smem:$0x3FFB];
	_ =	sdelay $0x3  }
0x92: {  	_ =	strace s18  }
0x93: {  	s3 =	sld [smem:$0x3FFC];
	_ =	sdelay $0x3  }
0x94: {  	_ =	strace s3  }
0x95: {  	s3 =	sld [smem:$0x3FFD];
	_ =	sdelay $0x3  }
0x96: {  	_ =	strace s3  }
0x97: {  	_ =	strace $0x8FFFFFFF  }
0x98: {  	s19 =	sld [smem:$0x3FDB];
	_ =	sdelay $0x1  }
0x99: {  	s4 =	simm.s32 $_scs_section_size  }
0x9a: {  	s5 =	simm.s32 $_size__tile_overlayer_lowered;
	s6 =	simm.s32 $_tile_overlayer_lowered  }
0x9b: {  	s22 =	simm.s32 $0x1BFF;
	s21 =	sshll.u32 s6, $0x1;
	s3 =	sadd.s32 s4, s19  }
0x9c: {  	s7 =	simm.s32 $0x0;
	s20 =	sshll.u32 s5, $0x1;
	s5 =	sadd.s32 s21, s3  }
0x9d: {  	[timem:s7], [sflag:s22] =	dma.local [hbm:s5], s20  }
0x9e: {  	_ =	swait.ge [sflag:s22], s20  }
0x9f: {  	s4 =	ssub.s32 $0x0, s20;
	[sflag:s22] =	ssyncset.done $0x0  }
0xa0: {  	[sflag:s22] =	ssyncadd.s32 s4;
	_ =	sdelay $0x1  }
0xa1: {  	s23 =	simm.s32 $0x1B8B  }
0xa2: {  	_ =	swait.ge [sflag:s23], $0x1  }
0xa3: {  	[sflag:s23] =	ssyncset.done $0x0  }
0xa4: {  	s25 =	simm.s32 $0x1B8E;
	s24 =	sld [smem:$0x3FFE];
	[sflag:s23] =	ssyncadd.s32 $0xFFFFFFFF  }
0xa5: {  	s26 =	simm.s32 $execute0_lowered;
	[smem:$0x3FD2] =	sst s25  }
0xa6: {  	s5 =	sshll.u32 s26, $0x1;
	_ =	strace $0x8000004C;
	[dreg:$0x1] =	wrdreg $0xFFFFFFFF  }
0xa7: {  	s28 =	simm.s32 $_size_execute0_lowered;
	s3 =	sadd.s32 s3, s5;
	[dreg:$0x0] =	wrdreg $0x0  }
0xa8: {  	s5 =	sshll.u32 s28, $0x1;
	[dreg:$0x2] =	wrdreg s3  }
0xa9: {  	[dreg:$0x3] =	wrdreg s5  }
0xaa: {  	[dreg:$0x4] =	wrdreg $0xC0  }
0xab: {  	_ =	task [dreg:s7], $0x5FFFF  }
0xac: {  	[dreg:$0x1] =	wrdreg $0xFFFFFFFF  }
0xad: {  	[dreg:$0x0] =	wrdreg $0x60  }
0xae: {  	[dreg:$0x2] =	wrdreg s24  }
0xaf: {  	[dreg:$0x3] =	wrdreg s2  }
0xb0: {  	[dreg:$0x4] =	wrdreg $0xAD000  }
0xb1: {  	[dreg:$0x5] =	wrdreg $0x9  }
0xb2: {  	_ =	task.clear_ibuf [dreg:s7], $0x6FFFF;
	_ =	strace $0x9000004C  }
0xb3: {  	s29 =	simm.s32 $0x9;
	_ =	strace $0x8000004E  }
0xb4: {  	_ =	swait.ge [sflag:s29], $0x1  }
0xb5: {  	[sflag:s29] =	ssyncadd.s32 $0xFFFFFFFF  }
0xb6: {  	_ =	strace $0x9000004E  }
0xb7: {  	_ =	sfence  }
0xb8: {  	s30 =	sld [smem:$0x0];
	_ =	sdelay $0x2  }
0xb9: {  	s31 =	sshll.u32 s1, $0xD;
	s1 =	sshrl.u32 s1, $0x2  }
0xba: {  	s3 =	sand.u32 $0x4000, s31;
	s1 =	sadd.s32 s1, s30  }
0xbb: {  	s0 =	sor.u32 s3, s0;
	s1 =	sshll.u32 s1, $0x11  }
0xbc: {  	s0 =	sor.u32 s1, s0  }
0xbd: {  	s0 =	sadd.s32 $0x8F2B, s0  }
0xbe: {  	[sflag:s0] =	ssyncadd.remote.s32 $0x1  }
0xbf: {  	_ =	sfence.sel $0xFFFF  }
0xc0: {  	[dreg:$0x0] =	wrdreg $0xFFFFFFFF;
	(pc) =	sbr.abs _section_cstart, $3  }
0xc1: {  	[dreg:$0x1] =	wrdreg $0xFFFFFFFF  }
0xc2: {  	_ =	task.clear_ibuf [dreg:s7], $0x2FFFF;
	_ =	strace $0x9FFFFFFF  }
0xc3: {  	(tm) =	ssettm $0x7FFFFFFF  }
tec
execute0_lowered:
.L_overlay_start_1:
0x0: {  	(tag) =	ssettag $0x1  }
0x1: {  	s0 =	rddreg [dreg:$0x0]  }
0x2: {  	s3 =	rddreg [dreg:$0x2];
	s4 =	simm.s32 $0x0  }
0x3: {  	s2 =	stileid.u32;
	s1 =	srdreg.scid;
	s17 =	simm.s32 $0x5  }
0x4: {  	s18 =	simm.s32 $0x80;
	s19 =	simm.s32 $0x2D00;
	s20 =	simm.s32 $0x6D00  }
0x5: {  	s21 =	simm.s32 $0x2C00;
	s22 =	simm.s32 $0x2C80;
	s28 =	simm.s32 $0x2  }
0x6: {  	s29 =	simm.s32 $0x4;
	s30 =	simm.s32 $0x0;
	[smem:$0x7FF] =	sst s4  }
0x7: {  	s5 =	smul.u32 $0x2C00, s2;
	s6 =	sadd.s32 $0x89400, s0;
	s7 =	sadd.s32 $0xB0600, s0  }
0x8: {  	s1 =	sand.u32 $0x1, s1;
	s8 =	smul.u32 $0x2800, s2;
	s9 =	sadd.s32 $0x6400, s0  }
0x9: {  	s15 =	smul.u32 $0x50000, s2;
	s31 =	sshll.u32 s2, $0x6;
	_ =	strace $0x8000004D  }
0xa: {  	s13 =	ssub.s32 $0x2, s1;
	p0 =	seq.s32 s1, $0x0;
	s23 =	sor.u32 $0x1C05, s31  }
0xb: {  	s12 =	sshrl.u32 s5, $0x3;
	s14 =	sshrl.u32 s13, $0x1;
	s16 =	sadd.s32 s8, s0  }
0xc: {  	s26 =	sshrl.u32 s15, $0x2;
	s11 =	sadd.s32 s12, s0;
	s0 =	sadd.s32 $0xD7A00, s0  }
.Ltmp0:
0xd: {  	s25 =	ssub.s32 s13, s14;
	s12 =	sadd.s32 s9, s12;
	(pc) =	sbr.rel .LBB2_1-.Ltmp0, $4  }
0xe: {  	s24 =	sadd.s32 s26, s3;
	s14 =	smov.u32 s7;
	s15 =	sadd.s32 $0xBC00, s16  }
0xf: {  	s26 =	simm.s32 $0x3;
	[dreg:$0x4] =	wrdreg s0;
	s11 =	sadd.s32 $0x83C00, s11  }
0x10: {  	s13 =	sadd.s32 $0x10, s12;
	s16 =	smax.u32 s25, $0x1;
	s14 =	smov.u32 @p0 s6  }
0x11: {  	p0 =	sne.s32 s1, $0x0;
	s24 =	sshrl.u32 s24, $0x3;
	s25 =	simm.s32 $0x1  }
.LBB2_7:
0x12: {  	s0 =	sadd.s32 s9, s1  }
0x13: {  	[tilespmem:s22], [sflag:$0x4] =	stream.linear.gather [hbm4b:s0+s4], $0x80, $0x38;
	[tilespmem:$0x1ED00] =	vst v63  }
0x14: {  	s0 =	rddreg [dreg:$0x4]  }
.LBB2_8:
0x15: {  	_ =	swait.ge [sflag:s25], $0x4000  }
0x16: {  	[sflag:s25] =	ssyncset.done $0x0  }
0x17: {  	[sflag:s25] =	ssyncadd.s32 $0xFFFFC000  }
0x18: {  	_ =	swait.ge [sflag:s28], $0x4000  }
0x19: {  	[sflag:s28] =	ssyncset.done $0x0  }
0x1a: {  	[sflag:s28] =	ssyncadd.s32 $0xFFFFC000  }
0x1b: {  	_ =	swait.ge [sflag:s26], $0x80  }
0x1c: {  	[sflag:s26] =	ssyncset.done $0x0  }
0x1d: {  	[sflag:s26] =	ssyncadd.s32 $0xFFFFFF80  }
0x1e: {  	_ =	swait.ge [sflag:s29], $0x80  }
0x1f: {  	s30 =	sadd.s32 $0x1, s30;
	[sflag:s29] =	ssyncset.done $0x0  }
0x20: {  	p1 =	sne.s32 s30, s16;
	[sflag:s29] =	ssyncadd.s32 $0xFFFFFF80  }
.Ltmp1:
0x21: {  	s0 =	sadd.s32 s0, s8;
	[bflag:$0x0] =	sbarrier.arrive $0xFFFF;
	(pc) =	sbr.rel @!p1 .LBB2_9-.Ltmp1, $4  }
0x22: {  	[hbm:s0], [sflag:s23] =	dma.local [spmem:s24], $0x2800  }
0x23: {  	_ =	swait.ge [sflag:s17], $0x2800  }
0x24: {  	[sflag:s17] =	ssyncset.done $0x0  }
0x25: {  	[sflag:s17] =	ssyncadd.s32 $0xFFFFD800  }
.LBB2_1:
0x26: {  	[tilespmem:s4], [sflag:$0x5] =	stream.linear.gather [hbm4b:s11+s4], $0x2900, $0x38;
	[tilespmem:$0x1ED00] =	vst v63  }
0x27: {  	_ =	swait.ge [sflag:s17], $0x2900  }
0x28: {  	[sflag:s17] =	ssyncset.done $0x0  }
0x29: {  	[sflag:s17] =	ssyncadd.s32 $0xFFFFD700  }
0x2a: {  	[tilespmem:s19], [sflag:$0x1] =	stream.indirect.gather [hbm4b:s14+s18], $0x80, s4, s18, $0xb8;
	[tilespmem:$0x1ED00] =	vst v63  }
0x2b: {  	_ = 	snop  }
0x2c: {  	[tilespmem:s20], [sflag:$0x2] =	stream.indirect.gather [hbm4b:s14+s18], $0x80, s18, s18, $0xb8;
	[tilespmem:$0x1ED00] =	vst v63  }
0x2d: {  	_ = 	snop  }
0x2e: {  	[tilespmem:s21], [sflag:$0x3] =	stream.linear.gather [hbm4b:s12+s4], $0x80, $0x38;
	[tilespmem:$0x1ED00] =	vst v63  }
0x2f: {  	_ = 	snop  }
0x30: {  	[tilespmem:s22], [sflag:$0x4] =	stream.linear.gather [hbm4b:s13+s4], $0x80, $0x38;
	[tilespmem:$0x1ED00] =	vst v63  }
0x31: {  	[spmem:s24], [sflag:s23] =	dma.local [hbm:s15], $0x2800  }
.Ltmp2:
0x32: {  	_ =	swait.ge [sflag:s17], $0x2800;
	(pc) =	sbr.rel @p0 .LBB2_5-.Ltmp2, $4  }
0x33: {  	[sflag:s17] =	ssyncset.done $0x0  }
0x34: {  	[sflag:s17] =	ssyncadd.s32 $0xFFFFD800  }
0x35: {  	[bflag:$0x0] =	sbarrier.arrive $0xFFFF  }
0x36: {  	s0 =	simm.s32 $0x180;
	s31 =	simm.s32 $0x100  }
0x37: {  	_ =	swait.ge [sflag:s25], $0x4000  }
0x38: {  	[sflag:s25] =	ssyncset.done $0x0  }
0x39: {  	[sflag:s25] =	ssyncadd.s32 $0xFFFFC000  }
0x3a: {  	_ =	swait.ge [sflag:s26], $0x80  }
0x3b: {  	s1 =	simm.s32 $0x100;
	[sflag:s26] =	ssyncset.done $0x0  }
0x3c: {  	s2 =	sand.u32 $0x7C00, s1;
	[sflag:s26] =	ssyncadd.s32 $0xFFFFFF80  }
0x3d: {  	[spmem:s3] =	stream.indirect.scatter.add.f32 [tilespmem:s19], [sflag:$0x5], $0x80, s21, s18, $0xb8;
	[tilespmem:$0x1ED00] =	vst v63  }
0x3e: {  	s1 =	sand.u32 $0x300, s1;
	s2 =	sadd.s32 s5, s2;
	_ =	swait.ge [sflag:s17], $0x4000  }
0x3f: {  	s1 =	sor.u32 s1, s2;
	[sflag:s17] =	ssyncset.done $0x0  }
0x40: {  	s1 =	sshrl.u32 s1, $0x3;
	[sflag:s17] =	ssyncadd.s32 $0xFFFFC000  }
0x41: {  	[tilespmem:s19], [sflag:$0x1] =	stream.indirect.gather [hbm4b:s6+s18], $0x80, s31, s18, $0xb8;
	[tilespmem:$0x1ED00] =	vst v63  }
0x42: {  	s1 =	sadd.s32 s9, s1  }
0x43: {  	[tilespmem:s21], [sflag:$0x3] =	stream.linear.gather [hbm4b:s1+s4], $0x80, $0x38;
	[tilespmem:$0x1ED00] =	vst v63  }
0x44: {  	_ =	swait.ge [sflag:s28], $0x4000  }
0x45: {  	[sflag:s28] =	ssyncset.done $0x0  }
0x46: {  	[sflag:s28] =	ssyncadd.s32 $0xFFFFC000  }
0x47: {  	_ =	swait.ge [sflag:s29], $0x80  }
0x48: {  	[sflag:s29] =	ssyncset.done $0x0  }
0x49: {  	s2 =	sand.u32 $0x7C00, s0;
	[sflag:s29] =	ssyncadd.s32 $0xFFFFFF80  }
0x4a: {  	[spmem:s3] =	stream.indirect.scatter.add.f32 [tilespmem:s20], [sflag:$0x5], $0x80, s22, s18, $0xb8;
	[tilespmem:$0x1ED00] =	vst v63  }
0x4b: {  	s0 =	sand.u32 $0x380, s0;
	s1 =	sadd.s32 s5, s2;
	_ =	swait.ge [sflag:s17], $0x4000  }
0x4c: {  	s10 =	simm.s32 $0x180;
	s1 =	sor.u32 s0, s1;
	[sflag:s17] =	ssyncset.done $0x0  }
0x4d: {  	s0 =	simm.s32 $0x280;
	s1 =	sshrl.u32 s1, $0x3;
	[sflag:s17] =	ssyncadd.s32 $0xFFFFC000  }
0x4e: {  	[tilespmem:s20], [sflag:$0x2] =	stream.indirect.gather [hbm4b:s6+s18], $0x80, s10, s18, $0xb8;
	[tilespmem:$0x1ED00] =	vst v63  }
.LBB2_3:
0x4f: {  	p1 =	seq.s32 s0, $0x2880;
	s1 =	sadd.s32 s9, s1;
	s31 =	sadd.s32 $0x100, s31  }
0x50: {  	[tilespmem:s22], [sflag:$0x4] =	stream.linear.gather [hbm4b:s1+s4], $0x80, $0x38;
	[tilespmem:$0x1ED00] =	vst v63  }
0x51: {  	s1 =	smov.u32 s0;
	s0 =	sadd.s32 $0x100, s0;
	_ =	swait.ge [sflag:s25], $0x4000  }
0x52: {  	[sflag:s25] =	ssyncset.done $0x0  }
0x53: {  	[sflag:s25] =	ssyncadd.s32 $0xFFFFC000  }
0x54: {  	_ =	swait.ge [sflag:s26], $0x80  }
0x55: {  	[sflag:s26] =	ssyncset.done $0x0  }
0x56: {  	s2 =	sadd.s32 $0xFFFFFF80, s1;
	[sflag:s26] =	ssyncadd.s32 $0xFFFFFF80  }
0x57: {  	[spmem:s3] =	stream.indirect.scatter.add.f32 [tilespmem:s19], [sflag:$0x5], $0x80, s21, s18, $0xb8;
	[tilespmem:$0x1ED00] =	vst v63  }
0x58: {  	s10 =	sand.u32 $0x7C00, s2;
	_ =	swait.ge [sflag:s17], $0x4000  }
0x59: {  	s2 =	sand.u32 $0x300, s2;
	s10 =	sadd.s32 s5, s10;
	[sflag:s17] =	ssyncset.done $0x0  }
0x5a: {  	s2 =	sor.u32 s2, s10;
	[sflag:s17] =	ssyncadd.s32 $0xFFFFC000  }
0x5b: {  	[tilespmem:s19], [sflag:$0x1] =	stream.indirect.gather [hbm4b:s6+s18], $0x80, s31, s18, $0xb8;
	[tilespmem:$0x1ED00] =	vst v63  }
0x5c: {  	s2 =	sshrl.u32 s2, $0x3  }
0x5d: {  	s2 =	sadd.s32 s9, s2  }
0x5e: {  	[tilespmem:s21], [sflag:$0x3] =	stream.linear.gather [hbm4b:s2+s4], $0x80, $0x38;
	[tilespmem:$0x1ED00] =	vst v63  }
0x5f: {  	_ =	swait.ge [sflag:s28], $0x4000  }
0x60: {  	[sflag:s28] =	ssyncset.done $0x0  }
0x61: {  	[sflag:s28] =	ssyncadd.s32 $0xFFFFC000  }
0x62: {  	_ =	swait.ge [sflag:s29], $0x80  }
0x63: {  	[sflag:s29] =	ssyncset.done $0x0  }
0x64: {  	s2 =	sand.u32 $0x7C00, s1;
	[sflag:s29] =	ssyncadd.s32 $0xFFFFFF80  }
0x65: {  	[spmem:s3] =	stream.indirect.scatter.add.f32 [tilespmem:s20], [sflag:$0x5], $0x80, s22, s18, $0xb8;
	[tilespmem:$0x1ED00] =	vst v63  }
.Ltmp3:
0x66: {  	_ = 	snop;
	(pc) =	sbr.rel @!p1 .LBB2_3-.Ltmp3, $4  }
0x67: {  	s1 =	sand.u32 $0x380, s1;
	s2 =	sadd.s32 s5, s2;
	_ =	swait.ge [sflag:s17], $0x4000  }
0x68: {  	s1 =	sor.u32 s1, s2;
	[sflag:s17] =	ssyncset.done $0x0  }
0x69: {  	s2 =	sadd.s32 $0x80, s31;
	s1 =	sshrl.u32 s1, $0x3;
	[sflag:s17] =	ssyncadd.s32 $0xFFFFC000  }
0x6a: {  	[tilespmem:s20], [sflag:$0x2] =	stream.indirect.gather [hbm4b:s6+s18], $0x80, s2, s18, $0xb8;
	[tilespmem:$0x1ED00] =	vst v63  }
.Ltmp4:
0x6b: {  	(pc) =	sbr.rel .LBB2_8-.Ltmp4, $4  }
0x6c: {  	_ = 	snop  }
0x6d: {  	s0 =	sadd.s32 s9, s1  }
0x6e: {  	[tilespmem:s22], [sflag:$0x4] =	stream.linear.gather [hbm4b:s0+s4], $0x80, $0x38;
	[tilespmem:$0x1ED00] =	vst v63  }
0x6f: {  	s0 =	rddreg [dreg:$0x1]  }
.LBB2_5:
0x70: {  	_ =	swait.ge [sflag:s25], $0x4000  }
0x71: {  	[sflag:s25] =	ssyncset.done $0x0  }
0x72: {  	[sflag:s25] =	ssyncadd.s32 $0xFFFFC000  }
0x73: {  	_ =	swait.ge [sflag:s26], $0x80  }
0x74: {  	s1 =	simm.s32 $0x100;
	[sflag:s26] =	ssyncset.done $0x0  }
0x75: {  	s2 =	sand.u32 $0x7C00, s1;
	[sflag:s26] =	ssyncadd.s32 $0xFFFFFF80  }
0x76: {  	[spmem:s3] =	stream.indirect.scatter.add.f32 [tilespmem:s19], [sflag:$0x5], $0x80, s21, s18, $0xb8;
	[tilespmem:$0x1ED00] =	vst v63  }
0x77: {  	s1 =	sand.u32 $0x300, s1;
	s2 =	sadd.s32 s5, s2;
	_ =	swait.ge [sflag:s17], $0x4000  }
0x78: {  	s1 =	sor.u32 s1, s2;
	[sflag:s17] =	ssyncset.done $0x0  }
0x79: {  	s1 =	sshrl.u32 s1, $0x3;
	[sflag:s17] =	ssyncadd.s32 $0xFFFFC000  }
0x7a: {  	[tilespmem:s19], [sflag:$0x1] =	stream.indirect.gather [hbm4b:s7+s18], $0x80, s31, s18, $0xb8;
	[tilespmem:$0x1ED00] =	vst v63  }
0x7b: {  	s1 =	sadd.s32 s9, s1  }
0x7c: {  	[tilespmem:s21], [sflag:$0x3] =	stream.linear.gather [hbm4b:s1+s4], $0x80, $0x38;
	[tilespmem:$0x1ED00] =	vst v63  }
0x7d: {  	_ =	swait.ge [sflag:s28], $0x4000  }
0x7e: {  	[sflag:s28] =	ssyncset.done $0x0  }
0x7f: {  	[sflag:s28] =	ssyncadd.s32 $0xFFFFC000  }
0x80: {  	_ =	swait.ge [sflag:s29], $0x80  }
0x81: {  	[sflag:s29] =	ssyncset.done $0x0  }
0x82: {  	s2 =	sand.u32 $0x7C00, s0;
	[sflag:s29] =	ssyncadd.s32 $0xFFFFFF80  }
0x83: {  	[spmem:s3] =	stream.indirect.scatter.add.f32 [tilespmem:s20], [sflag:$0x5], $0x80, s22, s18, $0xb8;
	[tilespmem:$0x1ED00] =	vst v63  }
0x84: {  	s0 =	sand.u32 $0x380, s0;
	s1 =	sadd.s32 s5, s2;
	_ =	swait.ge [sflag:s17], $0x4000  }
0x85: {  	s10 =	simm.s32 $0x180;
	s1 =	sor.u32 s0, s1;
	[sflag:s17] =	ssyncset.done $0x0  }
0x86: {  	s0 =	simm.s32 $0x280;
	s1 =	sshrl.u32 s1, $0x3;
	[sflag:s17] =	ssyncadd.s32 $0xFFFFC000  }
0x87: {  	[tilespmem:s20], [sflag:$0x2] =	stream.indirect.gather [hbm4b:s7+s18], $0x80, s10, s18, $0xb8;
	[tilespmem:$0x1ED00] =	vst v63  }
.LBB2_6:
0x88: {  	p1 =	sne.s32 s0, $0x2880;
	s1 =	sadd.s32 s9, s1;
	s31 =	sadd.s32 $0x100, s31  }
0x89: {  	[tilespmem:s22], [sflag:$0x4] =	stream.linear.gather [hbm4b:s1+s4], $0x80, $0x38;
	[tilespmem:$0x1ED00] =	vst v63  }
0x8a: {  	s1 =	smov.u32 s0;
	s0 =	sadd.s32 $0x100, s0;
	_ =	swait.ge [sflag:s25], $0x4000  }
0x8b: {  	[sflag:s25] =	ssyncset.done $0x0  }
0x8c: {  	[sflag:s25] =	ssyncadd.s32 $0xFFFFC000  }
0x8d: {  	_ =	swait.ge [sflag:s26], $0x80  }
0x8e: {  	[sflag:s26] =	ssyncset.done $0x0  }
0x8f: {  	s2 =	sadd.s32 $0xFFFFFF80, s1;
	[sflag:s26] =	ssyncadd.s32 $0xFFFFFF80  }
0x90: {  	[spmem:s3] =	stream.indirect.scatter.add.f32 [tilespmem:s19], [sflag:$0x5], $0x80, s21, s18, $0xb8;
	[tilespmem:$0x1ED00] =	vst v63  }
0x91: {  	s10 =	sand.u32 $0x7C00, s2;
	_ =	swait.ge [sflag:s17], $0x4000  }
0x92: {  	s2 =	sand.u32 $0x300, s2;
	s10 =	sadd.s32 s5, s10;
	[sflag:s17] =	ssyncset.done $0x0  }
0x93: {  	s2 =	sor.u32 s2, s10;
	[sflag:s17] =	ssyncadd.s32 $0xFFFFC000  }
0x94: {  	[tilespmem:s19], [sflag:$0x1] =	stream.indirect.gather [hbm4b:s7+s18], $0x80, s31, s18, $0xb8;
	[tilespmem:$0x1ED00] =	vst v63  }
0x95: {  	s2 =	sshrl.u32 s2, $0x3  }
0x96: {  	s2 =	sadd.s32 s9, s2  }
0x97: {  	[tilespmem:s21], [sflag:$0x3] =	stream.linear.gather [hbm4b:s2+s4], $0x80, $0x38;
	[tilespmem:$0x1ED00] =	vst v63  }
0x98: {  	_ =	swait.ge [sflag:s28], $0x4000  }
0x99: {  	[sflag:s28] =	ssyncset.done $0x0  }
0x9a: {  	[sflag:s28] =	ssyncadd.s32 $0xFFFFC000  }
0x9b: {  	_ =	swait.ge [sflag:s29], $0x80  }
0x9c: {  	[sflag:s29] =	ssyncset.done $0x0  }
0x9d: {  	s2 =	sand.u32 $0x7C00, s1;
	[sflag:s29] =	ssyncadd.s32 $0xFFFFFF80  }
0x9e: {  	[spmem:s3] =	stream.indirect.scatter.add.f32 [tilespmem:s20], [sflag:$0x5], $0x80, s22, s18, $0xb8;
	[tilespmem:$0x1ED00] =	vst v63  }
.Ltmp5:
0x9f: {  	_ = 	snop;
	(pc) =	sbr.rel @p1 .LBB2_6-.Ltmp5, $4  }
0xa0: {  	s1 =	sand.u32 $0x380, s1;
	s2 =	sadd.s32 s5, s2;
	_ =	swait.ge [sflag:s17], $0x4000  }
0xa1: {  	s1 =	sor.u32 s1, s2;
	[sflag:s17] =	ssyncset.done $0x0  }
0xa2: {  	s2 =	sadd.s32 $0x80, s31;
	s1 =	sshrl.u32 s1, $0x3;
	[sflag:s17] =	ssyncadd.s32 $0xFFFFC000  }
0xa3: {  	[tilespmem:s20], [sflag:$0x2] =	stream.indirect.gather [hbm4b:s7+s18], $0x80, s2, s18, $0xb8;
	[tilespmem:$0x1ED00] =	vst v63  }
.Ltmp6:
0xa4: {  	_ = 	snop;
	(pc) =	sbr.rel .LBB2_7-.Ltmp6, $1  }
0xa5: {  	_ =	sdelay $0x3  }
.LBB2_9:
0xa6: {  	_ =	sfence.sel $0x180000  }
0xa7: {  	[bflag:$0x0] =	sbarrier.arrive $0xFFFF  }
0xa8: {  	_ =	strace $0x9000004D  }
0xa9: {  	s0 =	stileid.u32;
	[bflag:$0x2] =	sbarrier.arrive $0xFFFF  }
0xaa: {  	p0 =	sne.s32 s0, $0x0;
	s0 =	rddreg [dreg:$0x3]  }
0xab: {  	s0 =	sadd.s32 @!p0 $0x100000, s0  }
0xac: {  	[sflag:s0] =	ssyncadd.tile.s32 @!p0 $0x1;
	_ =	shalt  }
.Lfunc_end2:
_tile_overlayer_lowered:
.L_overlay_start_2:
0xad: {  	(tag) =	ssettag $0x2  }
0xae: {  	s0 =	rddreg [dreg:$0x0];
	s2 =	stileid.u32  }
0xaf: {  	s1 =	rddreg [dreg:$0x1];
	p0 =	sne.s32 s2, $0x0  }
0xb0: {  	s3 =	rddreg [dreg:$0x2];
	[bflag:$0x3] =	sbarrier.arrive $0xFFFF;
	s2 =	simm.s32 @!p0 $0x1C05  }
0xb1: {  	[timem:s3], [sflag:s2] =	dma.local @!p0 [hbm:s0], s1  }
0xb2: {  	s0 =	simm.s32 @!p0 $0x5  }
0xb3: {  	_ =	swait.ge @!p0 [sflag:s0], s1  }
0xb4: {  	s1 =	ssub.s32 @!p0 $0x0, s1;
	[sflag:s0] =	ssyncset.done @!p0 $0x0  }
0xb5: {  	[sflag:s0] =	ssyncadd.s32 @!p0 s1  }
0xb6: {  	[bflag:$0x3] =	sbarrier.arrive $0xFFFF  }
0xb7: {  	_ =	shalt  }

</sc_bundles>
